<compile_context>
chip_gen: v7x
topology: tpu7x:2x2x1
jax: 0.10.2.dev20260603
libtpu: 0.0.44.dev20260713+nightly
codegen_flags: <defaults>
</compile_context>

<pallas_src>
import functools

import jax
import jax.numpy as jnp
from jax import lax
from jax.experimental import pallas as pl
from jax.experimental.pallas import tpu as pltpu
from jax.experimental.pallas import tpu_sc as plsc

NC = 2
NS = 16
NW = NC * NS
K = 64
SCH = 8


def _zero_vmem_2d(ref, rows, cols):
    zv = jnp.zeros((16,), jnp.float32)

    def body(i, _):
        for k in range(cols // 16):
            ref[i, pl.ds(16 * k, 16)] = zv
        return 0

    lax.fori_loop(0, rows, body, 0)


def _zero_vmem_1d(ref, n):
    zv = jnp.zeros((16,), jnp.float32)

    def body(i, _):
        ref[pl.ds(16 * i, 16)] = zv
        return 0

    lax.fori_loop(0, n // 16, body, 0)


DEG_K = 128
DEG_SCH = 16


def _make_deg_kernel(n_pad, supers):
    per_tile = n_pad // NS
    mesh = plsc.VectorSubcoreMesh(core_axis_name="c", subcore_axis_name="s")

    @functools.partial(
        pl.kernel,
        out_type=jax.ShapeDtypeStruct((NC, n_pad), jnp.float32),
        mesh=mesh,
        scratch_types=[
            pltpu.VMEM((2, DEG_SCH, DEG_K), jnp.int32),
            pltpu.VMEM((DEG_K,), jnp.float32),
            pltpu.VMEM((per_tile,), jnp.float32),
            pltpu.VMEM_SHARED((n_pad,), jnp.float32),
            pltpu.SemaphoreType.DMA,
            pltpu.SemaphoreType.DMA,
        ],
    )
    def deg_kernel(rows_hbm, deg_out, rowb, ones_v, zv, deg_sh, sem_i,
                   sem_a):
        c = lax.axis_index("c")
        s = lax.axis_index("s")
        wid = c * NS + s
        ov = jnp.ones((16,), jnp.float32)
        for k in range(DEG_K // 16):
            ones_v[pl.ds(16 * k, 16)] = ov
        _zero_vmem_1d(zv, per_tile)
        pltpu.sync_copy(zv, deg_sh.at[pl.ds(per_tile * s, per_tile)])
        plsc.subcore_barrier()

        pltpu.sync_copy(rows_hbm.at[wid, 0], rowb.at[0])

        def super_body(u, _):
            p = lax.rem(u, 2)

            @pl.when(u > 0)
            def _():
                pltpu.make_async_copy(
                    rows_hbm.at[wid, u], rowb.at[p], sem_i).wait()

            @pl.when(u + 1 < supers)
            def _():
                pltpu.async_copy(rows_hbm.at[wid, u + 1], rowb.at[1 - p],
                                 sem_i)

            for j in range(DEG_SCH):
                pltpu.async_copy(ones_v, deg_sh.at[rowb.at[p, j]], sem_a,
                                 add=True)
            for j in range(DEG_SCH):
                pltpu.make_async_copy(ones_v, deg_sh.at[rowb.at[p, j]],
                                      sem_a).wait()
            return 0

        lax.fori_loop(0, supers, super_body, 0)
        plsc.subcore_barrier()
        pltpu.sync_copy(deg_sh.at[pl.ds(per_tile * s, per_tile)],
                        deg_out.at[c, pl.ds(per_tile * s, per_tile)])

    return deg_kernel


def _make_agg_kernel(n, n_pad, d, supers):
    per_tile = n_pad // NS
    mesh = plsc.VectorSubcoreMesh(core_axis_name="c", subcore_axis_name="s")

    @functools.partial(
        pl.kernel,
        out_type=jax.ShapeDtypeStruct((NC, n_pad, d), jnp.float32),
        mesh=mesh,
        scratch_types=[
            pltpu.VMEM((2, SCH, K), jnp.int32),
            pltpu.VMEM((2, SCH, K), jnp.int32),
            pltpu.VMEM((4, K, d), jnp.float32),
            pltpu.VMEM_SHARED((n_pad, d), jnp.float32),
            pltpu.SemaphoreType.DMA,
            pltpu.SemaphoreType.DMA,
            pltpu.SemaphoreType.DMA,
            pltpu.SemaphoreType.DMA,
            pltpu.SemaphoreType.DMA,
            pltpu.SemaphoreType.DMA,
            pltpu.SemaphoreType.DMA,
            pltpu.SemaphoreType.DMA,
            pltpu.SemaphoreType.DMA,
        ],
    )
    def agg_kernel(xs_hbm, cols_hbm, rows_hbm, acc_out,
                   colb, rowb, ring, acc_sh,
                   sem_i, g0, g1, g2, g3, s0, s1, s2, s3):
        c = lax.axis_index("c")
        s = lax.axis_index("s")
        wid = c * NS + s
        gsem = (g0, g1, g2, g3)
        ssem = (s0, s1, s2, s3)

        _zero_vmem_2d(ring.at[0], K, d)
        for t in range(per_tile // K):
            pltpu.sync_copy(ring.at[0],
                            acc_sh.at[pl.ds(per_tile * s + K * t, K)])
        plsc.subcore_barrier()

        pltpu.sync_copy(cols_hbm.at[wid, 0], colb.at[0])
        pltpu.sync_copy(rows_hbm.at[wid, 0], rowb.at[0])

        def step(u, p, jj, first):
            b = jj % 4
            bq = (jj + 2) % 4
            if (not first) or jj >= 4:
                pltpu.make_async_copy(
                    ring.at[b], acc_sh.at[rowb.at[p, jj]], ssem[b]).wait()
            pltpu.async_copy(xs_hbm.at[colb.at[p, jj]], ring.at[b], gsem[b])
            if (not first) or jj >= 2:
                qjj = (jj - 2) % SCH
                qp = p if jj >= 2 else 1 - p
                pltpu.make_async_copy(
                    xs_hbm.at[colb.at[qp, qjj]], ring.at[bq],
                    gsem[bq]).wait()
                pltpu.async_copy(ring.at[bq], acc_sh.at[rowb.at[qp, qjj]],
                                 ssem[bq], add=True)
            if jj == 4:
                if first:
                    if supers > 1:
                        pltpu.async_copy(cols_hbm.at[wid, 1], colb.at[1],
                                         sem_i)
                        pltpu.async_copy(rows_hbm.at[wid, 1], rowb.at[1],
                                         sem_i)
                else:
                    @pl.when(u + 1 < supers)
                    def _():
                        pltpu.async_copy(cols_hbm.at[wid, u + 1],
                                         colb.at[1 - p], sem_i)
                        pltpu.async_copy(rows_hbm.at[wid, u + 1],
                                         rowb.at[1 - p], sem_i)

        for jj in range(SCH):
            step(0, 0, jj, True)

        def super_body(u, _):
            p = lax.rem(u, 2)
            pltpu.make_async_copy(cols_hbm.at[wid, u], colb.at[p],
                                  sem_i).wait()
            pltpu.make_async_copy(rows_hbm.at[wid, u], rowb.at[p],
                                  sem_i).wait()
            for jj in range(SCH):
                step(u, p, jj, False)
            return 0

        lax.fori_loop(1, supers, super_body, 0)

        p_last = (supers - 1) % 2
        for qjj in (SCH - 2, SCH - 1):
            bq = qjj % 4
            pltpu.make_async_copy(
                xs_hbm.at[colb.at[p_last, qjj]], ring.at[bq],
                gsem[bq]).wait()
            pltpu.async_copy(ring.at[bq], acc_sh.at[rowb.at[p_last, qjj]],
                             ssem[bq], add=True)
        for b in range(4):
            pltpu.make_async_copy(
                ring.at[b], acc_sh.at[rowb.at[0, 0]], ssem[b]).wait()

        plsc.subcore_barrier()
        pltpu.sync_copy(acc_sh.at[pl.ds(per_tile * s, per_tile)],
                        acc_out.at[c, pl.ds(per_tile * s, per_tile)])

    return agg_kernel


def _scale_body(blk, deg_ref, x_ref, xs_ref):
    i = pl.program_id(0)
    dblk = deg_ref[:, pl.ds(i * blk, blk)]
    deg = dblk[0, :] + dblk[1, :] + 1.0
    dis = lax.rsqrt(deg)
    xs_ref[...] = x_ref[...] * dis[:, None]


def _epilogue_body(blk, deg_ref, acc_ref, xs_ref, w_ref, b_ref, out_ref):
    i = pl.program_id(0)
    dblk = deg_ref[:, pl.ds(i * blk, blk)]
    deg = dblk[0, :] + dblk[1, :] + 1.0
    dis = lax.rsqrt(deg)
    v = acc_ref[0] + acc_ref[1] + xs_ref[...]
    v = v * dis[:, None]
    out_ref[...] = (
        jnp.dot(v, w_ref[...], preferred_element_type=jnp.float32)
        + b_ref[...]
    )


def kernel(x, edge_index, weight, biases):
    n, d = x.shape
    e = edge_index.shape[1]
    dout = weight.shape[1]

    sup_e = SCH * K
    per_tile_e = -(-e // NW)
    per_tile_e = ((per_tile_e + sup_e - 1) // sup_e) * sup_e
    e_pad = NW * per_tile_e
    n_pad = ((n + NS * K - 1) // (NS * K)) * (NS * K)

    pad = e_pad - e
    pad_rows = n + (jnp.arange(pad, dtype=jnp.int32) % (n_pad - n))
    pad_cols = jnp.arange(pad, dtype=jnp.int32) % n
    rows = jnp.concatenate([edge_index[0], pad_rows])
    cols = jnp.concatenate([edge_index[1], pad_cols])

    supers = per_tile_e // sup_e
    rows4 = rows.reshape(NW, supers, SCH, K)
    cols4 = cols.reshape(NW, supers, SCH, K)
    deg_sup = per_tile_e // (DEG_SCH * DEG_K)
    deg2 = _make_deg_kernel(n_pad, deg_sup)(
        rows.reshape(NW, deg_sup, DEG_SCH, DEG_K))

    blk = 512
    grid = -(-n // blk)
    xs = pl.pallas_call(
        functools.partial(_scale_body, blk),
        grid=(grid,),
        in_specs=[
            pl.BlockSpec((NC, n_pad), lambda i: (0, 0)),
            pl.BlockSpec((blk, d), lambda i: (i, 0)),
        ],
        out_specs=pl.BlockSpec((blk, d), lambda i: (i, 0)),
        out_shape=jax.ShapeDtypeStruct((n, d), jnp.float32),
    )(deg2, x)

    acc = _make_agg_kernel(n, n_pad, d, supers)(xs, cols4, rows4)

    out = pl.pallas_call(
        functools.partial(_epilogue_body, blk),
        grid=(grid,),
        in_specs=[
            pl.BlockSpec((NC, n_pad), lambda i: (0, 0)),
            pl.BlockSpec((NC, blk, d), lambda i: (0, i, 0)),
            pl.BlockSpec((blk, d), lambda i: (i, 0)),
            pl.BlockSpec((d, dout), lambda i: (0, 0)),
            pl.BlockSpec((1, dout), lambda i: (0, 0)),
        ],
        out_specs=pl.BlockSpec((blk, dout), lambda i: (i, 0)),
        out_shape=jax.ShapeDtypeStruct((n, dout), jnp.float32),
    )(deg2, acc, xs, weight, biases[None, :])
    return out

# --- scband reference (transcript-rebuilt; emitter-appended) ---
"""Pipeline reference for scband-gcnlayer-44470091382999 (READ-ONLY COPY).

The authoritative reference and input builder live on the scoring server;
editing this copy changes nothing except your own understanding.
"""

import jax, jax.numpy as jnp
import numpy as np

N = 10000
E = 320000
DIN = 128
DOUT = 128

def setup_inputs(seed: int = 0) -> dict:
    key = jax.random.key(seed)
    k1, k2, k3 = jax.random.split(key, 3)
    x = jax.random.normal(k1, (N, DIN), dtype=jnp.float32)
    edge_index = jax.random.randint(k2, (2, E), 0, N, dtype=jnp.int32)
    # xavier_uniform for weight (dim_in, dim_out)
    limit = float(np.sqrt(6.0 / (DIN + DOUT)))
    weight = jax.random.uniform(k3, (DIN, DOUT), dtype=jnp.float32, minval=-limit, maxval=limit)
    biases = jnp.zeros((DOUT,), dtype=jnp.float32)
    return {"x": x, "edge_index": edge_index, "weight": weight, "biases": biases}

def reference(x, edge_index, weight, biases):
    n = x.shape[0]
    row = edge_index[0]
    col = edge_index[1]
    vals = jnp.ones((row.shape[0],), dtype=jnp.float32)
    # add self loops (as in GCNGraph)
    loop = jnp.arange(n, dtype=edge_index.dtype)
    row = jnp.concatenate([row, loop])
    col = jnp.concatenate([col, loop])
    vals = jnp.concatenate([vals, jnp.ones((n,), dtype=jnp.float32)])
    # degrees = row-sum of (coalesced) sparse matrix; segment_sum handles duplicate sums
    deg = jax.ops.segment_sum(vals, row, num_segments=n)
    deg_inv_sqrt = deg ** -0.5
    norm_vals = deg_inv_sqrt[row] * vals * deg_inv_sqrt[col]
    # sparse.mm(normalized_adjacency, x): out[row] += norm_vals * x[col]
    ax = jax.ops.segment_sum(norm_vals[:, None] * x[col], row, num_segments=n)
    out = ax @ weight + biases
    return out

if __name__ == "__main__":
    import jax
    _d = setup_inputs()
    print(jax.jit(kernel)(*tuple(_d.values())))

</pallas_src>

<mosaic_0001>
#map = affine_map<(d0, d1) -> (0, 0)>
#map1 = affine_map<(d0, d1) -> (0, 0, 0, 0)>
#map2 = affine_map<(d0, d1) -> (0, 0, 0)>
module attributes {stable_mosaic.version = 14 : i64} {
  func.func @agg_kernel(%arg0: i32, %arg1: i32, %arg2: memref<10000x128xf32, #tpu.memory_space<hbm>>, %arg3: memref<32x20x8x64xi32, #tpu.memory_space<hbm>>, %arg4: memref<32x20x8x64xi32, #tpu.memory_space<hbm>>, %arg5: memref<2x10240x128xf32, #tpu.memory_space<hbm>>, %arg6: memref<2x8x64xi32, #tpu.memory_space<vmem>>, %arg7: memref<2x8x64xi32, #tpu.memory_space<vmem>>, %arg8: memref<4x64x128xf32, #tpu.memory_space<vmem>>, %arg9: memref<10240x128xf32, #tpu.memory_space<vmem_shared>>, %arg10: memref<!tpu.dma_semaphore, #tpu.memory_space<semaphore_mem>>, %arg11: memref<!tpu.dma_semaphore, #tpu.memory_space<semaphore_mem>>, %arg12: memref<!tpu.dma_semaphore, #tpu.memory_space<semaphore_mem>>, %arg13: memref<!tpu.dma_semaphore, #tpu.memory_space<semaphore_mem>>, %arg14: memref<!tpu.dma_semaphore, #tpu.memory_space<semaphore_mem>>, %arg15: memref<!tpu.dma_semaphore, #tpu.memory_space<semaphore_mem>>, %arg16: memref<!tpu.dma_semaphore, #tpu.memory_space<semaphore_mem>>, %arg17: memref<!tpu.dma_semaphore, #tpu.memory_space<semaphore_mem>>, %arg18: memref<!tpu.dma_semaphore, #tpu.memory_space<semaphore_mem>>) attributes {dimension_semantics = [#tpu.dimension_semantics<core_parallel>, #tpu.dimension_semantics<subcore_parallel>], iteration_bounds = array<i64: 2, 16>, scalar_prefetch = 0 : i64, scratch_operands = 13 : i64, tpu.core_type = #tpu.core_type<sc_vector_subcore>, window_params = [{transform_indices = #map}, {transform_indices = #map1}, {transform_indices = #map1}, {transform_indices = #map2}]} {
    %mul3A = arith.constant 16 : i32
    %mul3A_0 = arith.muli %arg0, %mul3A : i32
    %add3A = arith.addi %mul3A_0, %arg1 : i32
    %broadcast_in_dim3A = arith.constant 0.000000e+00 : f32
    %broadcast_in_dim3A_1 = vector.broadcast %broadcast_in_dim3A : f32 to vector<16xf32>
    %scan3A = arith.constant 0 : i32
    %scan3A_2 = arith.constant 0 : i32
    %scan3A_3 = arith.constant 0 : i32
    %scan3A_4 = arith.constant 64 : i32
    %scan3A_5 = arith.addi %scan3A_3, %scan3A_4 : i32
    %scan3A_6 = arith.constant 1 : i32
    %scan3A_7 = scf.for %scan3A_524 = %scan3A_3 to %scan3A_5 step %scan3A_6 iter_args(%scan3A_525 = %scan3A_2) -> (i32)  : i32 {
      %swap3A = arith.constant 0 : i32
      %swap3A_526 = arith.constant 0 : i32
      %swap3A_527 = tpu.memref_slice %arg8[%scan3A, %swap3A, %swap3A_526] : memref<4x64x128xf32, #tpu.memory_space<vmem>> -> memref<1x64x128xf32, #tpu.memory_space<vmem>>
      %swap3A_528 = tpu.memref_squeeze %swap3A_527 : memref<1x64x128xf32, #tpu.memory_space<vmem>> -> memref<64x128xf32, #tpu.memory_space<vmem>>
      %swap3A_529 = arith.index_cast %scan3A_524 : i32 to index
      %swap3A_530 = arith.constant 0 : index
      %swap3A_531 = tpu.vector_load %swap3A_528[%swap3A_529, %swap3A_530] {strides = array<i32>} : memref<64x128xf32, #tpu.memory_space<vmem>>, vector<1x16xf32>,
      %swap3A_532 = vector.shape_cast %swap3A_531 : vector<1x16xf32> to vector<16xf32>
      %swap3A_533 = vector.shape_cast %broadcast_in_dim3A_1 : vector<16xf32> to vector<1x16xf32>
      tpu.vector_store %swap3A_528[%swap3A_529, %swap3A_530], %swap3A_533 {strides = array<i32>} : memref<64x128xf32, #tpu.memory_space<vmem>>, vector<1x16xf32>,
      %swap3A_534 = arith.constant 0 : i32
      %swap3A_535 = arith.constant 0 : i32
      %swap3A_536 = tpu.memref_slice %arg8[%scan3A, %swap3A_534, %swap3A_535] : memref<4x64x128xf32, #tpu.memory_space<vmem>> -> memref<1x64x128xf32, #tpu.memory_space<vmem>>
      %swap3A_537 = tpu.memref_squeeze %swap3A_536 : memref<1x64x128xf32, #tpu.memory_space<vmem>> -> memref<64x128xf32, #tpu.memory_space<vmem>>
      %swap3A_538 = arith.index_cast %scan3A_524 : i32 to index
      %swap3A_539 = arith.constant 16 : index
      %swap3A_540 = tpu.vector_load %swap3A_537[%swap3A_538, %swap3A_539] {strides = array<i32>} : memref<64x128xf32, #tpu.memory_space<vmem>>, vector<1x16xf32>,
      %swap3A_541 = vector.shape_cast %swap3A_540 : vector<1x16xf32> to vector<16xf32>
      %swap3A_542 = vector.shape_cast %broadcast_in_dim3A_1 : vector<16xf32> to vector<1x16xf32>
      tpu.vector_store %swap3A_537[%swap3A_538, %swap3A_539], %swap3A_542 {strides = array<i32>} : memref<64x128xf32, #tpu.memory_space<vmem>>, vector<1x16xf32>,
      %swap3A_543 = arith.constant 0 : i32
      %swap3A_544 = arith.constant 0 : i32
      %swap3A_545 = tpu.memref_slice %arg8[%scan3A, %swap3A_543, %swap3A_544] : memref<4x64x128xf32, #tpu.memory_space<vmem>> -> memref<1x64x128xf32, #tpu.memory_space<vmem>>
      %swap3A_546 = tpu.memref_squeeze %swap3A_545 : memref<1x64x128xf32, #tpu.memory_space<vmem>> -> memref<64x128xf32, #tpu.memory_space<vmem>>
      %swap3A_547 = arith.index_cast %scan3A_524 : i32 to index
      %swap3A_548 = arith.constant 32 : index
      %swap3A_549 = tpu.vector_load %swap3A_546[%swap3A_547, %swap3A_548] {strides = array<i32>} : memref<64x128xf32, #tpu.memory_space<vmem>>, vector<1x16xf32>,
      %swap3A_550 = vector.shape_cast %swap3A_549 : vector<1x16xf32> to vector<16xf32>
      %swap3A_551 = vector.shape_cast %broadcast_in_dim3A_1 : vector<16xf32> to vector<1x16xf32>
      tpu.vector_store %swap3A_546[%swap3A_547, %swap3A_548], %swap3A_551 {strides = array<i32>} : memref<64x128xf32, #tpu.memory_space<vmem>>, vector<1x16xf32>,
      %swap3A_552 = arith.constant 0 : i32
      %swap3A_553 = arith.constant 0 : i32
      %swap3A_554 = tpu.memref_slice %arg8[%scan3A, %swap3A_552, %swap3A_553] : memref<4x64x128xf32, #tpu.memory_space<vmem>> -> memref<1x64x128xf32, #tpu.memory_space<vmem>>
      %swap3A_555 = tpu.memref_squeeze %swap3A_554 : memref<1x64x128xf32, #tpu.memory_space<vmem>> -> memref<64x128xf32, #tpu.memory_space<vmem>>
      %swap3A_556 = arith.index_cast %scan3A_524 : i32 to index
      %swap3A_557 = arith.constant 48 : index
      %swap3A_558 = tpu.vector_load %swap3A_555[%swap3A_556, %swap3A_557] {strides = array<i32>} : memref<64x128xf32, #tpu.memory_space<vmem>>, vector<1x16xf32>,
      %swap3A_559 = vector.shape_cast %swap3A_558 : vector<1x16xf32> to vector<16xf32>
      %swap3A_560 = vector.shape_cast %broadcast_in_dim3A_1 : vector<16xf32> to vector<1x16xf32>
      tpu.vector_store %swap3A_555[%swap3A_556, %swap3A_557], %swap3A_560 {strides = array<i32>} : memref<64x128xf32, #tpu.memory_space<vmem>>, vector<1x16xf32>,
      %swap3A_561 = arith.constant 0 : i32
      %swap3A_562 = arith.constant 0 : i32
      %swap3A_563 = tpu.memref_slice %arg8[%scan3A, %swap3A_561, %swap3A_562] : memref<4x64x128xf32, #tpu.memory_space<vmem>> -> memref<1x64x128xf32, #tpu.memory_space<vmem>>
      %swap3A_564 = tpu.memref_squeeze %swap3A_563 : memref<1x64x128xf32, #tpu.memory_space<vmem>> -> memref<64x128xf32, #tpu.memory_space<vmem>>
      %swap3A_565 = arith.index_cast %scan3A_524 : i32 to index
      %swap3A_566 = arith.constant 64 : index
      %swap3A_567 = tpu.vector_load %swap3A_564[%swap3A_565, %swap3A_566] {strides = array<i32>} : memref<64x128xf32, #tpu.memory_space<vmem>>, vector<1x16xf32>,
      %swap3A_568 = vector.shape_cast %swap3A_567 : vector<1x16xf32> to vector<16xf32>
      %swap3A_569 = vector.shape_cast %broadcast_in_dim3A_1 : vector<16xf32> to vector<1x16xf32>
      tpu.vector_store %swap3A_564[%swap3A_565, %swap3A_566], %swap3A_569 {strides = array<i32>} : memref<64x128xf32, #tpu.memory_space<vmem>>, vector<1x16xf32>,
      %swap3A_570 = arith.constant 0 : i32
      %swap3A_571 = arith.constant 0 : i32
      %swap3A_572 = tpu.memref_slice %arg8[%scan3A, %swap3A_570, %swap3A_571] : memref<4x64x128xf32, #tpu.memory_space<vmem>> -> memref<1x64x128xf32, #tpu.memory_space<vmem>>
      %swap3A_573 = tpu.memref_squeeze %swap3A_572 : memref<1x64x128xf32, #tpu.memory_space<vmem>> -> memref<64x128xf32, #tpu.memory_space<vmem>>
      %swap3A_574 = arith.index_cast %scan3A_524 : i32 to index
      %swap3A_575 = arith.constant 80 : index
      %swap3A_576 = tpu.vector_load %swap3A_573[%swap3A_574, %swap3A_575] {strides = array<i32>} : memref<64x128xf32, #tpu.memory_space<vmem>>, vector<1x16xf32>,
      %swap3A_577 = vector.shape_cast %swap3A_576 : vector<1x16xf32> to vector<16xf32>
      %swap3A_578 = vector.shape_cast %broadcast_in_dim3A_1 : vector<16xf32> to vector<1x16xf32>
      tpu.vector_store %swap3A_573[%swap3A_574, %swap3A_575], %swap3A_578 {strides = array<i32>} : memref<64x128xf32, #tpu.memory_space<vmem>>, vector<1x16xf32>,
      %swap3A_579 = arith.constant 0 : i32
      %swap3A_580 = arith.constant 0 : i32
      %swap3A_581 = tpu.memref_slice %arg8[%scan3A, %swap3A_579, %swap3A_580] : memref<4x64x128xf32, #tpu.memory_space<vmem>> -> memref<1x64x128xf32, #tpu.memory_space<vmem>>
      %swap3A_582 = tpu.memref_squeeze %swap3A_581 : memref<1x64x128xf32, #tpu.memory_space<vmem>> -> memref<64x128xf32, #tpu.memory_space<vmem>>
      %swap3A_583 = arith.index_cast %scan3A_524 : i32 to index
      %swap3A_584 = arith.constant 96 : index
      %swap3A_585 = tpu.vector_load %swap3A_582[%swap3A_583, %swap3A_584] {strides = array<i32>} : memref<64x128xf32, #tpu.memory_space<vmem>>, vector<1x16xf32>,
      %swap3A_586 = vector.shape_cast %swap3A_585 : vector<1x16xf32> to vector<16xf32>
      %swap3A_587 = vector.shape_cast %broadcast_in_dim3A_1 : vector<16xf32> to vector<1x16xf32>
      tpu.vector_store %swap3A_582[%swap3A_583, %swap3A_584], %swap3A_587 {strides = array<i32>} : memref<64x128xf32, #tpu.memory_space<vmem>>, vector<1x16xf32>,
      %swap3A_588 = arith.constant 0 : i32
      %swap3A_589 = arith.constant 0 : i32
      %swap3A_590 = tpu.memref_slice %arg8[%scan3A, %swap3A_588, %swap3A_589] : memref<4x64x128xf32, #tpu.memory_space<vmem>> -> memref<1x64x128xf32, #tpu.memory_space<vmem>>
      %swap3A_591 = tpu.memref_squeeze %swap3A_590 : memref<1x64x128xf32, #tpu.memory_space<vmem>> -> memref<64x128xf32, #tpu.memory_space<vmem>>
      %swap3A_592 = arith.index_cast %scan3A_524 : i32 to index
      %swap3A_593 = arith.constant 112 : index
      %swap3A_594 = tpu.vector_load %swap3A_591[%swap3A_592, %swap3A_593] {strides = array<i32>} : memref<64x128xf32, #tpu.memory_space<vmem>>, vector<1x16xf32>,
      %swap3A_595 = vector.shape_cast %swap3A_594 : vector<1x16xf32> to vector<16xf32>
      %swap3A_596 = vector.shape_cast %broadcast_in_dim3A_1 : vector<16xf32> to vector<1x16xf32>
      tpu.vector_store %swap3A_591[%swap3A_592, %swap3A_593], %swap3A_596 {strides = array<i32>} : memref<64x128xf32, #tpu.memory_space<vmem>>, vector<1x16xf32>,
      %scan3A_597 = arith.constant 0 : i32
      scf.yield %scan3A_597 : i32
    }
    %scan3A_8 = arith.constant 64 : i32
    %mul3A_9 = arith.constant 640 : i32
    %mul3A_10 = arith.muli %mul3A_9, %arg1 : i32
    %add3A_11 = arith.constant 0 : i32
    %add3A_12 = arith.addi %mul3A_10, %add3A_11 : i32
    %run_scoped3A = arith.constant 0 : i32
    "tpu.region"() ({
      %run_scoped3A_524 = tpu.sem_alloc : memref<!tpu.dma_semaphore, #tpu.memory_space<semaphore_mem>>
      %dma_start3A_525 = arith.constant 0 : i32
      %dma_start3A_526 = arith.constant 0 : i32
      %dma_start3A_527 = tpu.memref_slice %arg8[%run_scoped3A, %dma_start3A_525, %dma_start3A_526] : memref<4x64x128xf32, #tpu.memory_space<vmem>> -> memref<1x64x128xf32, #tpu.memory_space<vmem>>
      %dma_start3A_528 = tpu.memref_squeeze %dma_start3A_527 : memref<1x64x128xf32, #tpu.memory_space<vmem>> -> memref<64x128xf32, #tpu.memory_space<vmem>>
      %dma_start3A_529 = arith.constant 0 : i32
      %dma_start3A_530 = tpu.memref_slice %arg9[%add3A_12, %dma_start3A_529] : memref<10240x128xf32, #tpu.memory_space<vmem_shared>> -> memref<64x128xf32, #tpu.memory_space<vmem_shared>>
      %dma_start3A_531 = arith.constant 0 : i32
      %dma_start3A_532 = tpu.memref_slice %arg9[%add3A_12, %dma_start3A_531] : memref<10240x128xf32, #tpu.memory_space<vmem_shared>> -> memref<64x128xf32, #tpu.memory_space<vmem_shared>>
      %dma_start3A_533 = arith.constant 0 : i32
      %dma_start3A_534 = arith.constant 0 : i32
      %dma_start3A_535 = tpu.memref_slice %arg8[%run_scoped3A, %dma_start3A_533, %dma_start3A_534] : memref<4x64x128xf32, #tpu.memory_space<vmem>> -> memref<1x64x128xf32, #tpu.memory_space<vmem>>
      %dma_start3A_536 = tpu.memref_squeeze %dma_start3A_535 : memref<1x64x128xf32, #tpu.memory_space<vmem>> -> memref<64x128xf32, #tpu.memory_space<vmem>>
      tpu.enqueue_dma source(%dma_start3A_536 : memref<64x128xf32, #tpu.memory_space<vmem>>) target(%dma_start3A_532 : memref<64x128xf32, #tpu.memory_space<vmem_shared>>) target_semaphore(%run_scoped3A_524 : memref<!tpu.dma_semaphore, #tpu.memory_space<semaphore_mem>>)
      %dma_wait3A_537 = arith.constant 0 : i32
      %dma_wait3A_538 = arith.constant 0 : i32
      %dma_wait3A_539 = tpu.memref_slice %arg8[%run_scoped3A, %dma_wait3A_537, %dma_wait3A_538] : memref<4x64x128xf32, #tpu.memory_space<vmem>> -> memref<1x64x128xf32, #tpu.memory_space<vmem>>
      %dma_wait3A_540 = tpu.memref_squeeze %dma_wait3A_539 : memref<1x64x128xf32, #tpu.memory_space<vmem>> -> memref<64x128xf32, #tpu.memory_space<vmem>>
      %dma_wait3A_541 = arith.constant 0 : i32
      %dma_wait3A_542 = tpu.memref_slice %arg9[%add3A_12, %dma_wait3A_541] : memref<10240x128xf32, #tpu.memory_space<vmem_shared>> -> memref<64x128xf32, #tpu.memory_space<vmem_shared>>
      %dma_wait3A_543 = arith.constant 0 : i32
      %dma_wait3A_544 = tpu.memref_slice %arg9[%add3A_12, %dma_wait3A_543] : memref<10240x128xf32, #tpu.memory_space<vmem_shared>> -> memref<64x128xf32, #tpu.memory_space<vmem_shared>>
      %dma_wait3A_545 = arith.constant 0 : i32
      %dma_wait3A_546 = arith.constant 0 : i32
      %dma_wait3A_547 = tpu.memref_slice %arg8[%run_scoped3A, %dma_wait3A_545, %dma_wait3A_546] : memref<4x64x128xf32, #tpu.memory_space<vmem>> -> memref<1x64x128xf32, #tpu.memory_space<vmem>>
      %dma_wait3A_548 = tpu.memref_squeeze %dma_wait3A_547 : memref<1x64x128xf32, #tpu.memory_space<vmem>> -> memref<64x128xf32, #tpu.memory_space<vmem>>
      tpu.wait_dma2 semaphore(%run_scoped3A_524 : memref<!tpu.dma_semaphore, #tpu.memory_space<semaphore_mem>>) src(%dma_wait3A_548 : memref<64x128xf32, #tpu.memory_space<vmem>>) dst(%dma_wait3A_544 : memref<64x128xf32, #tpu.memory_space<vmem_shared>>)
      tpu.yield
    }) : () -> ()
    %mul3A_13 = arith.constant 640 : i32
    %mul3A_14 = arith.muli %mul3A_13, %arg1 : i32
    %add3A_15 = arith.constant 64 : i32
    %add3A_16 = arith.addi %mul3A_14, %add3A_15 : i32
    %run_scoped3A_17 = arith.constant 0 : i32
    "tpu.region"() ({
      %run_scoped3A_524 = tpu.sem_alloc : memref<!tpu.dma_semaphore, #tpu.memory_space<semaphore_mem>>
      %dma_start3A_525 = arith.constant 0 : i32
      %dma_start3A_526 = arith.constant 0 : i32
      %dma_start3A_527 = tpu.memref_slice %arg8[%run_scoped3A_17, %dma_start3A_525, %dma_start3A_526] : memref<4x64x128xf32, #tpu.memory_space<vmem>> -> memref<1x64x128xf32, #tpu.memory_space<vmem>>
      %dma_start3A_528 = tpu.memref_squeeze %dma_start3A_527 : memref<1x64x128xf32, #tpu.memory_space<vmem>> -> memref<64x128xf32, #tpu.memory_space<vmem>>
      %dma_start3A_529 = arith.constant 0 : i32
      %dma_start3A_530 = tpu.memref_slice %arg9[%add3A_16, %dma_start3A_529] : memref<10240x128xf32, #tpu.memory_space<vmem_shared>> -> memref<64x128xf32, #tpu.memory_space<vmem_shared>>
      %dma_start3A_531 = arith.constant 0 : i32
      %dma_start3A_532 = tpu.memref_slice %arg9[%add3A_16, %dma_start3A_531] : memref<10240x128xf32, #tpu.memory_space<vmem_shared>> -> memref<64x128xf32, #tpu.memory_space<vmem_shared>>
      %dma_start3A_533 = arith.constant 0 : i32
      %dma_start3A_534 = arith.constant 0 : i32
      %dma_start3A_535 = tpu.memref_slice %arg8[%run_scoped3A_17, %dma_start3A_533, %dma_start3A_534] : memref<4x64x128xf32, #tpu.memory_space<vmem>> -> memref<1x64x128xf32, #tpu.memory_space<vmem>>
      %dma_start3A_536 = tpu.memref_squeeze %dma_start3A_535 : memref<1x64x128xf32, #tpu.memory_space<vmem>> -> memref<64x128xf32, #tpu.memory_space<vmem>>
      tpu.enqueue_dma source(%dma_start3A_536 : memref<64x128xf32, #tpu.memory_space<vmem>>) target(%dma_start3A_532 : memref<64x128xf32, #tpu.memory_space<vmem_shared>>) target_semaphore(%run_scoped3A_524 : memref<!tpu.dma_semaphore, #tpu.memory_space<semaphore_mem>>)
      %dma_wait3A_537 = arith.constant 0 : i32
      %dma_wait3A_538 = arith.constant 0 : i32
      %dma_wait3A_539 = tpu.memref_slice %arg8[%run_scoped3A_17, %dma_wait3A_537, %dma_wait3A_538] : memref<4x64x128xf32, #tpu.memory_space<vmem>> -> memref<1x64x128xf32, #tpu.memory_space<vmem>>
      %dma_wait3A_540 = tpu.memref_squeeze %dma_wait3A_539 : memref<1x64x128xf32, #tpu.memory_space<vmem>> -> memref<64x128xf32, #tpu.memory_space<vmem>>
      %dma_wait3A_541 = arith.constant 0 : i32
      %dma_wait3A_542 = tpu.memref_slice %arg9[%add3A_16, %dma_wait3A_541] : memref<10240x128xf32, #tpu.memory_space<vmem_shared>> -> memref<64x128xf32, #tpu.memory_space<vmem_shared>>
      %dma_wait3A_543 = arith.constant 0 : i32
      %dma_wait3A_544 = tpu.memref_slice %arg9[%add3A_16, %dma_wait3A_543] : memref<10240x128xf32, #tpu.memory_space<vmem_shared>> -> memref<64x128xf32, #tpu.memory_space<vmem_shared>>
      %dma_wait3A_545 = arith.constant 0 : i32
      %dma_wait3A_546 = arith.constant 0 : i32
      %dma_wait3A_547 = tpu.memref_slice %arg8[%run_scoped3A_17, %dma_wait3A_545, %dma_wait3A_546] : memref<4x64x128xf32, #tpu.memory_space<vmem>> -> memref<1x64x128xf32, #tpu.memory_space<vmem>>
      %dma_wait3A_548 = tpu.memref_squeeze %dma_wait3A_547 : memref<1x64x128xf32, #tpu.memory_space<vmem>> -> memref<64x128xf32, #tpu.memory_space<vmem>>
      tpu.wait_dma2 semaphore(%run_scoped3A_524 : memref<!tpu.dma_semaphore, #tpu.memory_space<semaphore_mem>>) src(%dma_wait3A_548 : memref<64x128xf32, #tpu.memory_space<vmem>>) dst(%dma_wait3A_544 : memref<64x128xf32, #tpu.memory_space<vmem_shared>>)
      tpu.yield
    }) : () -> ()
    %mul3A_18 = arith.constant 640 : i32
    %mul3A_19 = arith.muli %mul3A_18, %arg1 : i32
    %add3A_20 = arith.constant 128 : i32
    %add3A_21 = arith.addi %mul3A_19, %add3A_20 : i32
    %run_scoped3A_22 = arith.constant 0 : i32
    "tpu.region"() ({
      %run_scoped3A_524 = tpu.sem_alloc : memref<!tpu.dma_semaphore, #tpu.memory_space<semaphore_mem>>
      %dma_start3A_525 = arith.constant 0 : i32
      %dma_start3A_526 = arith.constant 0 : i32
      %dma_start3A_527 = tpu.memref_slice %arg8[%run_scoped3A_22, %dma_start3A_525, %dma_start3A_526] : memref<4x64x128xf32, #tpu.memory_space<vmem>> -> memref<1x64x128xf32, #tpu.memory_space<vmem>>
      %dma_start3A_528 = tpu.memref_squeeze %dma_start3A_527 : memref<1x64x128xf32, #tpu.memory_space<vmem>> -> memref<64x128xf32, #tpu.memory_space<vmem>>
      %dma_start3A_529 = arith.constant 0 : i32
      %dma_start3A_530 = tpu.memref_slice %arg9[%add3A_21, %dma_start3A_529] : memref<10240x128xf32, #tpu.memory_space<vmem_shared>> -> memref<64x128xf32, #tpu.memory_space<vmem_shared>>
      %dma_start3A_531 = arith.constant 0 : i32
      %dma_start3A_532 = tpu.memref_slice %arg9[%add3A_21, %dma_start3A_531] : memref<10240x128xf32, #tpu.memory_space<vmem_shared>> -> memref<64x128xf32, #tpu.memory_space<vmem_shared>>
      %dma_start3A_533 = arith.constant 0 : i32
      %dma_start3A_534 = arith.constant 0 : i32
      %dma_start3A_535 = tpu.memref_slice %arg8[%run_scoped3A_22, %dma_start3A_533, %dma_start3A_534] : memref<4x64x128xf32, #tpu.memory_space<vmem>> -> memref<1x64x128xf32, #tpu.memory_space<vmem>>
      %dma_start3A_536 = tpu.memref_squeeze %dma_start3A_535 : memref<1x64x128xf32, #tpu.memory_space<vmem>> -> memref<64x128xf32, #tpu.memory_space<vmem>>
      tpu.enqueue_dma source(%dma_start3A_536 : memref<64x128xf32, #tpu.memory_space<vmem>>) target(%dma_start3A_532 : memref<64x128xf32, #tpu.memory_space<vmem_shared>>) target_semaphore(%run_scoped3A_524 : memref<!tpu.dma_semaphore, #tpu.memory_space<semaphore_mem>>)
      %dma_wait3A_537 = arith.constant 0 : i32
      %dma_wait3A_538 = arith.constant 0 : i32
      %dma_wait3A_539 = tpu.memref_slice %arg8[%run_scoped3A_22, %dma_wait3A_537, %dma_wait3A_538] : memref<4x64x128xf32, #tpu.memory_space<vmem>> -> memref<1x64x128xf32, #tpu.memory_space<vmem>>
      %dma_wait3A_540 = tpu.memref_squeeze %dma_wait3A_539 : memref<1x64x128xf32, #tpu.memory_space<vmem>> -> memref<64x128xf32, #tpu.memory_space<vmem>>
      %dma_wait3A_541 = arith.constant 0 : i32
      %dma_wait3A_542 = tpu.memref_slice %arg9[%add3A_21, %dma_wait3A_541] : memref<10240x128xf32, #tpu.memory_space<vmem_shared>> -> memref<64x128xf32, #tpu.memory_space<vmem_shared>>
      %dma_wait3A_543 = arith.constant 0 : i32
      %dma_wait3A_544 = tpu.memref_slice %arg9[%add3A_21, %dma_wait3A_543] : memref<10240x128xf32, #tpu.memory_space<vmem_shared>> -> memref<64x128xf32, #tpu.memory_space<vmem_shared>>
      %dma_wait3A_545 = arith.constant 0 : i32
      %dma_wait3A_546 = arith.constant 0 : i32
      %dma_wait3A_547 = tpu.memref_slice %arg8[%run_scoped3A_22, %dma_wait3A_545, %dma_wait3A_546] : memref<4x64x128xf32, #tpu.memory_space<vmem>> -> memref<1x64x128xf32, #tpu.memory_space<vmem>>
      %dma_wait3A_548 = tpu.memref_squeeze %dma_wait3A_547 : memref<1x64x128xf32, #tpu.memory_space<vmem>> -> memref<64x128xf32, #tpu.memory_space<vmem>>
      tpu.wait_dma2 semaphore(%run_scoped3A_524 : memref<!tpu.dma_semaphore, #tpu.memory_space<semaphore_mem>>) src(%dma_wait3A_548 : memref<64x128xf32, #tpu.memory_space<vmem>>) dst(%dma_wait3A_544 : memref<64x128xf32, #tpu.memory_space<vmem_shared>>)
      tpu.yield
    }) : () -> ()
    %mul3A_23 = arith.constant 640 : i32
    %mul3A_24 = arith.muli %mul3A_23, %arg1 : i32
    %add3A_25 = arith.constant 192 : i32
    %add3A_26 = arith.addi %mul3A_24, %add3A_25 : i32
    %run_scoped3A_27 = arith.constant 0 : i32
    "tpu.region"() ({
      %run_scoped3A_524 = tpu.sem_alloc : memref<!tpu.dma_semaphore, #tpu.memory_space<semaphore_mem>>
      %dma_start3A_525 = arith.constant 0 : i32
      %dma_start3A_526 = arith.constant 0 : i32
      %dma_start3A_527 = tpu.memref_slice %arg8[%run_scoped3A_27, %dma_start3A_525, %dma_start3A_526] : memref<4x64x128xf32, #tpu.memory_space<vmem>> -> memref<1x64x128xf32, #tpu.memory_space<vmem>>
      %dma_start3A_528 = tpu.memref_squeeze %dma_start3A_527 : memref<1x64x128xf32, #tpu.memory_space<vmem>> -> memref<64x128xf32, #tpu.memory_space<vmem>>
      %dma_start3A_529 = arith.constant 0 : i32
      %dma_start3A_530 = tpu.memref_slice %arg9[%add3A_26, %dma_start3A_529] : memref<10240x128xf32, #tpu.memory_space<vmem_shared>> -> memref<64x128xf32, #tpu.memory_space<vmem_shared>>
      %dma_start3A_531 = arith.constant 0 : i32
      %dma_start3A_532 = tpu.memref_slice %arg9[%add3A_26, %dma_start3A_531] : memref<10240x128xf32, #tpu.memory_space<vmem_shared>> -> memref<64x128xf32, #tpu.memory_space<vmem_shared>>
      %dma_start3A_533 = arith.constant 0 : i32
      %dma_start3A_534 = arith.constant 0 : i32
      %dma_start3A_535 = tpu.memref_slice %arg8[%run_scoped3A_27, %dma_start3A_533, %dma_start3A_534] : memref<4x64x128xf32, #tpu.memory_space<vmem>> -> memref<1x64x128xf32, #tpu.memory_space<vmem>>
      %dma_start3A_536 = tpu.memref_squeeze %dma_start3A_535 : memref<1x64x128xf32, #tpu.memory_space<vmem>> -> memref<64x128xf32, #tpu.memory_space<vmem>>
      tpu.enqueue_dma source(%dma_start3A_536 : memref<64x128xf32, #tpu.memory_space<vmem>>) target(%dma_start3A_532 : memref<64x128xf32, #tpu.memory_space<vmem_shared>>) target_semaphore(%run_scoped3A_524 : memref<!tpu.dma_semaphore, #tpu.memory_space<semaphore_mem>>)
      %dma_wait3A_537 = arith.constant 0 : i32
      %dma_wait3A_538 = arith.constant 0 : i32
      %dma_wait3A_539 = tpu.memref_slice %arg8[%run_scoped3A_27, %dma_wait3A_537, %dma_wait3A_538] : memref<4x64x128xf32, #tpu.memory_space<vmem>> -> memref<1x64x128xf32, #tpu.memory_space<vmem>>
      %dma_wait3A_540 = tpu.memref_squeeze %dma_wait3A_539 : memref<1x64x128xf32, #tpu.memory_space<vmem>> -> memref<64x128xf32, #tpu.memory_space<vmem>>
      %dma_wait3A_541 = arith.constant 0 : i32
      %dma_wait3A_542 = tpu.memref_slice %arg9[%add3A_26, %dma_wait3A_541] : memref<10240x128xf32, #tpu.memory_space<vmem_shared>> -> memref<64x128xf32, #tpu.memory_space<vmem_shared>>
      %dma_wait3A_543 = arith.constant 0 : i32
      %dma_wait3A_544 = tpu.memref_slice %arg9[%add3A_26, %dma_wait3A_543] : memref<10240x128xf32, #tpu.memory_space<vmem_shared>> -> memref<64x128xf32, #tpu.memory_space<vmem_shared>>
      %dma_wait3A_545 = arith.constant 0 : i32
      %dma_wait3A_546 = arith.constant 0 : i32
      %dma_wait3A_547 = tpu.memref_slice %arg8[%run_scoped3A_27, %dma_wait3A_545, %dma_wait3A_546] : memref<4x64x128xf32, #tpu.memory_space<vmem>> -> memref<1x64x128xf32, #tpu.memory_space<vmem>>
      %dma_wait3A_548 = tpu.memref_squeeze %dma_wait3A_547 : memref<1x64x128xf32, #tpu.memory_space<vmem>> -> memref<64x128xf32, #tpu.memory_space<vmem>>
      tpu.wait_dma2 semaphore(%run_scoped3A_524 : memref<!tpu.dma_semaphore, #tpu.memory_space<semaphore_mem>>) src(%dma_wait3A_548 : memref<64x128xf32, #tpu.memory_space<vmem>>) dst(%dma_wait3A_544 : memref<64x128xf32, #tpu.memory_space<vmem_shared>>)
      tpu.yield
    }) : () -> ()
    %mul3A_28 = arith.constant 640 : i32
    %mul3A_29 = arith.muli %mul3A_28, %arg1 : i32
    %add3A_30 = arith.constant 256 : i32
    %add3A_31 = arith.addi %mul3A_29, %add3A_30 : i32
    %run_scoped3A_32 = arith.constant 0 : i32
    "tpu.region"() ({
      %run_scoped3A_524 = tpu.sem_alloc : memref<!tpu.dma_semaphore, #tpu.memory_space<semaphore_mem>>
      %dma_start3A_525 = arith.constant 0 : i32
      %dma_start3A_526 = arith.constant 0 : i32
      %dma_start3A_527 = tpu.memref_slice %arg8[%run_scoped3A_32, %dma_start3A_525, %dma_start3A_526] : memref<4x64x128xf32, #tpu.memory_space<vmem>> -> memref<1x64x128xf32, #tpu.memory_space<vmem>>
      %dma_start3A_528 = tpu.memref_squeeze %dma_start3A_527 : memref<1x64x128xf32, #tpu.memory_space<vmem>> -> memref<64x128xf32, #tpu.memory_space<vmem>>
      %dma_start3A_529 = arith.constant 0 : i32
      %dma_start3A_530 = tpu.memref_slice %arg9[%add3A_31, %dma_start3A_529] : memref<10240x128xf32, #tpu.memory_space<vmem_shared>> -> memref<64x128xf32, #tpu.memory_space<vmem_shared>>
      %dma_start3A_531 = arith.constant 0 : i32
      %dma_start3A_532 = tpu.memref_slice %arg9[%add3A_31, %dma_start3A_531] : memref<10240x128xf32, #tpu.memory_space<vmem_shared>> -> memref<64x128xf32, #tpu.memory_space<vmem_shared>>
      %dma_start3A_533 = arith.constant 0 : i32
      %dma_start3A_534 = arith.constant 0 : i32
      %dma_start3A_535 = tpu.memref_slice %arg8[%run_scoped3A_32, %dma_start3A_533, %dma_start3A_534] : memref<4x64x128xf32, #tpu.memory_space<vmem>> -> memref<1x64x128xf32, #tpu.memory_space<vmem>>
      %dma_start3A_536 = tpu.memref_squeeze %dma_start3A_535 : memref<1x64x128xf32, #tpu.memory_space<vmem>> -> memref<64x128xf32, #tpu.memory_space<vmem>>
      tpu.enqueue_dma source(%dma_start3A_536 : memref<64x128xf32, #tpu.memory_space<vmem>>) target(%dma_start3A_532 : memref<64x128xf32, #tpu.memory_space<vmem_shared>>) target_semaphore(%run_scoped3A_524 : memref<!tpu.dma_semaphore, #tpu.memory_space<semaphore_mem>>)
      %dma_wait3A_537 = arith.constant 0 : i32
      %dma_wait3A_538 = arith.constant 0 : i32
      %dma_wait3A_539 = tpu.memref_slice %arg8[%run_scoped3A_32, %dma_wait3A_537, %dma_wait3A_538] : memref<4x64x128xf32, #tpu.memory_space<vmem>> -> memref<1x64x128xf32, #tpu.memory_space<vmem>>
      %dma_wait3A_540 = tpu.memref_squeeze %dma_wait3A_539 : memref<1x64x128xf32, #tpu.memory_space<vmem>> -> memref<64x128xf32, #tpu.memory_space<vmem>>
      %dma_wait3A_541 = arith.constant 0 : i32
      %dma_wait3A_542 = tpu.memref_slice %arg9[%add3A_31, %dma_wait3A_541] : memref<10240x128xf32, #tpu.memory_space<vmem_shared>> -> memref<64x128xf32, #tpu.memory_space<vmem_shared>>
      %dma_wait3A_543 = arith.constant 0 : i32
      %dma_wait3A_544 = tpu.memref_slice %arg9[%add3A_31, %dma_wait3A_543] : memref<10240x128xf32, #tpu.memory_space<vmem_shared>> -> memref<64x128xf32, #tpu.memory_space<vmem_shared>>
      %dma_wait3A_545 = arith.constant 0 : i32
      %dma_wait3A_546 = arith.constant 0 : i32
      %dma_wait3A_547 = tpu.memref_slice %arg8[%run_scoped3A_32, %dma_wait3A_545, %dma_wait3A_546] : memref<4x64x128xf32, #tpu.memory_space<vmem>> -> memref<1x64x128xf32, #tpu.memory_space<vmem>>
      %dma_wait3A_548 = tpu.memref_squeeze %dma_wait3A_547 : memref<1x64x128xf32, #tpu.memory_space<vmem>> -> memref<64x128xf32, #tpu.memory_space<vmem>>
      tpu.wait_dma2 semaphore(%run_scoped3A_524 : memref<!tpu.dma_semaphore, #tpu.memory_space<semaphore_mem>>) src(%dma_wait3A_548 : memref<64x128xf32, #tpu.memory_space<vmem>>) dst(%dma_wait3A_544 : memref<64x128xf32, #tpu.memory_space<vmem_shared>>)
      tpu.yield
    }) : () -> ()
    %mul3A_33 = arith.constant 640 : i32
    %mul3A_34 = arith.muli %mul3A_33, %arg1 : i32
    %add3A_35 = arith.constant 320 : i32
    %add3A_36 = arith.addi %mul3A_34, %add3A_35 : i32
    %run_scoped3A_37 = arith.constant 0 : i32
    "tpu.region"() ({
      %run_scoped3A_524 = tpu.sem_alloc : memref<!tpu.dma_semaphore, #tpu.memory_space<semaphore_mem>>
      %dma_start3A_525 = arith.constant 0 : i32
      %dma_start3A_526 = arith.constant 0 : i32
      %dma_start3A_527 = tpu.memref_slice %arg8[%run_scoped3A_37, %dma_start3A_525, %dma_start3A_526] : memref<4x64x128xf32, #tpu.memory_space<vmem>> -> memref<1x64x128xf32, #tpu.memory_space<vmem>>
      %dma_start3A_528 = tpu.memref_squeeze %dma_start3A_527 : memref<1x64x128xf32, #tpu.memory_space<vmem>> -> memref<64x128xf32, #tpu.memory_space<vmem>>
      %dma_start3A_529 = arith.constant 0 : i32
      %dma_start3A_530 = tpu.memref_slice %arg9[%add3A_36, %dma_start3A_529] : memref<10240x128xf32, #tpu.memory_space<vmem_shared>> -> memref<64x128xf32, #tpu.memory_space<vmem_shared>>
      %dma_start3A_531 = arith.constant 0 : i32
      %dma_start3A_532 = tpu.memref_slice %arg9[%add3A_36, %dma_start3A_531] : memref<10240x128xf32, #tpu.memory_space<vmem_shared>> -> memref<64x128xf32, #tpu.memory_space<vmem_shared>>
      %dma_start3A_533 = arith.constant 0 : i32
      %dma_start3A_534 = arith.constant 0 : i32
      %dma_start3A_535 = tpu.memref_slice %arg8[%run_scoped3A_37, %dma_start3A_533, %dma_start3A_534] : memref<4x64x128xf32, #tpu.memory_space<vmem>> -> memref<1x64x128xf32, #tpu.memory_space<vmem>>
      %dma_start3A_536 = tpu.memref_squeeze %dma_start3A_535 : memref<1x64x128xf32, #tpu.memory_space<vmem>> -> memref<64x128xf32, #tpu.memory_space<vmem>>
      tpu.enqueue_dma source(%dma_start3A_536 : memref<64x128xf32, #tpu.memory_space<vmem>>) target(%dma_start3A_532 : memref<64x128xf32, #tpu.memory_space<vmem_shared>>) target_semaphore(%run_scoped3A_524 : memref<!tpu.dma_semaphore, #tpu.memory_space<semaphore_mem>>)
      %dma_wait3A_537 = arith.constant 0 : i32
      %dma_wait3A_538 = arith.constant 0 : i32
      %dma_wait3A_539 = tpu.memref_slice %arg8[%run_scoped3A_37, %dma_wait3A_537, %dma_wait3A_538] : memref<4x64x128xf32, #tpu.memory_space<vmem>> -> memref<1x64x128xf32, #tpu.memory_space<vmem>>
      %dma_wait3A_540 = tpu.memref_squeeze %dma_wait3A_539 : memref<1x64x128xf32, #tpu.memory_space<vmem>> -> memref<64x128xf32, #tpu.memory_space<vmem>>
      %dma_wait3A_541 = arith.constant 0 : i32
      %dma_wait3A_542 = tpu.memref_slice %arg9[%add3A_36, %dma_wait3A_541] : memref<10240x128xf32, #tpu.memory_space<vmem_shared>> -> memref<64x128xf32, #tpu.memory_space<vmem_shared>>
      %dma_wait3A_543 = arith.constant 0 : i32
      %dma_wait3A_544 = tpu.memref_slice %arg9[%add3A_36, %dma_wait3A_543] : memref<10240x128xf32, #tpu.memory_space<vmem_shared>> -> memref<64x128xf32, #tpu.memory_space<vmem_shared>>
      %dma_wait3A_545 = arith.constant 0 : i32
      %dma_wait3A_546 = arith.constant 0 : i32
      %dma_wait3A_547 = tpu.memref_slice %arg8[%run_scoped3A_37, %dma_wait3A_545, %dma_wait3A_546] : memref<4x64x128xf32, #tpu.memory_space<vmem>> -> memref<1x64x128xf32, #tpu.memory_space<vmem>>
      %dma_wait3A_548 = tpu.memref_squeeze %dma_wait3A_547 : memref<1x64x128xf32, #tpu.memory_space<vmem>> -> memref<64x128xf32, #tpu.memory_space<vmem>>
      tpu.wait_dma2 semaphore(%run_scoped3A_524 : memref<!tpu.dma_semaphore, #tpu.memory_space<semaphore_mem>>) src(%dma_wait3A_548 : memref<64x128xf32, #tpu.memory_space<vmem>>) dst(%dma_wait3A_544 : memref<64x128xf32, #tpu.memory_space<vmem_shared>>)
      tpu.yield
    }) : () -> ()
    %mul3A_38 = arith.constant 640 : i32
    %mul3A_39 = arith.muli %mul3A_38, %arg1 : i32
    %add3A_40 = arith.constant 384 : i32
    %add3A_41 = arith.addi %mul3A_39, %add3A_40 : i32
    %run_scoped3A_42 = arith.constant 0 : i32
    "tpu.region"() ({
      %run_scoped3A_524 = tpu.sem_alloc : memref<!tpu.dma_semaphore, #tpu.memory_space<semaphore_mem>>
      %dma_start3A_525 = arith.constant 0 : i32
      %dma_start3A_526 = arith.constant 0 : i32
      %dma_start3A_527 = tpu.memref_slice %arg8[%run_scoped3A_42, %dma_start3A_525, %dma_start3A_526] : memref<4x64x128xf32, #tpu.memory_space<vmem>> -> memref<1x64x128xf32, #tpu.memory_space<vmem>>
      %dma_start3A_528 = tpu.memref_squeeze %dma_start3A_527 : memref<1x64x128xf32, #tpu.memory_space<vmem>> -> memref<64x128xf32, #tpu.memory_space<vmem>>
      %dma_start3A_529 = arith.constant 0 : i32
      %dma_start3A_530 = tpu.memref_slice %arg9[%add3A_41, %dma_start3A_529] : memref<10240x128xf32, #tpu.memory_space<vmem_shared>> -> memref<64x128xf32, #tpu.memory_space<vmem_shared>>
      %dma_start3A_531 = arith.constant 0 : i32
      %dma_start3A_532 = tpu.memref_slice %arg9[%add3A_41, %dma_start3A_531] : memref<10240x128xf32, #tpu.memory_space<vmem_shared>> -> memref<64x128xf32, #tpu.memory_space<vmem_shared>>
      %dma_start3A_533 = arith.constant 0 : i32
      %dma_start3A_534 = arith.constant 0 : i32
      %dma_start3A_535 = tpu.memref_slice %arg8[%run_scoped3A_42, %dma_start3A_533, %dma_start3A_534] : memref<4x64x128xf32, #tpu.memory_space<vmem>> -> memref<1x64x128xf32, #tpu.memory_space<vmem>>
      %dma_start3A_536 = tpu.memref_squeeze %dma_start3A_535 : memref<1x64x128xf32, #tpu.memory_space<vmem>> -> memref<64x128xf32, #tpu.memory_space<vmem>>
      tpu.enqueue_dma source(%dma_start3A_536 : memref<64x128xf32, #tpu.memory_space<vmem>>) target(%dma_start3A_532 : memref<64x128xf32, #tpu.memory_space<vmem_shared>>) target_semaphore(%run_scoped3A_524 : memref<!tpu.dma_semaphore, #tpu.memory_space<semaphore_mem>>)
      %dma_wait3A_537 = arith.constant 0 : i32
      %dma_wait3A_538 = arith.constant 0 : i32
      %dma_wait3A_539 = tpu.memref_slice %arg8[%run_scoped3A_42, %dma_wait3A_537, %dma_wait3A_538] : memref<4x64x128xf32, #tpu.memory_space<vmem>> -> memref<1x64x128xf32, #tpu.memory_space<vmem>>
      %dma_wait3A_540 = tpu.memref_squeeze %dma_wait3A_539 : memref<1x64x128xf32, #tpu.memory_space<vmem>> -> memref<64x128xf32, #tpu.memory_space<vmem>>
      %dma_wait3A_541 = arith.constant 0 : i32
      %dma_wait3A_542 = tpu.memref_slice %arg9[%add3A_41, %dma_wait3A_541] : memref<10240x128xf32, #tpu.memory_space<vmem_shared>> -> memref<64x128xf32, #tpu.memory_space<vmem_shared>>
      %dma_wait3A_543 = arith.constant 0 : i32
      %dma_wait3A_544 = tpu.memref_slice %arg9[%add3A_41, %dma_wait3A_543] : memref<10240x128xf32, #tpu.memory_space<vmem_shared>> -> memref<64x128xf32, #tpu.memory_space<vmem_shared>>
      %dma_wait3A_545 = arith.constant 0 : i32
      %dma_wait3A_546 = arith.constant 0 : i32
      %dma_wait3A_547 = tpu.memref_slice %arg8[%run_scoped3A_42, %dma_wait3A_545, %dma_wait3A_546] : memref<4x64x128xf32, #tpu.memory_space<vmem>> -> memref<1x64x128xf32, #tpu.memory_space<vmem>>
      %dma_wait3A_548 = tpu.memref_squeeze %dma_wait3A_547 : memref<1x64x128xf32, #tpu.memory_space<vmem>> -> memref<64x128xf32, #tpu.memory_space<vmem>>
      tpu.wait_dma2 semaphore(%run_scoped3A_524 : memref<!tpu.dma_semaphore, #tpu.memory_space<semaphore_mem>>) src(%dma_wait3A_548 : memref<64x128xf32, #tpu.memory_space<vmem>>) dst(%dma_wait3A_544 : memref<64x128xf32, #tpu.memory_space<vmem_shared>>)
      tpu.yield
    }) : () -> ()
    %mul3A_43 = arith.constant 640 : i32
    %mul3A_44 = arith.muli %mul3A_43, %arg1 : i32
    %add3A_45 = arith.constant 448 : i32
    %add3A_46 = arith.addi %mul3A_44, %add3A_45 : i32
    %run_scoped3A_47 = arith.constant 0 : i32
    "tpu.region"() ({
      %run_scoped3A_524 = tpu.sem_alloc : memref<!tpu.dma_semaphore, #tpu.memory_space<semaphore_mem>>
      %dma_start3A_525 = arith.constant 0 : i32
      %dma_start3A_526 = arith.constant 0 : i32
      %dma_start3A_527 = tpu.memref_slice %arg8[%run_scoped3A_47, %dma_start3A_525, %dma_start3A_526] : memref<4x64x128xf32, #tpu.memory_space<vmem>> -> memref<1x64x128xf32, #tpu.memory_space<vmem>>
      %dma_start3A_528 = tpu.memref_squeeze %dma_start3A_527 : memref<1x64x128xf32, #tpu.memory_space<vmem>> -> memref<64x128xf32, #tpu.memory_space<vmem>>
      %dma_start3A_529 = arith.constant 0 : i32
      %dma_start3A_530 = tpu.memref_slice %arg9[%add3A_46, %dma_start3A_529] : memref<10240x128xf32, #tpu.memory_space<vmem_shared>> -> memref<64x128xf32, #tpu.memory_space<vmem_shared>>
      %dma_start3A_531 = arith.constant 0 : i32
      %dma_start3A_532 = tpu.memref_slice %arg9[%add3A_46, %dma_start3A_531] : memref<10240x128xf32, #tpu.memory_space<vmem_shared>> -> memref<64x128xf32, #tpu.memory_space<vmem_shared>>
      %dma_start3A_533 = arith.constant 0 : i32
      %dma_start3A_534 = arith.constant 0 : i32
      %dma_start3A_535 = tpu.memref_slice %arg8[%run_scoped3A_47, %dma_start3A_533, %dma_start3A_534] : memref<4x64x128xf32, #tpu.memory_space<vmem>> -> memref<1x64x128xf32, #tpu.memory_space<vmem>>
      %dma_start3A_536 = tpu.memref_squeeze %dma_start3A_535 : memref<1x64x128xf32, #tpu.memory_space<vmem>> -> memref<64x128xf32, #tpu.memory_space<vmem>>
      tpu.enqueue_dma source(%dma_start3A_536 : memref<64x128xf32, #tpu.memory_space<vmem>>) target(%dma_start3A_532 : memref<64x128xf32, #tpu.memory_space<vmem_shared>>) target_semaphore(%run_scoped3A_524 : memref<!tpu.dma_semaphore, #tpu.memory_space<semaphore_mem>>)
      %dma_wait3A_537 = arith.constant 0 : i32
      %dma_wait3A_538 = arith.constant 0 : i32
      %dma_wait3A_539 = tpu.memref_slice %arg8[%run_scoped3A_47, %dma_wait3A_537, %dma_wait3A_538] : memref<4x64x128xf32, #tpu.memory_space<vmem>> -> memref<1x64x128xf32, #tpu.memory_space<vmem>>
      %dma_wait3A_540 = tpu.memref_squeeze %dma_wait3A_539 : memref<1x64x128xf32, #tpu.memory_space<vmem>> -> memref<64x128xf32, #tpu.memory_space<vmem>>
      %dma_wait3A_541 = arith.constant 0 : i32
      %dma_wait3A_542 = tpu.memref_slice %arg9[%add3A_46, %dma_wait3A_541] : memref<10240x128xf32, #tpu.memory_space<vmem_shared>> -> memref<64x128xf32, #tpu.memory_space<vmem_shared>>
      %dma_wait3A_543 = arith.constant 0 : i32
      %dma_wait3A_544 = tpu.memref_slice %arg9[%add3A_46, %dma_wait3A_543] : memref<10240x128xf32, #tpu.memory_space<vmem_shared>> -> memref<64x128xf32, #tpu.memory_space<vmem_shared>>
      %dma_wait3A_545 = arith.constant 0 : i32
      %dma_wait3A_546 = arith.constant 0 : i32
      %dma_wait3A_547 = tpu.memref_slice %arg8[%run_scoped3A_47, %dma_wait3A_545, %dma_wait3A_546] : memref<4x64x128xf32, #tpu.memory_space<vmem>> -> memref<1x64x128xf32, #tpu.memory_space<vmem>>
      %dma_wait3A_548 = tpu.memref_squeeze %dma_wait3A_547 : memref<1x64x128xf32, #tpu.memory_space<vmem>> -> memref<64x128xf32, #tpu.memory_space<vmem>>
      tpu.wait_dma2 semaphore(%run_scoped3A_524 : memref<!tpu.dma_semaphore, #tpu.memory_space<semaphore_mem>>) src(%dma_wait3A_548 : memref<64x128xf32, #tpu.memory_space<vmem>>) dst(%dma_wait3A_544 : memref<64x128xf32, #tpu.memory_space<vmem_shared>>)
      tpu.yield
    }) : () -> ()
    %mul3A_48 = arith.constant 640 : i32
    %mul3A_49 = arith.muli %mul3A_48, %arg1 : i32
    %add3A_50 = arith.constant 512 : i32
    %add3A_51 = arith.addi %mul3A_49, %add3A_50 : i32
    %run_scoped3A_52 = arith.constant 0 : i32
    "tpu.region"() ({
      %run_scoped3A_524 = tpu.sem_alloc : memref<!tpu.dma_semaphore, #tpu.memory_space<semaphore_mem>>
      %dma_start3A_525 = arith.constant 0 : i32
      %dma_start3A_526 = arith.constant 0 : i32
      %dma_start3A_527 = tpu.memref_slice %arg8[%run_scoped3A_52, %dma_start3A_525, %dma_start3A_526] : memref<4x64x128xf32, #tpu.memory_space<vmem>> -> memref<1x64x128xf32, #tpu.memory_space<vmem>>
      %dma_start3A_528 = tpu.memref_squeeze %dma_start3A_527 : memref<1x64x128xf32, #tpu.memory_space<vmem>> -> memref<64x128xf32, #tpu.memory_space<vmem>>
      %dma_start3A_529 = arith.constant 0 : i32
      %dma_start3A_530 = tpu.memref_slice %arg9[%add3A_51, %dma_start3A_529] : memref<10240x128xf32, #tpu.memory_space<vmem_shared>> -> memref<64x128xf32, #tpu.memory_space<vmem_shared>>
      %dma_start3A_531 = arith.constant 0 : i32
      %dma_start3A_532 = tpu.memref_slice %arg9[%add3A_51, %dma_start3A_531] : memref<10240x128xf32, #tpu.memory_space<vmem_shared>> -> memref<64x128xf32, #tpu.memory_space<vmem_shared>>
      %dma_start3A_533 = arith.constant 0 : i32
      %dma_start3A_534 = arith.constant 0 : i32
      %dma_start3A_535 = tpu.memref_slice %arg8[%run_scoped3A_52, %dma_start3A_533, %dma_start3A_534] : memref<4x64x128xf32, #tpu.memory_space<vmem>> -> memref<1x64x128xf32, #tpu.memory_space<vmem>>
      %dma_start3A_536 = tpu.memref_squeeze %dma_start3A_535 : memref<1x64x128xf32, #tpu.memory_space<vmem>> -> memref<64x128xf32, #tpu.memory_space<vmem>>
      tpu.enqueue_dma source(%dma_start3A_536 : memref<64x128xf32, #tpu.memory_space<vmem>>) target(%dma_start3A_532 : memref<64x128xf32, #tpu.memory_space<vmem_shared>>) target_semaphore(%run_scoped3A_524 : memref<!tpu.dma_semaphore, #tpu.memory_space<semaphore_mem>>)
      %dma_wait3A_537 = arith.constant 0 : i32
      %dma_wait3A_538 = arith.constant 0 : i32
      %dma_wait3A_539 = tpu.memref_slice %arg8[%run_scoped3A_52, %dma_wait3A_537, %dma_wait3A_538] : memref<4x64x128xf32, #tpu.memory_space<vmem>> -> memref<1x64x128xf32, #tpu.memory_space<vmem>>
      %dma_wait3A_540 = tpu.memref_squeeze %dma_wait3A_539 : memref<1x64x128xf32, #tpu.memory_space<vmem>> -> memref<64x128xf32, #tpu.memory_space<vmem>>
      %dma_wait3A_541 = arith.constant 0 : i32
      %dma_wait3A_542 = tpu.memref_slice %arg9[%add3A_51, %dma_wait3A_541] : memref<10240x128xf32, #tpu.memory_space<vmem_shared>> -> memref<64x128xf32, #tpu.memory_space<vmem_shared>>
      %dma_wait3A_543 = arith.constant 0 : i32
      %dma_wait3A_544 = tpu.memref_slice %arg9[%add3A_51, %dma_wait3A_543] : memref<10240x128xf32, #tpu.memory_space<vmem_shared>> -> memref<64x128xf32, #tpu.memory_space<vmem_shared>>
      %dma_wait3A_545 = arith.constant 0 : i32
      %dma_wait3A_546 = arith.constant 0 : i32
      %dma_wait3A_547 = tpu.memref_slice %arg8[%run_scoped3A_52, %dma_wait3A_545, %dma_wait3A_546] : memref<4x64x128xf32, #tpu.memory_space<vmem>> -> memref<1x64x128xf32, #tpu.memory_space<vmem>>
      %dma_wait3A_548 = tpu.memref_squeeze %dma_wait3A_547 : memref<1x64x128xf32, #tpu.memory_space<vmem>> -> memref<64x128xf32, #tpu.memory_space<vmem>>
      tpu.wait_dma2 semaphore(%run_scoped3A_524 : memref<!tpu.dma_semaphore, #tpu.memory_space<semaphore_mem>>) src(%dma_wait3A_548 : memref<64x128xf32, #tpu.memory_space<vmem>>) dst(%dma_wait3A_544 : memref<64x128xf32, #tpu.memory_space<vmem_shared>>)
      tpu.yield
    }) : () -> ()
    %mul3A_53 = arith.constant 640 : i32
    %mul3A_54 = arith.muli %mul3A_53, %arg1 : i32
    %add3A_55 = arith.constant 576 : i32
    %add3A_56 = arith.addi %mul3A_54, %add3A_55 : i32
    %run_scoped3A_57 = arith.constant 0 : i32
    "tpu.region"() ({
      %run_scoped3A_524 = tpu.sem_alloc : memref<!tpu.dma_semaphore, #tpu.memory_space<semaphore_mem>>
      %dma_start3A_525 = arith.constant 0 : i32
      %dma_start3A_526 = arith.constant 0 : i32
      %dma_start3A_527 = tpu.memref_slice %arg8[%run_scoped3A_57, %dma_start3A_525, %dma_start3A_526] : memref<4x64x128xf32, #tpu.memory_space<vmem>> -> memref<1x64x128xf32, #tpu.memory_space<vmem>>
      %dma_start3A_528 = tpu.memref_squeeze %dma_start3A_527 : memref<1x64x128xf32, #tpu.memory_space<vmem>> -> memref<64x128xf32, #tpu.memory_space<vmem>>
      %dma_start3A_529 = arith.constant 0 : i32
      %dma_start3A_530 = tpu.memref_slice %arg9[%add3A_56, %dma_start3A_529] : memref<10240x128xf32, #tpu.memory_space<vmem_shared>> -> memref<64x128xf32, #tpu.memory_space<vmem_shared>>
      %dma_start3A_531 = arith.constant 0 : i32
      %dma_start3A_532 = tpu.memref_slice %arg9[%add3A_56, %dma_start3A_531] : memref<10240x128xf32, #tpu.memory_space<vmem_shared>> -> memref<64x128xf32, #tpu.memory_space<vmem_shared>>
      %dma_start3A_533 = arith.constant 0 : i32
      %dma_start3A_534 = arith.constant 0 : i32
      %dma_start3A_535 = tpu.memref_slice %arg8[%run_scoped3A_57, %dma_start3A_533, %dma_start3A_534] : memref<4x64x128xf32, #tpu.memory_space<vmem>> -> memref<1x64x128xf32, #tpu.memory_space<vmem>>
      %dma_start3A_536 = tpu.memref_squeeze %dma_start3A_535 : memref<1x64x128xf32, #tpu.memory_space<vmem>> -> memref<64x128xf32, #tpu.memory_space<vmem>>
      tpu.enqueue_dma source(%dma_start3A_536 : memref<64x128xf32, #tpu.memory_space<vmem>>) target(%dma_start3A_532 : memref<64x128xf32, #tpu.memory_space<vmem_shared>>) target_semaphore(%run_scoped3A_524 : memref<!tpu.dma_semaphore, #tpu.memory_space<semaphore_mem>>)
      %dma_wait3A_537 = arith.constant 0 : i32
      %dma_wait3A_538 = arith.constant 0 : i32
      %dma_wait3A_539 = tpu.memref_slice %arg8[%run_scoped3A_57, %dma_wait3A_537, %dma_wait3A_538] : memref<4x64x128xf32, #tpu.memory_space<vmem>> -> memref<1x64x128xf32, #tpu.memory_space<vmem>>
      %dma_wait3A_540 = tpu.memref_squeeze %dma_wait3A_539 : memref<1x64x128xf32, #tpu.memory_space<vmem>> -> memref<64x128xf32, #tpu.memory_space<vmem>>
      %dma_wait3A_541 = arith.constant 0 : i32
      %dma_wait3A_542 = tpu.memref_slice %arg9[%add3A_56, %dma_wait3A_541] : memref<10240x128xf32, #tpu.memory_space<vmem_shared>> -> memref<64x128xf32, #tpu.memory_space<vmem_shared>>
      %dma_wait3A_543 = arith.constant 0 : i32
      %dma_wait3A_544 = tpu.memref_slice %arg9[%add3A_56, %dma_wait3A_543] : memref<10240x128xf32, #tpu.memory_space<vmem_shared>> -> memref<64x128xf32, #tpu.memory_space<vmem_shared>>
      %dma_wait3A_545 = arith.constant 0 : i32
      %dma_wait3A_546 = arith.constant 0 : i32
      %dma_wait3A_547 = tpu.memref_slice %arg8[%run_scoped3A_57, %dma_wait3A_545, %dma_wait3A_546] : memref<4x64x128xf32, #tpu.memory_space<vmem>> -> memref<1x64x128xf32, #tpu.memory_space<vmem>>
      %dma_wait3A_548 = tpu.memref_squeeze %dma_wait3A_547 : memref<1x64x128xf32, #tpu.memory_space<vmem>> -> memref<64x128xf32, #tpu.memory_space<vmem>>
      tpu.wait_dma2 semaphore(%run_scoped3A_524 : memref<!tpu.dma_semaphore, #tpu.memory_space<semaphore_mem>>) src(%dma_wait3A_548 : memref<64x128xf32, #tpu.memory_space<vmem>>) dst(%dma_wait3A_544 : memref<64x128xf32, #tpu.memory_space<vmem_shared>>)
      tpu.yield
    }) : () -> ()
    %barrier3A = arith.constant 0 : index
    tpu.barrier barrier_id(%barrier3A)
    %run_scoped3A_58 = arith.constant 0 : i32
    %run_scoped3A_59 = arith.constant 0 : i32
    "tpu.region"() ({
      %run_scoped3A_524 = tpu.sem_alloc : memref<!tpu.dma_semaphore, #tpu.memory_space<semaphore_mem>>
      %dma_start3A_525 = arith.constant 0 : i32
      %dma_start3A_526 = arith.constant 0 : i32
      %dma_start3A_527 = tpu.memref_slice %arg6[%run_scoped3A_59, %dma_start3A_525, %dma_start3A_526] : memref<2x8x64xi32, #tpu.memory_space<vmem>> -> memref<1x8x64xi32, #tpu.memory_space<vmem>>
      %dma_start3A_528 = tpu.memref_squeeze %dma_start3A_527 : memref<1x8x64xi32, #tpu.memory_space<vmem>> -> memref<8x64xi32, #tpu.memory_space<vmem>>
      %dma_start3A_529 = arith.constant 0 : i32
      %dma_start3A_530 = arith.constant 0 : i32
      %dma_start3A_531 = tpu.memref_slice %arg3[%add3A, %run_scoped3A_58, %dma_start3A_529, %dma_start3A_530] : memref<32x20x8x64xi32, #tpu.memory_space<hbm>> -> memref<1x1x8x64xi32, #tpu.memory_space<hbm>>
      %dma_start3A_532 = tpu.memref_squeeze %dma_start3A_531 : memref<1x1x8x64xi32, #tpu.memory_space<hbm>> -> memref<8x64xi32, #tpu.memory_space<hbm>>
      %dma_start3A_533 = arith.constant 0 : i32
      %dma_start3A_534 = arith.constant 0 : i32
      %dma_start3A_535 = tpu.memref_slice %arg6[%run_scoped3A_59, %dma_start3A_533, %dma_start3A_534] : memref<2x8x64xi32, #tpu.memory_space<vmem>> -> memref<1x8x64xi32, #tpu.memory_space<vmem>>
      %dma_start3A_536 = tpu.memref_squeeze %dma_start3A_535 : memref<1x8x64xi32, #tpu.memory_space<vmem>> -> memref<8x64xi32, #tpu.memory_space<vmem>>
      %dma_start3A_537 = arith.constant 0 : i32
      %dma_start3A_538 = arith.constant 0 : i32
      %dma_start3A_539 = tpu.memref_slice %arg3[%add3A, %run_scoped3A_58, %dma_start3A_537, %dma_start3A_538] : memref<32x20x8x64xi32, #tpu.memory_space<hbm>> -> memref<1x1x8x64xi32, #tpu.memory_space<hbm>>
      %dma_start3A_540 = tpu.memref_squeeze %dma_start3A_539 : memref<1x1x8x64xi32, #tpu.memory_space<hbm>> -> memref<8x64xi32, #tpu.memory_space<hbm>>
      tpu.enqueue_dma source(%dma_start3A_540 : memref<8x64xi32, #tpu.memory_space<hbm>>) target(%dma_start3A_536 : memref<8x64xi32, #tpu.memory_space<vmem>>) target_semaphore(%run_scoped3A_524 : memref<!tpu.dma_semaphore, #tpu.memory_space<semaphore_mem>>)
      %dma_wait3A_541 = arith.constant 0 : i32
      %dma_wait3A_542 = arith.constant 0 : i32
      %dma_wait3A_543 = tpu.memref_slice %arg6[%run_scoped3A_59, %dma_wait3A_541, %dma_wait3A_542] : memref<2x8x64xi32, #tpu.memory_space<vmem>> -> memref<1x8x64xi32, #tpu.memory_space<vmem>>
      %dma_wait3A_544 = tpu.memref_squeeze %dma_wait3A_543 : memref<1x8x64xi32, #tpu.memory_space<vmem>> -> memref<8x64xi32, #tpu.memory_space<vmem>>
      %dma_wait3A_545 = arith.constant 0 : i32
      %dma_wait3A_546 = arith.constant 0 : i32
      %dma_wait3A_547 = tpu.memref_slice %arg3[%add3A, %run_scoped3A_58, %dma_wait3A_545, %dma_wait3A_546] : memref<32x20x8x64xi32, #tpu.memory_space<hbm>> -> memref<1x1x8x64xi32, #tpu.memory_space<hbm>>
      %dma_wait3A_548 = tpu.memref_squeeze %dma_wait3A_547 : memref<1x1x8x64xi32, #tpu.memory_space<hbm>> -> memref<8x64xi32, #tpu.memory_space<hbm>>
      %dma_wait3A_549 = arith.constant 0 : i32
      %dma_wait3A_550 = arith.constant 0 : i32
      %dma_wait3A_551 = tpu.memref_slice %arg6[%run_scoped3A_59, %dma_wait3A_549, %dma_wait3A_550] : memref<2x8x64xi32, #tpu.memory_space<vmem>> -> memref<1x8x64xi32, #tpu.memory_space<vmem>>
      %dma_wait3A_552 = tpu.memref_squeeze %dma_wait3A_551 : memref<1x8x64xi32, #tpu.memory_space<vmem>> -> memref<8x64xi32, #tpu.memory_space<vmem>>
      %dma_wait3A_553 = arith.constant 0 : i32
      %dma_wait3A_554 = arith.constant 0 : i32
      %dma_wait3A_555 = tpu.memref_slice %arg3[%add3A, %run_scoped3A_58, %dma_wait3A_553, %dma_wait3A_554] : memref<32x20x8x64xi32, #tpu.memory_space<hbm>> -> memref<1x1x8x64xi32, #tpu.memory_space<hbm>>
      %dma_wait3A_556 = tpu.memref_squeeze %dma_wait3A_555 : memref<1x1x8x64xi32, #tpu.memory_space<hbm>> -> memref<8x64xi32, #tpu.memory_space<hbm>>
      tpu.wait_dma2 semaphore(%run_scoped3A_524 : memref<!tpu.dma_semaphore, #tpu.memory_space<semaphore_mem>>) src(%dma_wait3A_556 : memref<8x64xi32, #tpu.memory_space<hbm>>) dst(%dma_wait3A_552 : memref<8x64xi32, #tpu.memory_space<vmem>>)
      tpu.yield
    }) : () -> ()
    %run_scoped3A_60 = arith.constant 0 : i32
    %run_scoped3A_61 = arith.constant 0 : i32
    "tpu.region"() ({
      %run_scoped3A_524 = tpu.sem_alloc : memref<!tpu.dma_semaphore, #tpu.memory_space<semaphore_mem>>
      %dma_start3A_525 = arith.constant 0 : i32
      %dma_start3A_526 = arith.constant 0 : i32
      %dma_start3A_527 = tpu.memref_slice %arg7[%run_scoped3A_61, %dma_start3A_525, %dma_start3A_526] : memref<2x8x64xi32, #tpu.memory_space<vmem>> -> memref<1x8x64xi32, #tpu.memory_space<vmem>>
      %dma_start3A_528 = tpu.memref_squeeze %dma_start3A_527 : memref<1x8x64xi32, #tpu.memory_space<vmem>> -> memref<8x64xi32, #tpu.memory_space<vmem>>
      %dma_start3A_529 = arith.constant 0 : i32
      %dma_start3A_530 = arith.constant 0 : i32
      %dma_start3A_531 = tpu.memref_slice %arg4[%add3A, %run_scoped3A_60, %dma_start3A_529, %dma_start3A_530] : memref<32x20x8x64xi32, #tpu.memory_space<hbm>> -> memref<1x1x8x64xi32, #tpu.memory_space<hbm>>
      %dma_start3A_532 = tpu.memref_squeeze %dma_start3A_531 : memref<1x1x8x64xi32, #tpu.memory_space<hbm>> -> memref<8x64xi32, #tpu.memory_space<hbm>>
      %dma_start3A_533 = arith.constant 0 : i32
      %dma_start3A_534 = arith.constant 0 : i32
      %dma_start3A_535 = tpu.memref_slice %arg7[%run_scoped3A_61, %dma_start3A_533, %dma_start3A_534] : memref<2x8x64xi32, #tpu.memory_space<vmem>> -> memref<1x8x64xi32, #tpu.memory_space<vmem>>
      %dma_start3A_536 = tpu.memref_squeeze %dma_start3A_535 : memref<1x8x64xi32, #tpu.memory_space<vmem>> -> memref<8x64xi32, #tpu.memory_space<vmem>>
      %dma_start3A_537 = arith.constant 0 : i32
      %dma_start3A_538 = arith.constant 0 : i32
      %dma_start3A_539 = tpu.memref_slice %arg4[%add3A, %run_scoped3A_60, %dma_start3A_537, %dma_start3A_538] : memref<32x20x8x64xi32, #tpu.memory_space<hbm>> -> memref<1x1x8x64xi32, #tpu.memory_space<hbm>>
      %dma_start3A_540 = tpu.memref_squeeze %dma_start3A_539 : memref<1x1x8x64xi32, #tpu.memory_space<hbm>> -> memref<8x64xi32, #tpu.memory_space<hbm>>
      tpu.enqueue_dma source(%dma_start3A_540 : memref<8x64xi32, #tpu.memory_space<hbm>>) target(%dma_start3A_536 : memref<8x64xi32, #tpu.memory_space<vmem>>) target_semaphore(%run_scoped3A_524 : memref<!tpu.dma_semaphore, #tpu.memory_space<semaphore_mem>>)
      %dma_wait3A_541 = arith.constant 0 : i32
      %dma_wait3A_542 = arith.constant 0 : i32
      %dma_wait3A_543 = tpu.memref_slice %arg7[%run_scoped3A_61, %dma_wait3A_541, %dma_wait3A_542] : memref<2x8x64xi32, #tpu.memory_space<vmem>> -> memref<1x8x64xi32, #tpu.memory_space<vmem>>
      %dma_wait3A_544 = tpu.memref_squeeze %dma_wait3A_543 : memref<1x8x64xi32, #tpu.memory_space<vmem>> -> memref<8x64xi32, #tpu.memory_space<vmem>>
      %dma_wait3A_545 = arith.constant 0 : i32
      %dma_wait3A_546 = arith.constant 0 : i32
      %dma_wait3A_547 = tpu.memref_slice %arg4[%add3A, %run_scoped3A_60, %dma_wait3A_545, %dma_wait3A_546] : memref<32x20x8x64xi32, #tpu.memory_space<hbm>> -> memref<1x1x8x64xi32, #tpu.memory_space<hbm>>
      %dma_wait3A_548 = tpu.memref_squeeze %dma_wait3A_547 : memref<1x1x8x64xi32, #tpu.memory_space<hbm>> -> memref<8x64xi32, #tpu.memory_space<hbm>>
      %dma_wait3A_549 = arith.constant 0 : i32
      %dma_wait3A_550 = arith.constant 0 : i32
      %dma_wait3A_551 = tpu.memref_slice %arg7[%run_scoped3A_61, %dma_wait3A_549, %dma_wait3A_550] : memref<2x8x64xi32, #tpu.memory_space<vmem>> -> memref<1x8x64xi32, #tpu.memory_space<vmem>>
      %dma_wait3A_552 = tpu.memref_squeeze %dma_wait3A_551 : memref<1x8x64xi32, #tpu.memory_space<vmem>> -> memref<8x64xi32, #tpu.memory_space<vmem>>
      %dma_wait3A_553 = arith.constant 0 : i32
      %dma_wait3A_554 = arith.constant 0 : i32
      %dma_wait3A_555 = tpu.memref_slice %arg4[%add3A, %run_scoped3A_60, %dma_wait3A_553, %dma_wait3A_554] : memref<32x20x8x64xi32, #tpu.memory_space<hbm>> -> memref<1x1x8x64xi32, #tpu.memory_space<hbm>>
      %dma_wait3A_556 = tpu.memref_squeeze %dma_wait3A_555 : memref<1x1x8x64xi32, #tpu.memory_space<hbm>> -> memref<8x64xi32, #tpu.memory_space<hbm>>
      tpu.wait_dma2 semaphore(%run_scoped3A_524 : memref<!tpu.dma_semaphore, #tpu.memory_space<semaphore_mem>>) src(%dma_wait3A_556 : memref<8x64xi32, #tpu.memory_space<hbm>>) dst(%dma_wait3A_552 : memref<8x64xi32, #tpu.memory_space<vmem>>)
      tpu.yield
    }) : () -> ()
    %dma_start3A = arith.constant 0 : i32
    %dma_start3A_62 = arith.constant 0 : i32
    %dma_start3A_63 = arith.constant 0 : i32
    %dma_start3A_64 = arith.constant 0 : i32
    %dma_start3A_65 = arith.constant 0 : i32
    %dma_start3A_66 = tpu.memref_slice %arg8[%dma_start3A_63, %dma_start3A_64, %dma_start3A_65] : memref<4x64x128xf32, #tpu.memory_space<vmem>> -> memref<1x64x128xf32, #tpu.memory_space<vmem>>
    %dma_start3A_67 = tpu.memref_squeeze %dma_start3A_66 : memref<1x64x128xf32, #tpu.memory_space<vmem>> -> memref<64x128xf32, #tpu.memory_space<vmem>>
    %dma_start3A_68 = arith.constant 0 : i32
    %dma_start3A_69 = tpu.memref_slice %arg6[%dma_start3A, %dma_start3A_62, %dma_start3A_68] : memref<2x8x64xi32, #tpu.memory_space<vmem>> -> memref<1x1x64xi32, #tpu.memory_space<vmem>>
    %dma_start3A_70 = tpu.memref_squeeze %dma_start3A_69 : memref<1x1x64xi32, #tpu.memory_space<vmem>> -> memref<64xi32, #tpu.memory_space<vmem>>
    %dma_start3A_71 = arith.constant 0 : i32
    %dma_start3A_72 = arith.constant 0 : i32
    %dma_start3A_73 = tpu.memref_slice %arg2[%dma_start3A_71, %dma_start3A_72] : memref<10000x128xf32, #tpu.memory_space<hbm>> -> memref<10000x128xf32, #tpu.memory_space<hbm>>
    tpu.enqueue_indirect_dma source(%dma_start3A_73 : memref<10000x128xf32, #tpu.memory_space<hbm>>) target(%dma_start3A_67 : memref<64x128xf32, #tpu.memory_space<vmem>>) offsets(%dma_start3A_70 : memref<64xi32, #tpu.memory_space<vmem>>) semaphore(%arg11 : memref<!tpu.dma_semaphore, #tpu.memory_space<semaphore_mem>>)
    %dma_start3A_74 = arith.constant 0 : i32
    %dma_start3A_75 = arith.constant 1 : i32
    %dma_start3A_76 = arith.constant 1 : i32
    %dma_start3A_77 = arith.constant 0 : i32
    %dma_start3A_78 = arith.constant 0 : i32
    %dma_start3A_79 = tpu.memref_slice %arg8[%dma_start3A_76, %dma_start3A_77, %dma_start3A_78] : memref<4x64x128xf32, #tpu.memory_space<vmem>> -> memref<1x64x128xf32, #tpu.memory_space<vmem>>
    %dma_start3A_80 = tpu.memref_squeeze %dma_start3A_79 : memref<1x64x128xf32, #tpu.memory_space<vmem>> -> memref<64x128xf32, #tpu.memory_space<vmem>>
    %dma_start3A_81 = arith.constant 0 : i32
    %dma_start3A_82 = tpu.memref_slice %arg6[%dma_start3A_74, %dma_start3A_75, %dma_start3A_81] : memref<2x8x64xi32, #tpu.memory_space<vmem>> -> memref<1x1x64xi32, #tpu.memory_space<vmem>>
    %dma_start3A_83 = tpu.memref_squeeze %dma_start3A_82 : memref<1x1x64xi32, #tpu.memory_space<vmem>> -> memref<64xi32, #tpu.memory_space<vmem>>
    %dma_start3A_84 = arith.constant 0 : i32
    %dma_start3A_85 = arith.constant 0 : i32
    %dma_start3A_86 = tpu.memref_slice %arg2[%dma_start3A_84, %dma_start3A_85] : memref<10000x128xf32, #tpu.memory_space<hbm>> -> memref<10000x128xf32, #tpu.memory_space<hbm>>
    tpu.enqueue_indirect_dma source(%dma_start3A_86 : memref<10000x128xf32, #tpu.memory_space<hbm>>) target(%dma_start3A_80 : memref<64x128xf32, #tpu.memory_space<vmem>>) offsets(%dma_start3A_83 : memref<64xi32, #tpu.memory_space<vmem>>) semaphore(%arg12 : memref<!tpu.dma_semaphore, #tpu.memory_space<semaphore_mem>>)
    %dma_start3A_87 = arith.constant 0 : i32
    %dma_start3A_88 = arith.constant 2 : i32
    %dma_start3A_89 = arith.constant 2 : i32
    %dma_start3A_90 = arith.constant 0 : i32
    %dma_start3A_91 = arith.constant 0 : i32
    %dma_start3A_92 = tpu.memref_slice %arg8[%dma_start3A_89, %dma_start3A_90, %dma_start3A_91] : memref<4x64x128xf32, #tpu.memory_space<vmem>> -> memref<1x64x128xf32, #tpu.memory_space<vmem>>
    %dma_start3A_93 = tpu.memref_squeeze %dma_start3A_92 : memref<1x64x128xf32, #tpu.memory_space<vmem>> -> memref<64x128xf32, #tpu.memory_space<vmem>>
    %dma_start3A_94 = arith.constant 0 : i32
    %dma_start3A_95 = tpu.memref_slice %arg6[%dma_start3A_87, %dma_start3A_88, %dma_start3A_94] : memref<2x8x64xi32, #tpu.memory_space<vmem>> -> memref<1x1x64xi32, #tpu.memory_space<vmem>>
    %dma_start3A_96 = tpu.memref_squeeze %dma_start3A_95 : memref<1x1x64xi32, #tpu.memory_space<vmem>> -> memref<64xi32, #tpu.memory_space<vmem>>
    %dma_start3A_97 = arith.constant 0 : i32
    %dma_start3A_98 = arith.constant 0 : i32
    %dma_start3A_99 = tpu.memref_slice %arg2[%dma_start3A_97, %dma_start3A_98] : memref<10000x128xf32, #tpu.memory_space<hbm>> -> memref<10000x128xf32, #tpu.memory_space<hbm>>
    tpu.enqueue_indirect_dma source(%dma_start3A_99 : memref<10000x128xf32, #tpu.memory_space<hbm>>) target(%dma_start3A_93 : memref<64x128xf32, #tpu.memory_space<vmem>>) offsets(%dma_start3A_96 : memref<64xi32, #tpu.memory_space<vmem>>) semaphore(%arg13 : memref<!tpu.dma_semaphore, #tpu.memory_space<semaphore_mem>>)
    %dma_wait3A = arith.constant 0 : i32
    %dma_wait3A_100 = arith.constant 0 : i32
    %dma_wait3A_101 = arith.constant 0 : i32
    %dma_wait3A_102 = arith.constant 0 : i32
    %dma_wait3A_103 = arith.constant 0 : i32
    %dma_wait3A_104 = tpu.memref_slice %arg8[%dma_wait3A_101, %dma_wait3A_102, %dma_wait3A_103] : memref<4x64x128xf32, #tpu.memory_space<vmem>> -> memref<1x64x128xf32, #tpu.memory_space<vmem>>
    %dma_wait3A_105 = tpu.memref_squeeze %dma_wait3A_104 : memref<1x64x128xf32, #tpu.memory_space<vmem>> -> memref<64x128xf32, #tpu.memory_space<vmem>>
    %dma_wait3A_106 = arith.constant 0 : i32
    %dma_wait3A_107 = tpu.memref_slice %arg6[%dma_wait3A, %dma_wait3A_100, %dma_wait3A_106] : memref<2x8x64xi32, #tpu.memory_space<vmem>> -> memref<1x1x64xi32, #tpu.memory_space<vmem>>
    %dma_wait3A_108 = tpu.memref_squeeze %dma_wait3A_107 : memref<1x1x64xi32, #tpu.memory_space<vmem>> -> memref<64xi32, #tpu.memory_space<vmem>>
    %dma_wait3A_109 = arith.constant 0 : i32
    %dma_wait3A_110 = arith.constant 0 : i32
    %dma_wait3A_111 = tpu.memref_slice %arg2[%dma_wait3A_109, %dma_wait3A_110] : memref<10000x128xf32, #tpu.memory_space<hbm>> -> memref<10000x128xf32, #tpu.memory_space<hbm>>
    tpu.wait_indirect_dma semaphore(%arg11 : memref<!tpu.dma_semaphore, #tpu.memory_space<semaphore_mem>>) src(%dma_wait3A_111 : memref<10000x128xf32, #tpu.memory_space<hbm>>) dst(%dma_wait3A_105 : memref<64x128xf32, #tpu.memory_space<vmem>>)
    %dma_start3A_112 = arith.constant 0 : i32
    %dma_start3A_113 = arith.constant 0 : i32
    %dma_start3A_114 = arith.constant 0 : i32
    %dma_start3A_115 = arith.constant 0 : i32
    %dma_start3A_116 = arith.constant 0 : i32
    %dma_start3A_117 = tpu.memref_slice %arg8[%dma_start3A_112, %dma_start3A_115, %dma_start3A_116] : memref<4x64x128xf32, #tpu.memory_space<vmem>> -> memref<1x64x128xf32, #tpu.memory_space<vmem>>
    %dma_start3A_118 = tpu.memref_squeeze %dma_start3A_117 : memref<1x64x128xf32, #tpu.memory_space<vmem>> -> memref<64x128xf32, #tpu.memory_space<vmem>>
    %dma_start3A_119 = arith.constant 0 : i32
    %dma_start3A_120 = tpu.memref_slice %arg7[%dma_start3A_113, %dma_start3A_114, %dma_start3A_119] : memref<2x8x64xi32, #tpu.memory_space<vmem>> -> memref<1x1x64xi32, #tpu.memory_space<vmem>>
    %dma_start3A_121 = tpu.memref_squeeze %dma_start3A_120 : memref<1x1x64xi32, #tpu.memory_space<vmem>> -> memref<64xi32, #tpu.memory_space<vmem>>
    %dma_start3A_122 = arith.constant 0 : i32
    %dma_start3A_123 = arith.constant 0 : i32
    %dma_start3A_124 = tpu.memref_slice %arg9[%dma_start3A_122, %dma_start3A_123] : memref<10240x128xf32, #tpu.memory_space<vmem_shared>> -> memref<10240x128xf32, #tpu.memory_space<vmem_shared>>
    tpu.enqueue_indirect_dma source(%dma_start3A_118 : memref<64x128xf32, #tpu.memory_space<vmem>>) target(%dma_start3A_124 : memref<10240x128xf32, #tpu.memory_space<vmem_shared>>) offsets(%dma_start3A_121 : memref<64xi32, #tpu.memory_space<vmem>>) semaphore(%arg15 : memref<!tpu.dma_semaphore, #tpu.memory_space<semaphore_mem>>) {add = true}
    %dma_start3A_125 = arith.constant 0 : i32
    %dma_start3A_126 = arith.constant 3 : i32
    %dma_start3A_127 = arith.constant 3 : i32
    %dma_start3A_128 = arith.constant 0 : i32
    %dma_start3A_129 = arith.constant 0 : i32
    %dma_start3A_130 = tpu.memref_slice %arg8[%dma_start3A_127, %dma_start3A_128, %dma_start3A_129] : memref<4x64x128xf32, #tpu.memory_space<vmem>> -> memref<1x64x128xf32, #tpu.memory_space<vmem>>
    %dma_start3A_131 = tpu.memref_squeeze %dma_start3A_130 : memref<1x64x128xf32, #tpu.memory_space<vmem>> -> memref<64x128xf32, #tpu.memory_space<vmem>>
    %dma_start3A_132 = arith.constant 0 : i32
    %dma_start3A_133 = tpu.memref_slice %arg6[%dma_start3A_125, %dma_start3A_126, %dma_start3A_132] : memref<2x8x64xi32, #tpu.memory_space<vmem>> -> memref<1x1x64xi32, #tpu.memory_space<vmem>>
    %dma_start3A_134 = tpu.memref_squeeze %dma_start3A_133 : memref<1x1x64xi32, #tpu.memory_space<vmem>> -> memref<64xi32, #tpu.memory_space<vmem>>
    %dma_start3A_135 = arith.constant 0 : i32
    %dma_start3A_136 = arith.constant 0 : i32
    %dma_start3A_137 = tpu.memref_slice %arg2[%dma_start3A_135, %dma_start3A_136] : memref<10000x128xf32, #tpu.memory_space<hbm>> -> memref<10000x128xf32, #tpu.memory_space<hbm>>
    tpu.enqueue_indirect_dma source(%dma_start3A_137 : memref<10000x128xf32, #tpu.memory_space<hbm>>) target(%dma_start3A_131 : memref<64x128xf32, #tpu.memory_space<vmem>>) offsets(%dma_start3A_134 : memref<64xi32, #tpu.memory_space<vmem>>) semaphore(%arg14 : memref<!tpu.dma_semaphore, #tpu.memory_space<semaphore_mem>>)
    %dma_wait3A_138 = arith.constant 0 : i32
    %dma_wait3A_139 = arith.constant 1 : i32
    %dma_wait3A_140 = arith.constant 1 : i32
    %dma_wait3A_141 = arith.constant 0 : i32
    %dma_wait3A_142 = arith.constant 0 : i32
    %dma_wait3A_143 = tpu.memref_slice %arg8[%dma_wait3A_140, %dma_wait3A_141, %dma_wait3A_142] : memref<4x64x128xf32, #tpu.memory_space<vmem>> -> memref<1x64x128xf32, #tpu.memory_space<vmem>>
    %dma_wait3A_144 = tpu.memref_squeeze %dma_wait3A_143 : memref<1x64x128xf32, #tpu.memory_space<vmem>> -> memref<64x128xf32, #tpu.memory_space<vmem>>
    %dma_wait3A_145 = arith.constant 0 : i32
    %dma_wait3A_146 = tpu.memref_slice %arg6[%dma_wait3A_138, %dma_wait3A_139, %dma_wait3A_145] : memref<2x8x64xi32, #tpu.memory_space<vmem>> -> memref<1x1x64xi32, #tpu.memory_space<vmem>>
    %dma_wait3A_147 = tpu.memref_squeeze %dma_wait3A_146 : memref<1x1x64xi32, #tpu.memory_space<vmem>> -> memref<64xi32, #tpu.memory_space<vmem>>
    %dma_wait3A_148 = arith.constant 0 : i32
    %dma_wait3A_149 = arith.constant 0 : i32
    %dma_wait3A_150 = tpu.memref_slice %arg2[%dma_wait3A_148, %dma_wait3A_149] : memref<10000x128xf32, #tpu.memory_space<hbm>> -> memref<10000x128xf32, #tpu.memory_space<hbm>>
    tpu.wait_indirect_dma semaphore(%arg12 : memref<!tpu.dma_semaphore, #tpu.memory_space<semaphore_mem>>) src(%dma_wait3A_150 : memref<10000x128xf32, #tpu.memory_space<hbm>>) dst(%dma_wait3A_144 : memref<64x128xf32, #tpu.memory_space<vmem>>)
    %dma_start3A_151 = arith.constant 1 : i32
    %dma_start3A_152 = arith.constant 0 : i32
    %dma_start3A_153 = arith.constant 1 : i32
    %dma_start3A_154 = arith.constant 0 : i32
    %dma_start3A_155 = arith.constant 0 : i32
    %dma_start3A_156 = tpu.memref_slice %arg8[%dma_start3A_151, %dma_start3A_154, %dma_start3A_155] : memref<4x64x128xf32, #tpu.memory_space<vmem>> -> memref<1x64x128xf32, #tpu.memory_space<vmem>>
    %dma_start3A_157 = tpu.memref_squeeze %dma_start3A_156 : memref<1x64x128xf32, #tpu.memory_space<vmem>> -> memref<64x128xf32, #tpu.memory_space<vmem>>
    %dma_start3A_158 = arith.constant 0 : i32
    %dma_start3A_159 = tpu.memref_slice %arg7[%dma_start3A_152, %dma_start3A_153, %dma_start3A_158] : memref<2x8x64xi32, #tpu.memory_space<vmem>> -> memref<1x1x64xi32, #tpu.memory_space<vmem>>
    %dma_start3A_160 = tpu.memref_squeeze %dma_start3A_159 : memref<1x1x64xi32, #tpu.memory_space<vmem>> -> memref<64xi32, #tpu.memory_space<vmem>>
    %dma_start3A_161 = arith.constant 0 : i32
    %dma_start3A_162 = arith.constant 0 : i32
    %dma_start3A_163 = tpu.memref_slice %arg9[%dma_start3A_161, %dma_start3A_162] : memref<10240x128xf32, #tpu.memory_space<vmem_shared>> -> memref<10240x128xf32, #tpu.memory_space<vmem_shared>>
    tpu.enqueue_indirect_dma source(%dma_start3A_157 : memref<64x128xf32, #tpu.memory_space<vmem>>) target(%dma_start3A_163 : memref<10240x128xf32, #tpu.memory_space<vmem_shared>>) offsets(%dma_start3A_160 : memref<64xi32, #tpu.memory_space<vmem>>) semaphore(%arg16 : memref<!tpu.dma_semaphore, #tpu.memory_space<semaphore_mem>>) {add = true}
    %dma_wait3A_164 = arith.constant 0 : i32
    %dma_wait3A_165 = arith.constant 0 : i32
    %dma_wait3A_166 = arith.constant 4 : i32
    %dma_wait3A_167 = arith.constant 0 : i32
    %dma_wait3A_168 = arith.constant 0 : i32
    %dma_wait3A_169 = tpu.memref_slice %arg8[%dma_wait3A_164, %dma_wait3A_167, %dma_wait3A_168] : memref<4x64x128xf32, #tpu.memory_space<vmem>> -> memref<1x64x128xf32, #tpu.memory_space<vmem>>
    %dma_wait3A_170 = tpu.memref_squeeze %dma_wait3A_169 : memref<1x64x128xf32, #tpu.memory_space<vmem>> -> memref<64x128xf32, #tpu.memory_space<vmem>>
    %dma_wait3A_171 = arith.constant 0 : i32
    %dma_wait3A_172 = tpu.memref_slice %arg7[%dma_wait3A_165, %dma_wait3A_166, %dma_wait3A_171] : memref<2x8x64xi32, #tpu.memory_space<vmem>> -> memref<1x1x64xi32, #tpu.memory_space<vmem>>
    %dma_wait3A_173 = tpu.memref_squeeze %dma_wait3A_172 : memref<1x1x64xi32, #tpu.memory_space<vmem>> -> memref<64xi32, #tpu.memory_space<vmem>>
    %dma_wait3A_174 = arith.constant 0 : i32
    %dma_wait3A_175 = arith.constant 0 : i32
    %dma_wait3A_176 = tpu.memref_slice %arg9[%dma_wait3A_174, %dma_wait3A_175] : memref<10240x128xf32, #tpu.memory_space<vmem_shared>> -> memref<10240x128xf32, #tpu.memory_space<vmem_shared>>
    tpu.wait_indirect_dma semaphore(%arg15 : memref<!tpu.dma_semaphore, #tpu.memory_space<semaphore_mem>>) src(%dma_wait3A_170 : memref<64x128xf32, #tpu.memory_space<vmem>>) dst(%dma_wait3A_176 : memref<10240x128xf32, #tpu.memory_space<vmem_shared>>)
    %dma_start3A_177 = arith.constant 0 : i32
    %dma_start3A_178 = arith.constant 4 : i32
    %dma_start3A_179 = arith.constant 0 : i32
    %dma_start3A_180 = arith.constant 0 : i32
    %dma_start3A_181 = arith.constant 0 : i32
    %dma_start3A_182 = tpu.memref_slice %arg8[%dma_start3A_179, %dma_start3A_180, %dma_start3A_181] : memref<4x64x128xf32, #tpu.memory_space<vmem>> -> memref<1x64x128xf32, #tpu.memory_space<vmem>>
    %dma_start3A_183 = tpu.memref_squeeze %dma_start3A_182 : memref<1x64x128xf32, #tpu.memory_space<vmem>> -> memref<64x128xf32, #tpu.memory_space<vmem>>
    %dma_start3A_184 = arith.constant 0 : i32
    %dma_start3A_185 = tpu.memref_slice %arg6[%dma_start3A_177, %dma_start3A_178, %dma_start3A_184] : memref<2x8x64xi32, #tpu.memory_space<vmem>> -> memref<1x1x64xi32, #tpu.memory_space<vmem>>
    %dma_start3A_186 = tpu.memref_squeeze %dma_start3A_185 : memref<1x1x64xi32, #tpu.memory_space<vmem>> -> memref<64xi32, #tpu.memory_space<vmem>>
    %dma_start3A_187 = arith.constant 0 : i32
    %dma_start3A_188 = arith.constant 0 : i32
    %dma_start3A_189 = tpu.memref_slice %arg2[%dma_start3A_187, %dma_start3A_188] : memref<10000x128xf32, #tpu.memory_space<hbm>> -> memref<10000x128xf32, #tpu.memory_space<hbm>>
    tpu.enqueue_indirect_dma source(%dma_start3A_189 : memref<10000x128xf32, #tpu.memory_space<hbm>>) target(%dma_start3A_183 : memref<64x128xf32, #tpu.memory_space<vmem>>) offsets(%dma_start3A_186 : memref<64xi32, #tpu.memory_space<vmem>>) semaphore(%arg11 : memref<!tpu.dma_semaphore, #tpu.memory_space<semaphore_mem>>)
    %dma_wait3A_190 = arith.constant 0 : i32
    %dma_wait3A_191 = arith.constant 2 : i32
    %dma_wait3A_192 = arith.constant 2 : i32
    %dma_wait3A_193 = arith.constant 0 : i32
    %dma_wait3A_194 = arith.constant 0 : i32
    %dma_wait3A_195 = tpu.memref_slice %arg8[%dma_wait3A_192, %dma_wait3A_193, %dma_wait3A_194] : memref<4x64x128xf32, #tpu.memory_space<vmem>> -> memref<1x64x128xf32, #tpu.memory_space<vmem>>
    %dma_wait3A_196 = tpu.memref_squeeze %dma_wait3A_195 : memref<1x64x128xf32, #tpu.memory_space<vmem>> -> memref<64x128xf32, #tpu.memory_space<vmem>>
    %dma_wait3A_197 = arith.constant 0 : i32
    %dma_wait3A_198 = tpu.memref_slice %arg6[%dma_wait3A_190, %dma_wait3A_191, %dma_wait3A_197] : memref<2x8x64xi32, #tpu.memory_space<vmem>> -> memref<1x1x64xi32, #tpu.memory_space<vmem>>
    %dma_wait3A_199 = tpu.memref_squeeze %dma_wait3A_198 : memref<1x1x64xi32, #tpu.memory_space<vmem>> -> memref<64xi32, #tpu.memory_space<vmem>>
    %dma_wait3A_200 = arith.constant 0 : i32
    %dma_wait3A_201 = arith.constant 0 : i32
    %dma_wait3A_202 = tpu.memref_slice %arg2[%dma_wait3A_200, %dma_wait3A_201] : memref<10000x128xf32, #tpu.memory_space<hbm>> -> memref<10000x128xf32, #tpu.memory_space<hbm>>
    tpu.wait_indirect_dma semaphore(%arg13 : memref<!tpu.dma_semaphore, #tpu.memory_space<semaphore_mem>>) src(%dma_wait3A_202 : memref<10000x128xf32, #tpu.memory_space<hbm>>) dst(%dma_wait3A_196 : memref<64x128xf32, #tpu.memory_space<vmem>>)
    %dma_start3A_203 = arith.constant 2 : i32
    %dma_start3A_204 = arith.constant 0 : i32
    %dma_start3A_205 = arith.constant 2 : i32
    %dma_start3A_206 = arith.constant 0 : i32
    %dma_start3A_207 = arith.constant 0 : i32
    %dma_start3A_208 = tpu.memref_slice %arg8[%dma_start3A_203, %dma_start3A_206, %dma_start3A_207] : memref<4x64x128xf32, #tpu.memory_space<vmem>> -> memref<1x64x128xf32, #tpu.memory_space<vmem>>
    %dma_start3A_209 = tpu.memref_squeeze %dma_start3A_208 : memref<1x64x128xf32, #tpu.memory_space<vmem>> -> memref<64x128xf32, #tpu.memory_space<vmem>>
    %dma_start3A_210 = arith.constant 0 : i32
    %dma_start3A_211 = tpu.memref_slice %arg7[%dma_start3A_204, %dma_start3A_205, %dma_start3A_210] : memref<2x8x64xi32, #tpu.memory_space<vmem>> -> memref<1x1x64xi32, #tpu.memory_space<vmem>>
    %dma_start3A_212 = tpu.memref_squeeze %dma_start3A_211 : memref<1x1x64xi32, #tpu.memory_space<vmem>> -> memref<64xi32, #tpu.memory_space<vmem>>
    %dma_start3A_213 = arith.constant 0 : i32
    %dma_start3A_214 = arith.constant 0 : i32
    %dma_start3A_215 = tpu.memref_slice %arg9[%dma_start3A_213, %dma_start3A_214] : memref<10240x128xf32, #tpu.memory_space<vmem_shared>> -> memref<10240x128xf32, #tpu.memory_space<vmem_shared>>
    tpu.enqueue_indirect_dma source(%dma_start3A_209 : memref<64x128xf32, #tpu.memory_space<vmem>>) target(%dma_start3A_215 : memref<10240x128xf32, #tpu.memory_space<vmem_shared>>) offsets(%dma_start3A_212 : memref<64xi32, #tpu.memory_space<vmem>>) semaphore(%arg17 : memref<!tpu.dma_semaphore, #tpu.memory_space<semaphore_mem>>) {add = true}
    %dma_start3A_216 = arith.constant 1 : i32
    %dma_start3A_217 = arith.constant 1 : i32
    %dma_start3A_218 = arith.constant 0 : i32
    %dma_start3A_219 = arith.constant 0 : i32
    %dma_start3A_220 = tpu.memref_slice %arg6[%dma_start3A_217, %dma_start3A_218, %dma_start3A_219] : memref<2x8x64xi32, #tpu.memory_space<vmem>> -> memref<1x8x64xi32, #tpu.memory_space<vmem>>
    %dma_start3A_221 = tpu.memref_squeeze %dma_start3A_220 : memref<1x8x64xi32, #tpu.memory_space<vmem>> -> memref<8x64xi32, #tpu.memory_space<vmem>>
    %dma_start3A_222 = arith.constant 0 : i32
    %dma_start3A_223 = arith.constant 0 : i32
    %dma_start3A_224 = tpu.memref_slice %arg3[%add3A, %dma_start3A_216, %dma_start3A_222, %dma_start3A_223] : memref<32x20x8x64xi32, #tpu.memory_space<hbm>> -> memref<1x1x8x64xi32, #tpu.memory_space<hbm>>
    %dma_start3A_225 = tpu.memref_squeeze %dma_start3A_224 : memref<1x1x8x64xi32, #tpu.memory_space<hbm>> -> memref<8x64xi32, #tpu.memory_space<hbm>>
    %dma_start3A_226 = arith.constant 0 : i32
    %dma_start3A_227 = arith.constant 0 : i32
    %dma_start3A_228 = tpu.memref_slice %arg6[%dma_start3A_217, %dma_start3A_226, %dma_start3A_227] : memref<2x8x64xi32, #tpu.memory_space<vmem>> -> memref<1x8x64xi32, #tpu.memory_space<vmem>>
    %dma_start3A_229 = tpu.memref_squeeze %dma_start3A_228 : memref<1x8x64xi32, #tpu.memory_space<vmem>> -> memref<8x64xi32, #tpu.memory_space<vmem>>
    %dma_start3A_230 = arith.constant 0 : i32
    %dma_start3A_231 = arith.constant 0 : i32
    %dma_start3A_232 = tpu.memref_slice %arg3[%add3A, %dma_start3A_216, %dma_start3A_230, %dma_start3A_231] : memref<32x20x8x64xi32, #tpu.memory_space<hbm>> -> memref<1x1x8x64xi32, #tpu.memory_space<hbm>>
    %dma_start3A_233 = tpu.memref_squeeze %dma_start3A_232 : memref<1x1x8x64xi32, #tpu.memory_space<hbm>> -> memref<8x64xi32, #tpu.memory_space<hbm>>
    tpu.enqueue_dma source(%dma_start3A_233 : memref<8x64xi32, #tpu.memory_space<hbm>>) target(%dma_start3A_229 : memref<8x64xi32, #tpu.memory_space<vmem>>) target_semaphore(%arg10 : memref<!tpu.dma_semaphore, #tpu.memory_space<semaphore_mem>>)
    %dma_start3A_234 = arith.constant 1 : i32
    %dma_start3A_235 = arith.constant 1 : i32
    %dma_start3A_236 = arith.constant 0 : i32
    %dma_start3A_237 = arith.constant 0 : i32
    %dma_start3A_238 = tpu.memref_slice %arg7[%dma_start3A_235, %dma_start3A_236, %dma_start3A_237] : memref<2x8x64xi32, #tpu.memory_space<vmem>> -> memref<1x8x64xi32, #tpu.memory_space<vmem>>
    %dma_start3A_239 = tpu.memref_squeeze %dma_start3A_238 : memref<1x8x64xi32, #tpu.memory_space<vmem>> -> memref<8x64xi32, #tpu.memory_space<vmem>>
    %dma_start3A_240 = arith.constant 0 : i32
    %dma_start3A_241 = arith.constant 0 : i32
    %dma_start3A_242 = tpu.memref_slice %arg4[%add3A, %dma_start3A_234, %dma_start3A_240, %dma_start3A_241] : memref<32x20x8x64xi32, #tpu.memory_space<hbm>> -> memref<1x1x8x64xi32, #tpu.memory_space<hbm>>
    %dma_start3A_243 = tpu.memref_squeeze %dma_start3A_242 : memref<1x1x8x64xi32, #tpu.memory_space<hbm>> -> memref<8x64xi32, #tpu.memory_space<hbm>>
    %dma_start3A_244 = arith.constant 0 : i32
    %dma_start3A_245 = arith.constant 0 : i32
    %dma_start3A_246 = tpu.memref_slice %arg7[%dma_start3A_235, %dma_start3A_244, %dma_start3A_245] : memref<2x8x64xi32, #tpu.memory_space<vmem>> -> memref<1x8x64xi32, #tpu.memory_space<vmem>>
    %dma_start3A_247 = tpu.memref_squeeze %dma_start3A_246 : memref<1x8x64xi32, #tpu.memory_space<vmem>> -> memref<8x64xi32, #tpu.memory_space<vmem>>
    %dma_start3A_248 = arith.constant 0 : i32
    %dma_start3A_249 = arith.constant 0 : i32
    %dma_start3A_250 = tpu.memref_slice %arg4[%add3A, %dma_start3A_234, %dma_start3A_248, %dma_start3A_249] : memref<32x20x8x64xi32, #tpu.memory_space<hbm>> -> memref<1x1x8x64xi32, #tpu.memory_space<hbm>>
    %dma_start3A_251 = tpu.memref_squeeze %dma_start3A_250 : memref<1x1x8x64xi32, #tpu.memory_space<hbm>> -> memref<8x64xi32, #tpu.memory_space<hbm>>
    tpu.enqueue_dma source(%dma_start3A_251 : memref<8x64xi32, #tpu.memory_space<hbm>>) target(%dma_start3A_247 : memref<8x64xi32, #tpu.memory_space<vmem>>) target_semaphore(%arg10 : memref<!tpu.dma_semaphore, #tpu.memory_space<semaphore_mem>>)
    %dma_wait3A_252 = arith.constant 1 : i32
    %dma_wait3A_253 = arith.constant 0 : i32
    %dma_wait3A_254 = arith.constant 5 : i32
    %dma_wait3A_255 = arith.constant 0 : i32
    %dma_wait3A_256 = arith.constant 0 : i32
    %dma_wait3A_257 = tpu.memref_slice %arg8[%dma_wait3A_252, %dma_wait3A_255, %dma_wait3A_256] : memref<4x64x128xf32, #tpu.memory_space<vmem>> -> memref<1x64x128xf32, #tpu.memory_space<vmem>>
    %dma_wait3A_258 = tpu.memref_squeeze %dma_wait3A_257 : memref<1x64x128xf32, #tpu.memory_space<vmem>> -> memref<64x128xf32, #tpu.memory_space<vmem>>
    %dma_wait3A_259 = arith.constant 0 : i32
    %dma_wait3A_260 = tpu.memref_slice %arg7[%dma_wait3A_253, %dma_wait3A_254, %dma_wait3A_259] : memref<2x8x64xi32, #tpu.memory_space<vmem>> -> memref<1x1x64xi32, #tpu.memory_space<vmem>>
    %dma_wait3A_261 = tpu.memref_squeeze %dma_wait3A_260 : memref<1x1x64xi32, #tpu.memory_space<vmem>> -> memref<64xi32, #tpu.memory_space<vmem>>
    %dma_wait3A_262 = arith.constant 0 : i32
    %dma_wait3A_263 = arith.constant 0 : i32
    %dma_wait3A_264 = tpu.memref_slice %arg9[%dma_wait3A_262, %dma_wait3A_263] : memref<10240x128xf32, #tpu.memory_space<vmem_shared>> -> memref<10240x128xf32, #tpu.memory_space<vmem_shared>>
    tpu.wait_indirect_dma semaphore(%arg16 : memref<!tpu.dma_semaphore, #tpu.memory_space<semaphore_mem>>) src(%dma_wait3A_258 : memref<64x128xf32, #tpu.memory_space<vmem>>) dst(%dma_wait3A_264 : memref<10240x128xf32, #tpu.memory_space<vmem_shared>>)
    %dma_start3A_265 = arith.constant 0 : i32
    %dma_start3A_266 = arith.constant 5 : i32
    %dma_start3A_267 = arith.constant 1 : i32
    %dma_start3A_268 = arith.constant 0 : i32
    %dma_start3A_269 = arith.constant 0 : i32
    %dma_start3A_270 = tpu.memref_slice %arg8[%dma_start3A_267, %dma_start3A_268, %dma_start3A_269] : memref<4x64x128xf32, #tpu.memory_space<vmem>> -> memref<1x64x128xf32, #tpu.memory_space<vmem>>
    %dma_start3A_271 = tpu.memref_squeeze %dma_start3A_270 : memref<1x64x128xf32, #tpu.memory_space<vmem>> -> memref<64x128xf32, #tpu.memory_space<vmem>>
    %dma_start3A_272 = arith.constant 0 : i32
    %dma_start3A_273 = tpu.memref_slice %arg6[%dma_start3A_265, %dma_start3A_266, %dma_start3A_272] : memref<2x8x64xi32, #tpu.memory_space<vmem>> -> memref<1x1x64xi32, #tpu.memory_space<vmem>>
    %dma_start3A_274 = tpu.memref_squeeze %dma_start3A_273 : memref<1x1x64xi32, #tpu.memory_space<vmem>> -> memref<64xi32, #tpu.memory_space<vmem>>
    %dma_start3A_275 = arith.constant 0 : i32
    %dma_start3A_276 = arith.constant 0 : i32
    %dma_start3A_277 = tpu.memref_slice %arg2[%dma_start3A_275, %dma_start3A_276] : memref<10000x128xf32, #tpu.memory_space<hbm>> -> memref<10000x128xf32, #tpu.memory_space<hbm>>
    tpu.enqueue_indirect_dma source(%dma_start3A_277 : memref<10000x128xf32, #tpu.memory_space<hbm>>) target(%dma_start3A_271 : memref<64x128xf32, #tpu.memory_space<vmem>>) offsets(%dma_start3A_274 : memref<64xi32, #tpu.memory_space<vmem>>) semaphore(%arg12 : memref<!tpu.dma_semaphore, #tpu.memory_space<semaphore_mem>>)
    %dma_wait3A_278 = arith.constant 0 : i32
    %dma_wait3A_279 = arith.constant 3 : i32
    %dma_wait3A_280 = arith.constant 3 : i32
    %dma_wait3A_281 = arith.constant 0 : i32
    %dma_wait3A_282 = arith.constant 0 : i32
    %dma_wait3A_283 = tpu.memref_slice %arg8[%dma_wait3A_280, %dma_wait3A_281, %dma_wait3A_282] : memref<4x64x128xf32, #tpu.memory_space<vmem>> -> memref<1x64x128xf32, #tpu.memory_space<vmem>>
    %dma_wait3A_284 = tpu.memref_squeeze %dma_wait3A_283 : memref<1x64x128xf32, #tpu.memory_space<vmem>> -> memref<64x128xf32, #tpu.memory_space<vmem>>
    %dma_wait3A_285 = arith.constant 0 : i32
    %dma_wait3A_286 = tpu.memref_slice %arg6[%dma_wait3A_278, %dma_wait3A_279, %dma_wait3A_285] : memref<2x8x64xi32, #tpu.memory_space<vmem>> -> memref<1x1x64xi32, #tpu.memory_space<vmem>>
    %dma_wait3A_287 = tpu.memref_squeeze %dma_wait3A_286 : memref<1x1x64xi32, #tpu.memory_space<vmem>> -> memref<64xi32, #tpu.memory_space<vmem>>
    %dma_wait3A_288 = arith.constant 0 : i32
    %dma_wait3A_289 = arith.constant 0 : i32
    %dma_wait3A_290 = tpu.memref_slice %arg2[%dma_wait3A_288, %dma_wait3A_289] : memref<10000x128xf32, #tpu.memory_space<hbm>> -> memref<10000x128xf32, #tpu.memory_space<hbm>>
    tpu.wait_indirect_dma semaphore(%arg14 : memref<!tpu.dma_semaphore, #tpu.memory_space<semaphore_mem>>) src(%dma_wait3A_290 : memref<10000x128xf32, #tpu.memory_space<hbm>>) dst(%dma_wait3A_284 : memref<64x128xf32, #tpu.memory_space<vmem>>)
    %dma_start3A_291 = arith.constant 3 : i32
    %dma_start3A_292 = arith.constant 0 : i32
    %dma_start3A_293 = arith.constant 3 : i32
    %dma_start3A_294 = arith.constant 0 : i32
    %dma_start3A_295 = arith.constant 0 : i32
    %dma_start3A_296 = tpu.memref_slice %arg8[%dma_start3A_291, %dma_start3A_294, %dma_start3A_295] : memref<4x64x128xf32, #tpu.memory_space<vmem>> -> memref<1x64x128xf32, #tpu.memory_space<vmem>>
    %dma_start3A_297 = tpu.memref_squeeze %dma_start3A_296 : memref<1x64x128xf32, #tpu.memory_space<vmem>> -> memref<64x128xf32, #tpu.memory_space<vmem>>
    %dma_start3A_298 = arith.constant 0 : i32
    %dma_start3A_299 = tpu.memref_slice %arg7[%dma_start3A_292, %dma_start3A_293, %dma_start3A_298] : memref<2x8x64xi32, #tpu.memory_space<vmem>> -> memref<1x1x64xi32, #tpu.memory_space<vmem>>
    %dma_start3A_300 = tpu.memref_squeeze %dma_start3A_299 : memref<1x1x64xi32, #tpu.memory_space<vmem>> -> memref<64xi32, #tpu.memory_space<vmem>>
    %dma_start3A_301 = arith.constant 0 : i32
    %dma_start3A_302 = arith.constant 0 : i32
    %dma_start3A_303 = tpu.memref_slice %arg9[%dma_start3A_301, %dma_start3A_302] : memref<10240x128xf32, #tpu.memory_space<vmem_shared>> -> memref<10240x128xf32, #tpu.memory_space<vmem_shared>>
    tpu.enqueue_indirect_dma source(%dma_start3A_297 : memref<64x128xf32, #tpu.memory_space<vmem>>) target(%dma_start3A_303 : memref<10240x128xf32, #tpu.memory_space<vmem_shared>>) offsets(%dma_start3A_300 : memref<64xi32, #tpu.memory_space<vmem>>) semaphore(%arg18 : memref<!tpu.dma_semaphore, #tpu.memory_space<semaphore_mem>>) {add = true}
    %dma_wait3A_304 = arith.constant 2 : i32
    %dma_wait3A_305 = arith.constant 0 : i32
    %dma_wait3A_306 = arith.constant 6 : i32
    %dma_wait3A_307 = arith.constant 0 : i32
    %dma_wait3A_308 = arith.constant 0 : i32
    %dma_wait3A_309 = tpu.memref_slice %arg8[%dma_wait3A_304, %dma_wait3A_307, %dma_wait3A_308] : memref<4x64x128xf32, #tpu.memory_space<vmem>> -> memref<1x64x128xf32, #tpu.memory_space<vmem>>
    %dma_wait3A_310 = tpu.memref_squeeze %dma_wait3A_309 : memref<1x64x128xf32, #tpu.memory_space<vmem>> -> memref<64x128xf32, #tpu.memory_space<vmem>>
    %dma_wait3A_311 = arith.constant 0 : i32
    %dma_wait3A_312 = tpu.memref_slice %arg7[%dma_wait3A_305, %dma_wait3A_306, %dma_wait3A_311] : memref<2x8x64xi32, #tpu.memory_space<vmem>> -> memref<1x1x64xi32, #tpu.memory_space<vmem>>
    %dma_wait3A_313 = tpu.memref_squeeze %dma_wait3A_312 : memref<1x1x64xi32, #tpu.memory_space<vmem>> -> memref<64xi32, #tpu.memory_space<vmem>>
    %dma_wait3A_314 = arith.constant 0 : i32
    %dma_wait3A_315 = arith.constant 0 : i32
    %dma_wait3A_316 = tpu.memref_slice %arg9[%dma_wait3A_314, %dma_wait3A_315] : memref<10240x128xf32, #tpu.memory_space<vmem_shared>> -> memref<10240x128xf32, #tpu.memory_space<vmem_shared>>
    tpu.wait_indirect_dma semaphore(%arg17 : memref<!tpu.dma_semaphore, #tpu.memory_space<semaphore_mem>>) src(%dma_wait3A_310 : memref<64x128xf32, #tpu.memory_space<vmem>>) dst(%dma_wait3A_316 : memref<10240x128xf32, #tpu.memory_space<vmem_shared>>)
    %dma_start3A_317 = arith.constant 0 : i32
    %dma_start3A_318 = arith.constant 6 : i32
    %dma_start3A_319 = arith.constant 2 : i32
    %dma_start3A_320 = arith.constant 0 : i32
    %dma_start3A_321 = arith.constant 0 : i32
    %dma_start3A_322 = tpu.memref_slice %arg8[%dma_start3A_319, %dma_start3A_320, %dma_start3A_321] : memref<4x64x128xf32, #tpu.memory_space<vmem>> -> memref<1x64x128xf32, #tpu.memory_space<vmem>>
    %dma_start3A_323 = tpu.memref_squeeze %dma_start3A_322 : memref<1x64x128xf32, #tpu.memory_space<vmem>> -> memref<64x128xf32, #tpu.memory_space<vmem>>
    %dma_start3A_324 = arith.constant 0 : i32
    %dma_start3A_325 = tpu.memref_slice %arg6[%dma_start3A_317, %dma_start3A_318, %dma_start3A_324] : memref<2x8x64xi32, #tpu.memory_space<vmem>> -> memref<1x1x64xi32, #tpu.memory_space<vmem>>
    %dma_start3A_326 = tpu.memref_squeeze %dma_start3A_325 : memref<1x1x64xi32, #tpu.memory_space<vmem>> -> memref<64xi32, #tpu.memory_space<vmem>>
    %dma_start3A_327 = arith.constant 0 : i32
    %dma_start3A_328 = arith.constant 0 : i32
    %dma_start3A_329 = tpu.memref_slice %arg2[%dma_start3A_327, %dma_start3A_328] : memref<10000x128xf32, #tpu.memory_space<hbm>> -> memref<10000x128xf32, #tpu.memory_space<hbm>>
    tpu.enqueue_indirect_dma source(%dma_start3A_329 : memref<10000x128xf32, #tpu.memory_space<hbm>>) target(%dma_start3A_323 : memref<64x128xf32, #tpu.memory_space<vmem>>) offsets(%dma_start3A_326 : memref<64xi32, #tpu.memory_space<vmem>>) semaphore(%arg13 : memref<!tpu.dma_semaphore, #tpu.memory_space<semaphore_mem>>)
    %dma_wait3A_330 = arith.constant 0 : i32
    %dma_wait3A_331 = arith.constant 4 : i32
    %dma_wait3A_332 = arith.constant 0 : i32
    %dma_wait3A_333 = arith.constant 0 : i32
    %dma_wait3A_334 = arith.constant 0 : i32
    %dma_wait3A_335 = tpu.memref_slice %arg8[%dma_wait3A_332, %dma_wait3A_333, %dma_wait3A_334] : memref<4x64x128xf32, #tpu.memory_space<vmem>> -> memref<1x64x128xf32, #tpu.memory_space<vmem>>
    %dma_wait3A_336 = tpu.memref_squeeze %dma_wait3A_335 : memref<1x64x128xf32, #tpu.memory_space<vmem>> -> memref<64x128xf32, #tpu.memory_space<vmem>>
    %dma_wait3A_337 = arith.constant 0 : i32
    %dma_wait3A_338 = tpu.memref_slice %arg6[%dma_wait3A_330, %dma_wait3A_331, %dma_wait3A_337] : memref<2x8x64xi32, #tpu.memory_space<vmem>> -> memref<1x1x64xi32, #tpu.memory_space<vmem>>
    %dma_wait3A_339 = tpu.memref_squeeze %dma_wait3A_338 : memref<1x1x64xi32, #tpu.memory_space<vmem>> -> memref<64xi32, #tpu.memory_space<vmem>>
    %dma_wait3A_340 = arith.constant 0 : i32
    %dma_wait3A_341 = arith.constant 0 : i32
    %dma_wait3A_342 = tpu.memref_slice %arg2[%dma_wait3A_340, %dma_wait3A_341] : memref<10000x128xf32, #tpu.memory_space<hbm>> -> memref<10000x128xf32, #tpu.memory_space<hbm>>
    tpu.wait_indirect_dma semaphore(%arg11 : memref<!tpu.dma_semaphore, #tpu.memory_space<semaphore_mem>>) src(%dma_wait3A_342 : memref<10000x128xf32, #tpu.memory_space<hbm>>) dst(%dma_wait3A_336 : memref<64x128xf32, #tpu.memory_space<vmem>>)
    %dma_start3A_343 = arith.constant 0 : i32
    %dma_start3A_344 = arith.constant 0 : i32
    %dma_start3A_345 = arith.constant 4 : i32
    %dma_start3A_346 = arith.constant 0 : i32
    %dma_start3A_347 = arith.constant 0 : i32
    %dma_start3A_348 = tpu.memref_slice %arg8[%dma_start3A_343, %dma_start3A_346, %dma_start3A_347] : memref<4x64x128xf32, #tpu.memory_space<vmem>> -> memref<1x64x128xf32, #tpu.memory_space<vmem>>
    %dma_start3A_349 = tpu.memref_squeeze %dma_start3A_348 : memref<1x64x128xf32, #tpu.memory_space<vmem>> -> memref<64x128xf32, #tpu.memory_space<vmem>>
    %dma_start3A_350 = arith.constant 0 : i32
    %dma_start3A_351 = tpu.memref_slice %arg7[%dma_start3A_344, %dma_start3A_345, %dma_start3A_350] : memref<2x8x64xi32, #tpu.memory_space<vmem>> -> memref<1x1x64xi32, #tpu.memory_space<vmem>>
    %dma_start3A_352 = tpu.memref_squeeze %dma_start3A_351 : memref<1x1x64xi32, #tpu.memory_space<vmem>> -> memref<64xi32, #tpu.memory_space<vmem>>
    %dma_start3A_353 = arith.constant 0 : i32
    %dma_start3A_354 = arith.constant 0 : i32
    %dma_start3A_355 = tpu.memref_slice %arg9[%dma_start3A_353, %dma_start3A_354] : memref<10240x128xf32, #tpu.memory_space<vmem_shared>> -> memref<10240x128xf32, #tpu.memory_space<vmem_shared>>
    tpu.enqueue_indirect_dma source(%dma_start3A_349 : memref<64x128xf32, #tpu.memory_space<vmem>>) target(%dma_start3A_355 : memref<10240x128xf32, #tpu.memory_space<vmem_shared>>) offsets(%dma_start3A_352 : memref<64xi32, #tpu.memory_space<vmem>>) semaphore(%arg15 : memref<!tpu.dma_semaphore, #tpu.memory_space<semaphore_mem>>) {add = true}
    %dma_wait3A_356 = arith.constant 3 : i32
    %dma_wait3A_357 = arith.constant 0 : i32
    %dma_wait3A_358 = arith.constant 7 : i32
    %dma_wait3A_359 = arith.constant 0 : i32
    %dma_wait3A_360 = arith.constant 0 : i32
    %dma_wait3A_361 = tpu.memref_slice %arg8[%dma_wait3A_356, %dma_wait3A_359, %dma_wait3A_360] : memref<4x64x128xf32, #tpu.memory_space<vmem>> -> memref<1x64x128xf32, #tpu.memory_space<vmem>>
    %dma_wait3A_362 = tpu.memref_squeeze %dma_wait3A_361 : memref<1x64x128xf32, #tpu.memory_space<vmem>> -> memref<64x128xf32, #tpu.memory_space<vmem>>
    %dma_wait3A_363 = arith.constant 0 : i32
    %dma_wait3A_364 = tpu.memref_slice %arg7[%dma_wait3A_357, %dma_wait3A_358, %dma_wait3A_363] : memref<2x8x64xi32, #tpu.memory_space<vmem>> -> memref<1x1x64xi32, #tpu.memory_space<vmem>>
    %dma_wait3A_365 = tpu.memref_squeeze %dma_wait3A_364 : memref<1x1x64xi32, #tpu.memory_space<vmem>> -> memref<64xi32, #tpu.memory_space<vmem>>
    %dma_wait3A_366 = arith.constant 0 : i32
    %dma_wait3A_367 = arith.constant 0 : i32
    %dma_wait3A_368 = tpu.memref_slice %arg9[%dma_wait3A_366, %dma_wait3A_367] : memref<10240x128xf32, #tpu.memory_space<vmem_shared>> -> memref<10240x128xf32, #tpu.memory_space<vmem_shared>>
    tpu.wait_indirect_dma semaphore(%arg18 : memref<!tpu.dma_semaphore, #tpu.memory_space<semaphore_mem>>) src(%dma_wait3A_362 : memref<64x128xf32, #tpu.memory_space<vmem>>) dst(%dma_wait3A_368 : memref<10240x128xf32, #tpu.memory_space<vmem_shared>>)
    %dma_start3A_369 = arith.constant 0 : i32
    %dma_start3A_370 = arith.constant 7 : i32
    %dma_start3A_371 = arith.constant 3 : i32
    %dma_start3A_372 = arith.constant 0 : i32
    %dma_start3A_373 = arith.constant 0 : i32
    %dma_start3A_374 = tpu.memref_slice %arg8[%dma_start3A_371, %dma_start3A_372, %dma_start3A_373] : memref<4x64x128xf32, #tpu.memory_space<vmem>> -> memref<1x64x128xf32, #tpu.memory_space<vmem>>
    %dma_start3A_375 = tpu.memref_squeeze %dma_start3A_374 : memref<1x64x128xf32, #tpu.memory_space<vmem>> -> memref<64x128xf32, #tpu.memory_space<vmem>>
    %dma_start3A_376 = arith.constant 0 : i32
    %dma_start3A_377 = tpu.memref_slice %arg6[%dma_start3A_369, %dma_start3A_370, %dma_start3A_376] : memref<2x8x64xi32, #tpu.memory_space<vmem>> -> memref<1x1x64xi32, #tpu.memory_space<vmem>>
    %dma_start3A_378 = tpu.memref_squeeze %dma_start3A_377 : memref<1x1x64xi32, #tpu.memory_space<vmem>> -> memref<64xi32, #tpu.memory_space<vmem>>
    %dma_start3A_379 = arith.constant 0 : i32
    %dma_start3A_380 = arith.constant 0 : i32
    %dma_start3A_381 = tpu.memref_slice %arg2[%dma_start3A_379, %dma_start3A_380] : memref<10000x128xf32, #tpu.memory_space<hbm>> -> memref<10000x128xf32, #tpu.memory_space<hbm>>
    tpu.enqueue_indirect_dma source(%dma_start3A_381 : memref<10000x128xf32, #tpu.memory_space<hbm>>) target(%dma_start3A_375 : memref<64x128xf32, #tpu.memory_space<vmem>>) offsets(%dma_start3A_378 : memref<64xi32, #tpu.memory_space<vmem>>) semaphore(%arg14 : memref<!tpu.dma_semaphore, #tpu.memory_space<semaphore_mem>>)
    %dma_wait3A_382 = arith.constant 0 : i32
    %dma_wait3A_383 = arith.constant 5 : i32
    %dma_wait3A_384 = arith.constant 1 : i32
    %dma_wait3A_385 = arith.constant 0 : i32
    %dma_wait3A_386 = arith.constant 0 : i32
    %dma_wait3A_387 = tpu.memref_slice %arg8[%dma_wait3A_384, %dma_wait3A_385, %dma_wait3A_386] : memref<4x64x128xf32, #tpu.memory_space<vmem>> -> memref<1x64x128xf32, #tpu.memory_space<vmem>>
    %dma_wait3A_388 = tpu.memref_squeeze %dma_wait3A_387 : memref<1x64x128xf32, #tpu.memory_space<vmem>> -> memref<64x128xf32, #tpu.memory_space<vmem>>
    %dma_wait3A_389 = arith.constant 0 : i32
    %dma_wait3A_390 = tpu.memref_slice %arg6[%dma_wait3A_382, %dma_wait3A_383, %dma_wait3A_389] : memref<2x8x64xi32, #tpu.memory_space<vmem>> -> memref<1x1x64xi32, #tpu.memory_space<vmem>>
    %dma_wait3A_391 = tpu.memref_squeeze %dma_wait3A_390 : memref<1x1x64xi32, #tpu.memory_space<vmem>> -> memref<64xi32, #tpu.memory_space<vmem>>
    %dma_wait3A_392 = arith.constant 0 : i32
    %dma_wait3A_393 = arith.constant 0 : i32
    %dma_wait3A_394 = tpu.memref_slice %arg2[%dma_wait3A_392, %dma_wait3A_393] : memref<10000x128xf32, #tpu.memory_space<hbm>> -> memref<10000x128xf32, #tpu.memory_space<hbm>>
    tpu.wait_indirect_dma semaphore(%arg12 : memref<!tpu.dma_semaphore, #tpu.memory_space<semaphore_mem>>) src(%dma_wait3A_394 : memref<10000x128xf32, #tpu.memory_space<hbm>>) dst(%dma_wait3A_388 : memref<64x128xf32, #tpu.memory_space<vmem>>)
    %dma_start3A_395 = arith.constant 1 : i32
    %dma_start3A_396 = arith.constant 0 : i32
    %dma_start3A_397 = arith.constant 5 : i32
    %dma_start3A_398 = arith.constant 0 : i32
    %dma_start3A_399 = arith.constant 0 : i32
    %dma_start3A_400 = tpu.memref_slice %arg8[%dma_start3A_395, %dma_start3A_398, %dma_start3A_399] : memref<4x64x128xf32, #tpu.memory_space<vmem>> -> memref<1x64x128xf32, #tpu.memory_space<vmem>>
    %dma_start3A_401 = tpu.memref_squeeze %dma_start3A_400 : memref<1x64x128xf32, #tpu.memory_space<vmem>> -> memref<64x128xf32, #tpu.memory_space<vmem>>
    %dma_start3A_402 = arith.constant 0 : i32
    %dma_start3A_403 = tpu.memref_slice %arg7[%dma_start3A_396, %dma_start3A_397, %dma_start3A_402] : memref<2x8x64xi32, #tpu.memory_space<vmem>> -> memref<1x1x64xi32, #tpu.memory_space<vmem>>
    %dma_start3A_404 = tpu.memref_squeeze %dma_start3A_403 : memref<1x1x64xi32, #tpu.memory_space<vmem>> -> memref<64xi32, #tpu.memory_space<vmem>>
    %dma_start3A_405 = arith.constant 0 : i32
    %dma_start3A_406 = arith.constant 0 : i32
    %dma_start3A_407 = tpu.memref_slice %arg9[%dma_start3A_405, %dma_start3A_406] : memref<10240x128xf32, #tpu.memory_space<vmem_shared>> -> memref<10240x128xf32, #tpu.memory_space<vmem_shared>>
    tpu.enqueue_indirect_dma source(%dma_start3A_401 : memref<64x128xf32, #tpu.memory_space<vmem>>) target(%dma_start3A_407 : memref<10240x128xf32, #tpu.memory_space<vmem_shared>>) offsets(%dma_start3A_404 : memref<64xi32, #tpu.memory_space<vmem>>) semaphore(%arg16 : memref<!tpu.dma_semaphore, #tpu.memory_space<semaphore_mem>>) {add = true}
    %scan3A_408 = arith.constant 0 : i32
    %scan3A_409 = arith.constant 1 : i32
    %scan3A_410 = arith.constant 19 : i32
    %scan3A_411 = arith.addi %scan3A_409, %scan3A_410 : i32
    %scan3A_412 = arith.constant 1 : i32
    %scan3A_413 = scf.for %scan3A_524 = %scan3A_409 to %scan3A_411 step %scan3A_412 iter_args(%scan3A_525 = %scan3A_408) -> (i32)  : i32 {
      %rem3A = arith.constant 2 : i32
      %rem3A_526 = arith.remsi %scan3A_524, %rem3A : i32
      %dma_wait3A_527 = arith.constant 0 : i32
      %dma_wait3A_528 = arith.constant 0 : i32
      %dma_wait3A_529 = tpu.memref_slice %arg6[%rem3A_526, %dma_wait3A_527, %dma_wait3A_528] : memref<2x8x64xi32, #tpu.memory_space<vmem>> -> memref<1x8x64xi32, #tpu.memory_space<vmem>>
      %dma_wait3A_530 = tpu.memref_squeeze %dma_wait3A_529 : memref<1x8x64xi32, #tpu.memory_space<vmem>> -> memref<8x64xi32, #tpu.memory_space<vmem>>
      %dma_wait3A_531 = arith.constant 0 : i32
      %dma_wait3A_532 = arith.constant 0 : i32
      %dma_wait3A_533 = tpu.memref_slice %arg3[%add3A, %scan3A_524, %dma_wait3A_531, %dma_wait3A_532] : memref<32x20x8x64xi32, #tpu.memory_space<hbm>> -> memref<1x1x8x64xi32, #tpu.memory_space<hbm>>
      %dma_wait3A_534 = tpu.memref_squeeze %dma_wait3A_533 : memref<1x1x8x64xi32, #tpu.memory_space<hbm>> -> memref<8x64xi32, #tpu.memory_space<hbm>>
      %dma_wait3A_535 = arith.constant 0 : i32
      %dma_wait3A_536 = arith.constant 0 : i32
      %dma_wait3A_537 = tpu.memref_slice %arg6[%rem3A_526, %dma_wait3A_535, %dma_wait3A_536] : memref<2x8x64xi32, #tpu.memory_space<vmem>> -> memref<1x8x64xi32, #tpu.memory_space<vmem>>
      %dma_wait3A_538 = tpu.memref_squeeze %dma_wait3A_537 : memref<1x8x64xi32, #tpu.memory_space<vmem>> -> memref<8x64xi32, #tpu.memory_space<vmem>>
      %dma_wait3A_539 = arith.constant 0 : i32
      %dma_wait3A_540 = arith.constant 0 : i32
      %dma_wait3A_541 = tpu.memref_slice %arg3[%add3A, %scan3A_524, %dma_wait3A_539, %dma_wait3A_540] : memref<32x20x8x64xi32, #tpu.memory_space<hbm>> -> memref<1x1x8x64xi32, #tpu.memory_space<hbm>>
      %dma_wait3A_542 = tpu.memref_squeeze %dma_wait3A_541 : memref<1x1x8x64xi32, #tpu.memory_space<hbm>> -> memref<8x64xi32, #tpu.memory_space<hbm>>
      tpu.wait_dma2 semaphore(%arg10 : memref<!tpu.dma_semaphore, #tpu.memory_space<semaphore_mem>>) src(%dma_wait3A_542 : memref<8x64xi32, #tpu.memory_space<hbm>>) dst(%dma_wait3A_538 : memref<8x64xi32, #tpu.memory_space<vmem>>)
      %dma_wait3A_543 = arith.constant 0 : i32
      %dma_wait3A_544 = arith.constant 0 : i32
      %dma_wait3A_545 = tpu.memref_slice %arg7[%rem3A_526, %dma_wait3A_543, %dma_wait3A_544] : memref<2x8x64xi32, #tpu.memory_space<vmem>> -> memref<1x8x64xi32, #tpu.memory_space<vmem>>
      %dma_wait3A_546 = tpu.memref_squeeze %dma_wait3A_545 : memref<1x8x64xi32, #tpu.memory_space<vmem>> -> memref<8x64xi32, #tpu.memory_space<vmem>>
      %dma_wait3A_547 = arith.constant 0 : i32
      %dma_wait3A_548 = arith.constant 0 : i32
      %dma_wait3A_549 = tpu.memref_slice %arg4[%add3A, %scan3A_524, %dma_wait3A_547, %dma_wait3A_548] : memref<32x20x8x64xi32, #tpu.memory_space<hbm>> -> memref<1x1x8x64xi32, #tpu.memory_space<hbm>>
      %dma_wait3A_550 = tpu.memref_squeeze %dma_wait3A_549 : memref<1x1x8x64xi32, #tpu.memory_space<hbm>> -> memref<8x64xi32, #tpu.memory_space<hbm>>
      %dma_wait3A_551 = arith.constant 0 : i32
      %dma_wait3A_552 = arith.constant 0 : i32
      %dma_wait3A_553 = tpu.memref_slice %arg7[%rem3A_526, %dma_wait3A_551, %dma_wait3A_552] : memref<2x8x64xi32, #tpu.memory_space<vmem>> -> memref<1x8x64xi32, #tpu.memory_space<vmem>>
      %dma_wait3A_554 = tpu.memref_squeeze %dma_wait3A_553 : memref<1x8x64xi32, #tpu.memory_space<vmem>> -> memref<8x64xi32, #tpu.memory_space<vmem>>
      %dma_wait3A_555 = arith.constant 0 : i32
      %dma_wait3A_556 = arith.constant 0 : i32
      %dma_wait3A_557 = tpu.memref_slice %arg4[%add3A, %scan3A_524, %dma_wait3A_555, %dma_wait3A_556] : memref<32x20x8x64xi32, #tpu.memory_space<hbm>> -> memref<1x1x8x64xi32, #tpu.memory_space<hbm>>
      %dma_wait3A_558 = tpu.memref_squeeze %dma_wait3A_557 : memref<1x1x8x64xi32, #tpu.memory_space<hbm>> -> memref<8x64xi32, #tpu.memory_space<hbm>>
      tpu.wait_dma2 semaphore(%arg10 : memref<!tpu.dma_semaphore, #tpu.memory_space<semaphore_mem>>) src(%dma_wait3A_558 : memref<8x64xi32, #tpu.memory_space<hbm>>) dst(%dma_wait3A_554 : memref<8x64xi32, #tpu.memory_space<vmem>>)
      %dma_wait3A_559 = arith.constant 0 : i32
      %dma_wait3A_560 = arith.constant 0 : i32
      %dma_wait3A_561 = arith.constant 0 : i32
      %dma_wait3A_562 = arith.constant 0 : i32
      %dma_wait3A_563 = tpu.memref_slice %arg8[%dma_wait3A_559, %dma_wait3A_561, %dma_wait3A_562] : memref<4x64x128xf32, #tpu.memory_space<vmem>> -> memref<1x64x128xf32, #tpu.memory_space<vmem>>
      %dma_wait3A_564 = tpu.memref_squeeze %dma_wait3A_563 : memref<1x64x128xf32, #tpu.memory_space<vmem>> -> memref<64x128xf32, #tpu.memory_space<vmem>>
      %dma_wait3A_565 = arith.constant 0 : i32
      %dma_wait3A_566 = tpu.memref_slice %arg7[%rem3A_526, %dma_wait3A_560, %dma_wait3A_565] : memref<2x8x64xi32, #tpu.memory_space<vmem>> -> memref<1x1x64xi32, #tpu.memory_space<vmem>>
      %dma_wait3A_567 = tpu.memref_squeeze %dma_wait3A_566 : memref<1x1x64xi32, #tpu.memory_space<vmem>> -> memref<64xi32, #tpu.memory_space<vmem>>
      %dma_wait3A_568 = arith.constant 0 : i32
      %dma_wait3A_569 = arith.constant 0 : i32
      %dma_wait3A_570 = tpu.memref_slice %arg9[%dma_wait3A_568, %dma_wait3A_569] : memref<10240x128xf32, #tpu.memory_space<vmem_shared>> -> memref<10240x128xf32, #tpu.memory_space<vmem_shared>>
      tpu.wait_indirect_dma semaphore(%arg15 : memref<!tpu.dma_semaphore, #tpu.memory_space<semaphore_mem>>) src(%dma_wait3A_564 : memref<64x128xf32, #tpu.memory_space<vmem>>) dst(%dma_wait3A_570 : memref<10240x128xf32, #tpu.memory_space<vmem_shared>>)
      %dma_start3A_571 = arith.constant 0 : i32
      %dma_start3A_572 = arith.constant 0 : i32
      %dma_start3A_573 = arith.constant 0 : i32
      %dma_start3A_574 = arith.constant 0 : i32
      %dma_start3A_575 = tpu.memref_slice %arg8[%dma_start3A_572, %dma_start3A_573, %dma_start3A_574] : memref<4x64x128xf32, #tpu.memory_space<vmem>> -> memref<1x64x128xf32, #tpu.memory_space<vmem>>
      %dma_start3A_576 = tpu.memref_squeeze %dma_start3A_575 : memref<1x64x128xf32, #tpu.memory_space<vmem>> -> memref<64x128xf32, #tpu.memory_space<vmem>>
      %dma_start3A_577 = arith.constant 0 : i32
      %dma_start3A_578 = tpu.memref_slice %arg6[%rem3A_526, %dma_start3A_571, %dma_start3A_577] : memref<2x8x64xi32, #tpu.memory_space<vmem>> -> memref<1x1x64xi32, #tpu.memory_space<vmem>>
      %dma_start3A_579 = tpu.memref_squeeze %dma_start3A_578 : memref<1x1x64xi32, #tpu.memory_space<vmem>> -> memref<64xi32, #tpu.memory_space<vmem>>
      %dma_start3A_580 = arith.constant 0 : i32
      %dma_start3A_581 = arith.constant 0 : i32
      %dma_start3A_582 = tpu.memref_slice %arg2[%dma_start3A_580, %dma_start3A_581] : memref<10000x128xf32, #tpu.memory_space<hbm>> -> memref<10000x128xf32, #tpu.memory_space<hbm>>
      tpu.enqueue_indirect_dma source(%dma_start3A_582 : memref<10000x128xf32, #tpu.memory_space<hbm>>) target(%dma_start3A_576 : memref<64x128xf32, #tpu.memory_space<vmem>>) offsets(%dma_start3A_579 : memref<64xi32, #tpu.memory_space<vmem>>) semaphore(%arg11 : memref<!tpu.dma_semaphore, #tpu.memory_space<semaphore_mem>>)
      %sub3A = arith.constant 1 : i32
      %sub3A_583 = arith.subi %sub3A, %rem3A_526 : i32
      %dma_wait3A_584 = arith.constant 6 : i32
      %dma_wait3A_585 = arith.constant 2 : i32
      %dma_wait3A_586 = arith.constant 0 : i32
      %dma_wait3A_587 = arith.constant 0 : i32
      %dma_wait3A_588 = tpu.memref_slice %arg8[%dma_wait3A_585, %dma_wait3A_586, %dma_wait3A_587] : memref<4x64x128xf32, #tpu.memory_space<vmem>> -> memref<1x64x128xf32, #tpu.memory_space<vmem>>
      %dma_wait3A_589 = tpu.memref_squeeze %dma_wait3A_588 : memref<1x64x128xf32, #tpu.memory_space<vmem>> -> memref<64x128xf32, #tpu.memory_space<vmem>>
      %dma_wait3A_590 = arith.constant 0 : i32
      %dma_wait3A_591 = tpu.memref_slice %arg6[%sub3A_583, %dma_wait3A_584, %dma_wait3A_590] : memref<2x8x64xi32, #tpu.memory_space<vmem>> -> memref<1x1x64xi32, #tpu.memory_space<vmem>>
      %dma_wait3A_592 = tpu.memref_squeeze %dma_wait3A_591 : memref<1x1x64xi32, #tpu.memory_space<vmem>> -> memref<64xi32, #tpu.memory_space<vmem>>
      %dma_wait3A_593 = arith.constant 0 : i32
      %dma_wait3A_594 = arith.constant 0 : i32
      %dma_wait3A_595 = tpu.memref_slice %arg2[%dma_wait3A_593, %dma_wait3A_594] : memref<10000x128xf32, #tpu.memory_space<hbm>> -> memref<10000x128xf32, #tpu.memory_space<hbm>>
      tpu.wait_indirect_dma semaphore(%arg13 : memref<!tpu.dma_semaphore, #tpu.memory_space<semaphore_mem>>) src(%dma_wait3A_595 : memref<10000x128xf32, #tpu.memory_space<hbm>>) dst(%dma_wait3A_589 : memref<64x128xf32, #tpu.memory_space<vmem>>)
      %dma_start3A_596 = arith.constant 2 : i32
      %dma_start3A_597 = arith.constant 6 : i32
      %dma_start3A_598 = arith.constant 0 : i32
      %dma_start3A_599 = arith.constant 0 : i32
      %dma_start3A_600 = tpu.memref_slice %arg8[%dma_start3A_596, %dma_start3A_598, %dma_start3A_599] : memref<4x64x128xf32, #tpu.memory_space<vmem>> -> memref<1x64x128xf32, #tpu.memory_space<vmem>>
      %dma_start3A_601 = tpu.memref_squeeze %dma_start3A_600 : memref<1x64x128xf32, #tpu.memory_space<vmem>> -> memref<64x128xf32, #tpu.memory_space<vmem>>
      %dma_start3A_602 = arith.constant 0 : i32
      %dma_start3A_603 = tpu.memref_slice %arg7[%sub3A_583, %dma_start3A_597, %dma_start3A_602] : memref<2x8x64xi32, #tpu.memory_space<vmem>> -> memref<1x1x64xi32, #tpu.memory_space<vmem>>
      %dma_start3A_604 = tpu.memref_squeeze %dma_start3A_603 : memref<1x1x64xi32, #tpu.memory_space<vmem>> -> memref<64xi32, #tpu.memory_space<vmem>>
      %dma_start3A_605 = arith.constant 0 : i32
      %dma_start3A_606 = arith.constant 0 : i32
      %dma_start3A_607 = tpu.memref_slice %arg9[%dma_start3A_605, %dma_start3A_606] : memref<10240x128xf32, #tpu.memory_space<vmem_shared>> -> memref<10240x128xf32, #tpu.memory_space<vmem_shared>>
      tpu.enqueue_indirect_dma source(%dma_start3A_601 : memref<64x128xf32, #tpu.memory_space<vmem>>) target(%dma_start3A_607 : memref<10240x128xf32, #tpu.memory_space<vmem_shared>>) offsets(%dma_start3A_604 : memref<64xi32, #tpu.memory_space<vmem>>) semaphore(%arg17 : memref<!tpu.dma_semaphore, #tpu.memory_space<semaphore_mem>>) {add = true}
      %dma_wait3A_608 = arith.constant 1 : i32
      %dma_wait3A_609 = arith.constant 1 : i32
      %dma_wait3A_610 = arith.constant 0 : i32
      %dma_wait3A_611 = arith.constant 0 : i32
      %dma_wait3A_612 = tpu.memref_slice %arg8[%dma_wait3A_608, %dma_wait3A_610, %dma_wait3A_611] : memref<4x64x128xf32, #tpu.memory_space<vmem>> -> memref<1x64x128xf32, #tpu.memory_space<vmem>>
      %dma_wait3A_613 = tpu.memref_squeeze %dma_wait3A_612 : memref<1x64x128xf32, #tpu.memory_space<vmem>> -> memref<64x128xf32, #tpu.memory_space<vmem>>
      %dma_wait3A_614 = arith.constant 0 : i32
      %dma_wait3A_615 = tpu.memref_slice %arg7[%rem3A_526, %dma_wait3A_609, %dma_wait3A_614] : memref<2x8x64xi32, #tpu.memory_space<vmem>> -> memref<1x1x64xi32, #tpu.memory_space<vmem>>
      %dma_wait3A_616 = tpu.memref_squeeze %dma_wait3A_615 : memref<1x1x64xi32, #tpu.memory_space<vmem>> -> memref<64xi32, #tpu.memory_space<vmem>>
      %dma_wait3A_617 = arith.constant 0 : i32
      %dma_wait3A_618 = arith.constant 0 : i32
      %dma_wait3A_619 = tpu.memref_slice %arg9[%dma_wait3A_617, %dma_wait3A_618] : memref<10240x128xf32, #tpu.memory_space<vmem_shared>> -> memref<10240x128xf32, #tpu.memory_space<vmem_shared>>
      tpu.wait_indirect_dma semaphore(%arg16 : memref<!tpu.dma_semaphore, #tpu.memory_space<semaphore_mem>>) src(%dma_wait3A_613 : memref<64x128xf32, #tpu.memory_space<vmem>>) dst(%dma_wait3A_619 : memref<10240x128xf32, #tpu.memory_space<vmem_shared>>)
      %dma_start3A_620 = arith.constant 1 : i32
      %dma_start3A_621 = arith.constant 1 : i32
      %dma_start3A_622 = arith.constant 0 : i32
      %dma_start3A_623 = arith.constant 0 : i32
      %dma_start3A_624 = tpu.memref_slice %arg8[%dma_start3A_621, %dma_start3A_622, %dma_start3A_623] : memref<4x64x128xf32, #tpu.memory_space<vmem>> -> memref<1x64x128xf32, #tpu.memory_space<vmem>>
      %dma_start3A_625 = tpu.memref_squeeze %dma_start3A_624 : memref<1x64x128xf32, #tpu.memory_space<vmem>> -> memref<64x128xf32, #tpu.memory_space<vmem>>
      %dma_start3A_626 = arith.constant 0 : i32
      %dma_start3A_627 = tpu.memref_slice %arg6[%rem3A_526, %dma_start3A_620, %dma_start3A_626] : memref<2x8x64xi32, #tpu.memory_space<vmem>> -> memref<1x1x64xi32, #tpu.memory_space<vmem>>
      %dma_start3A_628 = tpu.memref_squeeze %dma_start3A_627 : memref<1x1x64xi32, #tpu.memory_space<vmem>> -> memref<64xi32, #tpu.memory_space<vmem>>
      %dma_start3A_629 = arith.constant 0 : i32
      %dma_start3A_630 = arith.constant 0 : i32
      %dma_start3A_631 = tpu.memref_slice %arg2[%dma_start3A_629, %dma_start3A_630] : memref<10000x128xf32, #tpu.memory_space<hbm>> -> memref<10000x128xf32, #tpu.memory_space<hbm>>
      tpu.enqueue_indirect_dma source(%dma_start3A_631 : memref<10000x128xf32, #tpu.memory_space<hbm>>) target(%dma_start3A_625 : memref<64x128xf32, #tpu.memory_space<vmem>>) offsets(%dma_start3A_628 : memref<64xi32, #tpu.memory_space<vmem>>) semaphore(%arg12 : memref<!tpu.dma_semaphore, #tpu.memory_space<semaphore_mem>>)
      %sub3A_632 = arith.constant 1 : i32
      %sub3A_633 = arith.subi %sub3A_632, %rem3A_526 : i32
      %dma_wait3A_634 = arith.constant 7 : i32
      %dma_wait3A_635 = arith.constant 3 : i32
      %dma_wait3A_636 = arith.constant 0 : i32
      %dma_wait3A_637 = arith.constant 0 : i32
      %dma_wait3A_638 = tpu.memref_slice %arg8[%dma_wait3A_635, %dma_wait3A_636, %dma_wait3A_637] : memref<4x64x128xf32, #tpu.memory_space<vmem>> -> memref<1x64x128xf32, #tpu.memory_space<vmem>>
      %dma_wait3A_639 = tpu.memref_squeeze %dma_wait3A_638 : memref<1x64x128xf32, #tpu.memory_space<vmem>> -> memref<64x128xf32, #tpu.memory_space<vmem>>
      %dma_wait3A_640 = arith.constant 0 : i32
      %dma_wait3A_641 = tpu.memref_slice %arg6[%sub3A_633, %dma_wait3A_634, %dma_wait3A_640] : memref<2x8x64xi32, #tpu.memory_space<vmem>> -> memref<1x1x64xi32, #tpu.memory_space<vmem>>
      %dma_wait3A_642 = tpu.memref_squeeze %dma_wait3A_641 : memref<1x1x64xi32, #tpu.memory_space<vmem>> -> memref<64xi32, #tpu.memory_space<vmem>>
      %dma_wait3A_643 = arith.constant 0 : i32
      %dma_wait3A_644 = arith.constant 0 : i32
      %dma_wait3A_645 = tpu.memref_slice %arg2[%dma_wait3A_643, %dma_wait3A_644] : memref<10000x128xf32, #tpu.memory_space<hbm>> -> memref<10000x128xf32, #tpu.memory_space<hbm>>
      tpu.wait_indirect_dma semaphore(%arg14 : memref<!tpu.dma_semaphore, #tpu.memory_space<semaphore_mem>>) src(%dma_wait3A_645 : memref<10000x128xf32, #tpu.memory_space<hbm>>) dst(%dma_wait3A_639 : memref<64x128xf32, #tpu.memory_space<vmem>>)
      %dma_start3A_646 = arith.constant 3 : i32
      %dma_start3A_647 = arith.constant 7 : i32
      %dma_start3A_648 = arith.constant 0 : i32
      %dma_start3A_649 = arith.constant 0 : i32
      %dma_start3A_650 = tpu.memref_slice %arg8[%dma_start3A_646, %dma_start3A_648, %dma_start3A_649] : memref<4x64x128xf32, #tpu.memory_space<vmem>> -> memref<1x64x128xf32, #tpu.memory_space<vmem>>
      %dma_start3A_651 = tpu.memref_squeeze %dma_start3A_650 : memref<1x64x128xf32, #tpu.memory_space<vmem>> -> memref<64x128xf32, #tpu.memory_space<vmem>>
      %dma_start3A_652 = arith.constant 0 : i32
      %dma_start3A_653 = tpu.memref_slice %arg7[%sub3A_633, %dma_start3A_647, %dma_start3A_652] : memref<2x8x64xi32, #tpu.memory_space<vmem>> -> memref<1x1x64xi32, #tpu.memory_space<vmem>>
      %dma_start3A_654 = tpu.memref_squeeze %dma_start3A_653 : memref<1x1x64xi32, #tpu.memory_space<vmem>> -> memref<64xi32, #tpu.memory_space<vmem>>
      %dma_start3A_655 = arith.constant 0 : i32
      %dma_start3A_656 = arith.constant 0 : i32
      %dma_start3A_657 = tpu.memref_slice %arg9[%dma_start3A_655, %dma_start3A_656] : memref<10240x128xf32, #tpu.memory_space<vmem_shared>> -> memref<10240x128xf32, #tpu.memory_space<vmem_shared>>
      tpu.enqueue_indirect_dma source(%dma_start3A_651 : memref<64x128xf32, #tpu.memory_space<vmem>>) target(%dma_start3A_657 : memref<10240x128xf32, #tpu.memory_space<vmem_shared>>) offsets(%dma_start3A_654 : memref<64xi32, #tpu.memory_space<vmem>>) semaphore(%arg18 : memref<!tpu.dma_semaphore, #tpu.memory_space<semaphore_mem>>) {add = true}
      %dma_wait3A_658 = arith.constant 2 : i32
      %dma_wait3A_659 = arith.constant 2 : i32
      %dma_wait3A_660 = arith.constant 0 : i32
      %dma_wait3A_661 = arith.constant 0 : i32
      %dma_wait3A_662 = tpu.memref_slice %arg8[%dma_wait3A_658, %dma_wait3A_660, %dma_wait3A_661] : memref<4x64x128xf32, #tpu.memory_space<vmem>> -> memref<1x64x128xf32, #tpu.memory_space<vmem>>
      %dma_wait3A_663 = tpu.memref_squeeze %dma_wait3A_662 : memref<1x64x128xf32, #tpu.memory_space<vmem>> -> memref<64x128xf32, #tpu.memory_space<vmem>>
      %dma_wait3A_664 = arith.constant 0 : i32
      %dma_wait3A_665 = tpu.memref_slice %arg7[%rem3A_526, %dma_wait3A_659, %dma_wait3A_664] : memref<2x8x64xi32, #tpu.memory_space<vmem>> -> memref<1x1x64xi32, #tpu.memory_space<vmem>>
      %dma_wait3A_666 = tpu.memref_squeeze %dma_wait3A_665 : memref<1x1x64xi32, #tpu.memory_space<vmem>> -> memref<64xi32, #tpu.memory_space<vmem>>
      %dma_wait3A_667 = arith.constant 0 : i32
      %dma_wait3A_668 = arith.constant 0 : i32
      %dma_wait3A_669 = tpu.memref_slice %arg9[%dma_wait3A_667, %dma_wait3A_668] : memref<10240x128xf32, #tpu.memory_space<vmem_shared>> -> memref<10240x128xf32, #tpu.memory_space<vmem_shared>>
      tpu.wait_indirect_dma semaphore(%arg17 : memref<!tpu.dma_semaphore, #tpu.memory_space<semaphore_mem>>) src(%dma_wait3A_663 : memref<64x128xf32, #tpu.memory_space<vmem>>) dst(%dma_wait3A_669 : memref<10240x128xf32, #tpu.memory_space<vmem_shared>>)
      %dma_start3A_670 = arith.constant 2 : i32
      %dma_start3A_671 = arith.constant 2 : i32
      %dma_start3A_672 = arith.constant 0 : i32
      %dma_start3A_673 = arith.constant 0 : i32
      %dma_start3A_674 = tpu.memref_slice %arg8[%dma_start3A_671, %dma_start3A_672, %dma_start3A_673] : memref<4x64x128xf32, #tpu.memory_space<vmem>> -> memref<1x64x128xf32, #tpu.memory_space<vmem>>
      %dma_start3A_675 = tpu.memref_squeeze %dma_start3A_674 : memref<1x64x128xf32, #tpu.memory_space<vmem>> -> memref<64x128xf32, #tpu.memory_space<vmem>>
      %dma_start3A_676 = arith.constant 0 : i32
      %dma_start3A_677 = tpu.memref_slice %arg6[%rem3A_526, %dma_start3A_670, %dma_start3A_676] : memref<2x8x64xi32, #tpu.memory_space<vmem>> -> memref<1x1x64xi32, #tpu.memory_space<vmem>>
      %dma_start3A_678 = tpu.memref_squeeze %dma_start3A_677 : memref<1x1x64xi32, #tpu.memory_space<vmem>> -> memref<64xi32, #tpu.memory_space<vmem>>
      %dma_start3A_679 = arith.constant 0 : i32
      %dma_start3A_680 = arith.constant 0 : i32
      %dma_start3A_681 = tpu.memref_slice %arg2[%dma_start3A_679, %dma_start3A_680] : memref<10000x128xf32, #tpu.memory_space<hbm>> -> memref<10000x128xf32, #tpu.memory_space<hbm>>
      tpu.enqueue_indirect_dma source(%dma_start3A_681 : memref<10000x128xf32, #tpu.memory_space<hbm>>) target(%dma_start3A_675 : memref<64x128xf32, #tpu.memory_space<vmem>>) offsets(%dma_start3A_678 : memref<64xi32, #tpu.memory_space<vmem>>) semaphore(%arg13 : memref<!tpu.dma_semaphore, #tpu.memory_space<semaphore_mem>>)
      %dma_wait3A_682 = arith.constant 0 : i32
      %dma_wait3A_683 = arith.constant 0 : i32
      %dma_wait3A_684 = arith.constant 0 : i32
      %dma_wait3A_685 = arith.constant 0 : i32
      %dma_wait3A_686 = tpu.memref_slice %arg8[%dma_wait3A_683, %dma_wait3A_684, %dma_wait3A_685] : memref<4x64x128xf32, #tpu.memory_space<vmem>> -> memref<1x64x128xf32, #tpu.memory_space<vmem>>
      %dma_wait3A_687 = tpu.memref_squeeze %dma_wait3A_686 : memref<1x64x128xf32, #tpu.memory_space<vmem>> -> memref<64x128xf32, #tpu.memory_space<vmem>>
      %dma_wait3A_688 = arith.constant 0 : i32
      %dma_wait3A_689 = tpu.memref_slice %arg6[%rem3A_526, %dma_wait3A_682, %dma_wait3A_688] : memref<2x8x64xi32, #tpu.memory_space<vmem>> -> memref<1x1x64xi32, #tpu.memory_space<vmem>>
      %dma_wait3A_690 = tpu.memref_squeeze %dma_wait3A_689 : memref<1x1x64xi32, #tpu.memory_space<vmem>> -> memref<64xi32, #tpu.memory_space<vmem>>
      %dma_wait3A_691 = arith.constant 0 : i32
      %dma_wait3A_692 = arith.constant 0 : i32
      %dma_wait3A_693 = tpu.memref_slice %arg2[%dma_wait3A_691, %dma_wait3A_692] : memref<10000x128xf32, #tpu.memory_space<hbm>> -> memref<10000x128xf32, #tpu.memory_space<hbm>>
      tpu.wait_indirect_dma semaphore(%arg11 : memref<!tpu.dma_semaphore, #tpu.memory_space<semaphore_mem>>) src(%dma_wait3A_693 : memref<10000x128xf32, #tpu.memory_space<hbm>>) dst(%dma_wait3A_687 : memref<64x128xf32, #tpu.memory_space<vmem>>)
      %dma_start3A_694 = arith.constant 0 : i32
      %dma_start3A_695 = arith.constant 0 : i32
      %dma_start3A_696 = arith.constant 0 : i32
      %dma_start3A_697 = arith.constant 0 : i32
      %dma_start3A_698 = tpu.memref_slice %arg8[%dma_start3A_694, %dma_start3A_696, %dma_start3A_697] : memref<4x64x128xf32, #tpu.memory_space<vmem>> -> memref<1x64x128xf32, #tpu.memory_space<vmem>>
      %dma_start3A_699 = tpu.memref_squeeze %dma_start3A_698 : memref<1x64x128xf32, #tpu.memory_space<vmem>> -> memref<64x128xf32, #tpu.memory_space<vmem>>
      %dma_start3A_700 = arith.constant 0 : i32
      %dma_start3A_701 = tpu.memref_slice %arg7[%rem3A_526, %dma_start3A_695, %dma_start3A_700] : memref<2x8x64xi32, #tpu.memory_space<vmem>> -> memref<1x1x64xi32, #tpu.memory_space<vmem>>
      %dma_start3A_702 = tpu.memref_squeeze %dma_start3A_701 : memref<1x1x64xi32, #tpu.memory_space<vmem>> -> memref<64xi32, #tpu.memory_space<vmem>>
      %dma_start3A_703 = arith.constant 0 : i32
      %dma_start3A_704 = arith.constant 0 : i32
      %dma_start3A_705 = tpu.memref_slice %arg9[%dma_start3A_703, %dma_start3A_704] : memref<10240x128xf32, #tpu.memory_space<vmem_shared>> -> memref<10240x128xf32, #tpu.memory_space<vmem_shared>>
      tpu.enqueue_indirect_dma source(%dma_start3A_699 : memref<64x128xf32, #tpu.memory_space<vmem>>) target(%dma_start3A_705 : memref<10240x128xf32, #tpu.memory_space<vmem_shared>>) offsets(%dma_start3A_702 : memref<64xi32, #tpu.memory_space<vmem>>) semaphore(%arg15 : memref<!tpu.dma_semaphore, #tpu.memory_space<semaphore_mem>>) {add = true}
      %dma_wait3A_706 = arith.constant 3 : i32
      %dma_wait3A_707 = arith.constant 3 : i32
      %dma_wait3A_708 = arith.constant 0 : i32
      %dma_wait3A_709 = arith.constant 0 : i32
      %dma_wait3A_710 = tpu.memref_slice %arg8[%dma_wait3A_706, %dma_wait3A_708, %dma_wait3A_709] : memref<4x64x128xf32, #tpu.memory_space<vmem>> -> memref<1x64x128xf32, #tpu.memory_space<vmem>>
      %dma_wait3A_711 = tpu.memref_squeeze %dma_wait3A_710 : memref<1x64x128xf32, #tpu.memory_space<vmem>> -> memref<64x128xf32, #tpu.memory_space<vmem>>
      %dma_wait3A_712 = arith.constant 0 : i32
      %dma_wait3A_713 = tpu.memref_slice %arg7[%rem3A_526, %dma_wait3A_707, %dma_wait3A_712] : memref<2x8x64xi32, #tpu.memory_space<vmem>> -> memref<1x1x64xi32, #tpu.memory_space<vmem>>
      %dma_wait3A_714 = tpu.memref_squeeze %dma_wait3A_713 : memref<1x1x64xi32, #tpu.memory_space<vmem>> -> memref<64xi32, #tpu.memory_space<vmem>>
      %dma_wait3A_715 = arith.constant 0 : i32
      %dma_wait3A_716 = arith.constant 0 : i32
      %dma_wait3A_717 = tpu.memref_slice %arg9[%dma_wait3A_715, %dma_wait3A_716] : memref<10240x128xf32, #tpu.memory_space<vmem_shared>> -> memref<10240x128xf32, #tpu.memory_space<vmem_shared>>
      tpu.wait_indirect_dma semaphore(%arg18 : memref<!tpu.dma_semaphore, #tpu.memory_space<semaphore_mem>>) src(%dma_wait3A_711 : memref<64x128xf32, #tpu.memory_space<vmem>>) dst(%dma_wait3A_717 : memref<10240x128xf32, #tpu.memory_space<vmem_shared>>)
      %dma_start3A_718 = arith.constant 3 : i32
      %dma_start3A_719 = arith.constant 3 : i32
      %dma_start3A_720 = arith.constant 0 : i32
      %dma_start3A_721 = arith.constant 0 : i32
      %dma_start3A_722 = tpu.memref_slice %arg8[%dma_start3A_719, %dma_start3A_720, %dma_start3A_721] : memref<4x64x128xf32, #tpu.memory_space<vmem>> -> memref<1x64x128xf32, #tpu.memory_space<vmem>>
      %dma_start3A_723 = tpu.memref_squeeze %dma_start3A_722 : memref<1x64x128xf32, #tpu.memory_space<vmem>> -> memref<64x128xf32, #tpu.memory_space<vmem>>
      %dma_start3A_724 = arith.constant 0 : i32
      %dma_start3A_725 = tpu.memref_slice %arg6[%rem3A_526, %dma_start3A_718, %dma_start3A_724] : memref<2x8x64xi32, #tpu.memory_space<vmem>> -> memref<1x1x64xi32, #tpu.memory_space<vmem>>
      %dma_start3A_726 = tpu.memref_squeeze %dma_start3A_725 : memref<1x1x64xi32, #tpu.memory_space<vmem>> -> memref<64xi32, #tpu.memory_space<vmem>>
      %dma_start3A_727 = arith.constant 0 : i32
      %dma_start3A_728 = arith.constant 0 : i32
      %dma_start3A_729 = tpu.memref_slice %arg2[%dma_start3A_727, %dma_start3A_728] : memref<10000x128xf32, #tpu.memory_space<hbm>> -> memref<10000x128xf32, #tpu.memory_space<hbm>>
      tpu.enqueue_indirect_dma source(%dma_start3A_729 : memref<10000x128xf32, #tpu.memory_space<hbm>>) target(%dma_start3A_723 : memref<64x128xf32, #tpu.memory_space<vmem>>) offsets(%dma_start3A_726 : memref<64xi32, #tpu.memory_space<vmem>>) semaphore(%arg14 : memref<!tpu.dma_semaphore, #tpu.memory_space<semaphore_mem>>)
      %dma_wait3A_730 = arith.constant 1 : i32
      %dma_wait3A_731 = arith.constant 1 : i32
      %dma_wait3A_732 = arith.constant 0 : i32
      %dma_wait3A_733 = arith.constant 0 : i32
      %dma_wait3A_734 = tpu.memref_slice %arg8[%dma_wait3A_731, %dma_wait3A_732, %dma_wait3A_733] : memref<4x64x128xf32, #tpu.memory_space<vmem>> -> memref<1x64x128xf32, #tpu.memory_space<vmem>>
      %dma_wait3A_735 = tpu.memref_squeeze %dma_wait3A_734 : memref<1x64x128xf32, #tpu.memory_space<vmem>> -> memref<64x128xf32, #tpu.memory_space<vmem>>
      %dma_wait3A_736 = arith.constant 0 : i32
      %dma_wait3A_737 = tpu.memref_slice %arg6[%rem3A_526, %dma_wait3A_730, %dma_wait3A_736] : memref<2x8x64xi32, #tpu.memory_space<vmem>> -> memref<1x1x64xi32, #tpu.memory_space<vmem>>
      %dma_wait3A_738 = tpu.memref_squeeze %dma_wait3A_737 : memref<1x1x64xi32, #tpu.memory_space<vmem>> -> memref<64xi32, #tpu.memory_space<vmem>>
      %dma_wait3A_739 = arith.constant 0 : i32
      %dma_wait3A_740 = arith.constant 0 : i32
      %dma_wait3A_741 = tpu.memref_slice %arg2[%dma_wait3A_739, %dma_wait3A_740] : memref<10000x128xf32, #tpu.memory_space<hbm>> -> memref<10000x128xf32, #tpu.memory_space<hbm>>
      tpu.wait_indirect_dma semaphore(%arg12 : memref<!tpu.dma_semaphore, #tpu.memory_space<semaphore_mem>>) src(%dma_wait3A_741 : memref<10000x128xf32, #tpu.memory_space<hbm>>) dst(%dma_wait3A_735 : memref<64x128xf32, #tpu.memory_space<vmem>>)
      %dma_start3A_742 = arith.constant 1 : i32
      %dma_start3A_743 = arith.constant 1 : i32
      %dma_start3A_744 = arith.constant 0 : i32
      %dma_start3A_745 = arith.constant 0 : i32
      %dma_start3A_746 = tpu.memref_slice %arg8[%dma_start3A_742, %dma_start3A_744, %dma_start3A_745] : memref<4x64x128xf32, #tpu.memory_space<vmem>> -> memref<1x64x128xf32, #tpu.memory_space<vmem>>
      %dma_start3A_747 = tpu.memref_squeeze %dma_start3A_746 : memref<1x64x128xf32, #tpu.memory_space<vmem>> -> memref<64x128xf32, #tpu.memory_space<vmem>>
      %dma_start3A_748 = arith.constant 0 : i32
      %dma_start3A_749 = tpu.memref_slice %arg7[%rem3A_526, %dma_start3A_743, %dma_start3A_748] : memref<2x8x64xi32, #tpu.memory_space<vmem>> -> memref<1x1x64xi32, #tpu.memory_space<vmem>>
      %dma_start3A_750 = tpu.memref_squeeze %dma_start3A_749 : memref<1x1x64xi32, #tpu.memory_space<vmem>> -> memref<64xi32, #tpu.memory_space<vmem>>
      %dma_start3A_751 = arith.constant 0 : i32
      %dma_start3A_752 = arith.constant 0 : i32
      %dma_start3A_753 = tpu.memref_slice %arg9[%dma_start3A_751, %dma_start3A_752] : memref<10240x128xf32, #tpu.memory_space<vmem_shared>> -> memref<10240x128xf32, #tpu.memory_space<vmem_shared>>
      tpu.enqueue_indirect_dma source(%dma_start3A_747 : memref<64x128xf32, #tpu.memory_space<vmem>>) target(%dma_start3A_753 : memref<10240x128xf32, #tpu.memory_space<vmem_shared>>) offsets(%dma_start3A_750 : memref<64xi32, #tpu.memory_space<vmem>>) semaphore(%arg16 : memref<!tpu.dma_semaphore, #tpu.memory_space<semaphore_mem>>) {add = true}
      %dma_wait3A_754 = arith.constant 0 : i32
      %dma_wait3A_755 = arith.constant 4 : i32
      %dma_wait3A_756 = arith.constant 0 : i32
      %dma_wait3A_757 = arith.constant 0 : i32
      %dma_wait3A_758 = tpu.memref_slice %arg8[%dma_wait3A_754, %dma_wait3A_756, %dma_wait3A_757] : memref<4x64x128xf32, #tpu.memory_space<vmem>> -> memref<1x64x128xf32, #tpu.memory_space<vmem>>
      %dma_wait3A_759 = tpu.memref_squeeze %dma_wait3A_758 : memref<1x64x128xf32, #tpu.memory_space<vmem>> -> memref<64x128xf32, #tpu.memory_space<vmem>>
      %dma_wait3A_760 = arith.constant 0 : i32
      %dma_wait3A_761 = tpu.memref_slice %arg7[%rem3A_526, %dma_wait3A_755, %dma_wait3A_760] : memref<2x8x64xi32, #tpu.memory_space<vmem>> -> memref<1x1x64xi32, #tpu.memory_space<vmem>>
      %dma_wait3A_762 = tpu.memref_squeeze %dma_wait3A_761 : memref<1x1x64xi32, #tpu.memory_space<vmem>> -> memref<64xi32, #tpu.memory_space<vmem>>
      %dma_wait3A_763 = arith.constant 0 : i32
      %dma_wait3A_764 = arith.constant 0 : i32
      %dma_wait3A_765 = tpu.memref_slice %arg9[%dma_wait3A_763, %dma_wait3A_764] : memref<10240x128xf32, #tpu.memory_space<vmem_shared>> -> memref<10240x128xf32, #tpu.memory_space<vmem_shared>>
      tpu.wait_indirect_dma semaphore(%arg15 : memref<!tpu.dma_semaphore, #tpu.memory_space<semaphore_mem>>) src(%dma_wait3A_759 : memref<64x128xf32, #tpu.memory_space<vmem>>) dst(%dma_wait3A_765 : memref<10240x128xf32, #tpu.memory_space<vmem_shared>>)
      %dma_start3A_766 = arith.constant 4 : i32
      %dma_start3A_767 = arith.constant 0 : i32
      %dma_start3A_768 = arith.constant 0 : i32
      %dma_start3A_769 = arith.constant 0 : i32
      %dma_start3A_770 = tpu.memref_slice %arg8[%dma_start3A_767, %dma_start3A_768, %dma_start3A_769] : memref<4x64x128xf32, #tpu.memory_space<vmem>> -> memref<1x64x128xf32, #tpu.memory_space<vmem>>
      %dma_start3A_771 = tpu.memref_squeeze %dma_start3A_770 : memref<1x64x128xf32, #tpu.memory_space<vmem>> -> memref<64x128xf32, #tpu.memory_space<vmem>>
      %dma_start3A_772 = arith.constant 0 : i32
      %dma_start3A_773 = tpu.memref_slice %arg6[%rem3A_526, %dma_start3A_766, %dma_start3A_772] : memref<2x8x64xi32, #tpu.memory_space<vmem>> -> memref<1x1x64xi32, #tpu.memory_space<vmem>>
      %dma_start3A_774 = tpu.memref_squeeze %dma_start3A_773 : memref<1x1x64xi32, #tpu.memory_space<vmem>> -> memref<64xi32, #tpu.memory_space<vmem>>
      %dma_start3A_775 = arith.constant 0 : i32
      %dma_start3A_776 = arith.constant 0 : i32
      %dma_start3A_777 = tpu.memref_slice %arg2[%dma_start3A_775, %dma_start3A_776] : memref<10000x128xf32, #tpu.memory_space<hbm>> -> memref<10000x128xf32, #tpu.memory_space<hbm>>
      tpu.enqueue_indirect_dma source(%dma_start3A_777 : memref<10000x128xf32, #tpu.memory_space<hbm>>) target(%dma_start3A_771 : memref<64x128xf32, #tpu.memory_space<vmem>>) offsets(%dma_start3A_774 : memref<64xi32, #tpu.memory_space<vmem>>) semaphore(%arg11 : memref<!tpu.dma_semaphore, #tpu.memory_space<semaphore_mem>>)
      %dma_wait3A_778 = arith.constant 2 : i32
      %dma_wait3A_779 = arith.constant 2 : i32
      %dma_wait3A_780 = arith.constant 0 : i32
      %dma_wait3A_781 = arith.constant 0 : i32
      %dma_wait3A_782 = tpu.memref_slice %arg8[%dma_wait3A_779, %dma_wait3A_780, %dma_wait3A_781] : memref<4x64x128xf32, #tpu.memory_space<vmem>> -> memref<1x64x128xf32, #tpu.memory_space<vmem>>
      %dma_wait3A_783 = tpu.memref_squeeze %dma_wait3A_782 : memref<1x64x128xf32, #tpu.memory_space<vmem>> -> memref<64x128xf32, #tpu.memory_space<vmem>>
      %dma_wait3A_784 = arith.constant 0 : i32
      %dma_wait3A_785 = tpu.memref_slice %arg6[%rem3A_526, %dma_wait3A_778, %dma_wait3A_784] : memref<2x8x64xi32, #tpu.memory_space<vmem>> -> memref<1x1x64xi32, #tpu.memory_space<vmem>>
      %dma_wait3A_786 = tpu.memref_squeeze %dma_wait3A_785 : memref<1x1x64xi32, #tpu.memory_space<vmem>> -> memref<64xi32, #tpu.memory_space<vmem>>
      %dma_wait3A_787 = arith.constant 0 : i32
      %dma_wait3A_788 = arith.constant 0 : i32
      %dma_wait3A_789 = tpu.memref_slice %arg2[%dma_wait3A_787, %dma_wait3A_788] : memref<10000x128xf32, #tpu.memory_space<hbm>> -> memref<10000x128xf32, #tpu.memory_space<hbm>>
      tpu.wait_indirect_dma semaphore(%arg13 : memref<!tpu.dma_semaphore, #tpu.memory_space<semaphore_mem>>) src(%dma_wait3A_789 : memref<10000x128xf32, #tpu.memory_space<hbm>>) dst(%dma_wait3A_783 : memref<64x128xf32, #tpu.memory_space<vmem>>)
      %dma_start3A_790 = arith.constant 2 : i32
      %dma_start3A_791 = arith.constant 2 : i32
      %dma_start3A_792 = arith.constant 0 : i32
      %dma_start3A_793 = arith.constant 0 : i32
      %dma_start3A_794 = tpu.memref_slice %arg8[%dma_start3A_790, %dma_start3A_792, %dma_start3A_793] : memref<4x64x128xf32, #tpu.memory_space<vmem>> -> memref<1x64x128xf32, #tpu.memory_space<vmem>>
      %dma_start3A_795 = tpu.memref_squeeze %dma_start3A_794 : memref<1x64x128xf32, #tpu.memory_space<vmem>> -> memref<64x128xf32, #tpu.memory_space<vmem>>
      %dma_start3A_796 = arith.constant 0 : i32
      %dma_start3A_797 = tpu.memref_slice %arg7[%rem3A_526, %dma_start3A_791, %dma_start3A_796] : memref<2x8x64xi32, #tpu.memory_space<vmem>> -> memref<1x1x64xi32, #tpu.memory_space<vmem>>
      %dma_start3A_798 = tpu.memref_squeeze %dma_start3A_797 : memref<1x1x64xi32, #tpu.memory_space<vmem>> -> memref<64xi32, #tpu.memory_space<vmem>>
      %dma_start3A_799 = arith.constant 0 : i32
      %dma_start3A_800 = arith.constant 0 : i32
      %dma_start3A_801 = tpu.memref_slice %arg9[%dma_start3A_799, %dma_start3A_800] : memref<10240x128xf32, #tpu.memory_space<vmem_shared>> -> memref<10240x128xf32, #tpu.memory_space<vmem_shared>>
      tpu.enqueue_indirect_dma source(%dma_start3A_795 : memref<64x128xf32, #tpu.memory_space<vmem>>) target(%dma_start3A_801 : memref<10240x128xf32, #tpu.memory_space<vmem_shared>>) offsets(%dma_start3A_798 : memref<64xi32, #tpu.memory_space<vmem>>) semaphore(%arg17 : memref<!tpu.dma_semaphore, #tpu.memory_space<semaphore_mem>>) {add = true}
      %add3A_802 = arith.constant 1 : i32
      %add3A_803 = arith.addi %scan3A_524, %add3A_802 : i32
      %lt3A = arith.constant 20 : i32
      %lt3A_804 = arith.cmpi slt, %add3A_803, %lt3A : i32
      %convert_element_type3A = arith.extui %lt3A_804 : i1 to i32
      %cond3A = arith.constant 0 : i32
      %cond3A_805 = arith.cmpi ne, %convert_element_type3A, %cond3A : i32
      scf.if %cond3A_805 {
        %add3A_951 = arith.constant 1 : i32
        %add3A_952 = arith.addi %scan3A_524, %add3A_951 : i32
        %sub3A_953 = arith.constant 1 : i32
        %sub3A_954 = arith.subi %sub3A_953, %rem3A_526 : i32
        %dma_start3A_955 = arith.constant 0 : i32
        %dma_start3A_956 = arith.constant 0 : i32
        %dma_start3A_957 = tpu.memref_slice %arg6[%sub3A_954, %dma_start3A_955, %dma_start3A_956] : memref<2x8x64xi32, #tpu.memory_space<vmem>> -> memref<1x8x64xi32, #tpu.memory_space<vmem>>
        %dma_start3A_958 = tpu.memref_squeeze %dma_start3A_957 : memref<1x8x64xi32, #tpu.memory_space<vmem>> -> memref<8x64xi32, #tpu.memory_space<vmem>>
        %dma_start3A_959 = arith.constant 0 : i32
        %dma_start3A_960 = arith.constant 0 : i32
        %dma_start3A_961 = tpu.memref_slice %arg3[%add3A, %add3A_952, %dma_start3A_959, %dma_start3A_960] : memref<32x20x8x64xi32, #tpu.memory_space<hbm>> -> memref<1x1x8x64xi32, #tpu.memory_space<hbm>>
        %dma_start3A_962 = tpu.memref_squeeze %dma_start3A_961 : memref<1x1x8x64xi32, #tpu.memory_space<hbm>> -> memref<8x64xi32, #tpu.memory_space<hbm>>
        %dma_start3A_963 = arith.constant 0 : i32
        %dma_start3A_964 = arith.constant 0 : i32
        %dma_start3A_965 = tpu.memref_slice %arg6[%sub3A_954, %dma_start3A_963, %dma_start3A_964] : memref<2x8x64xi32, #tpu.memory_space<vmem>> -> memref<1x8x64xi32, #tpu.memory_space<vmem>>
        %dma_start3A_966 = tpu.memref_squeeze %dma_start3A_965 : memref<1x8x64xi32, #tpu.memory_space<vmem>> -> memref<8x64xi32, #tpu.memory_space<vmem>>
        %dma_start3A_967 = arith.constant 0 : i32
        %dma_start3A_968 = arith.constant 0 : i32
        %dma_start3A_969 = tpu.memref_slice %arg3[%add3A, %add3A_952, %dma_start3A_967, %dma_start3A_968] : memref<32x20x8x64xi32, #tpu.memory_space<hbm>> -> memref<1x1x8x64xi32, #tpu.memory_space<hbm>>
        %dma_start3A_970 = tpu.memref_squeeze %dma_start3A_969 : memref<1x1x8x64xi32, #tpu.memory_space<hbm>> -> memref<8x64xi32, #tpu.memory_space<hbm>>
        tpu.enqueue_dma source(%dma_start3A_970 : memref<8x64xi32, #tpu.memory_space<hbm>>) target(%dma_start3A_966 : memref<8x64xi32, #tpu.memory_space<vmem>>) target_semaphore(%arg10 : memref<!tpu.dma_semaphore, #tpu.memory_space<semaphore_mem>>)
        %add3A_971 = arith.constant 1 : i32
        %add3A_972 = arith.addi %scan3A_524, %add3A_971 : i32
        %sub3A_973 = arith.constant 1 : i32
        %sub3A_974 = arith.subi %sub3A_973, %rem3A_526 : i32
        %dma_start3A_975 = arith.constant 0 : i32
        %dma_start3A_976 = arith.constant 0 : i32
        %dma_start3A_977 = tpu.memref_slice %arg7[%sub3A_974, %dma_start3A_975, %dma_start3A_976] : memref<2x8x64xi32, #tpu.memory_space<vmem>> -> memref<1x8x64xi32, #tpu.memory_space<vmem>>
        %dma_start3A_978 = tpu.memref_squeeze %dma_start3A_977 : memref<1x8x64xi32, #tpu.memory_space<vmem>> -> memref<8x64xi32, #tpu.memory_space<vmem>>
        %dma_start3A_979 = arith.constant 0 : i32
        %dma_start3A_980 = arith.constant 0 : i32
        %dma_start3A_981 = tpu.memref_slice %arg4[%add3A, %add3A_972, %dma_start3A_979, %dma_start3A_980] : memref<32x20x8x64xi32, #tpu.memory_space<hbm>> -> memref<1x1x8x64xi32, #tpu.memory_space<hbm>>
        %dma_start3A_982 = tpu.memref_squeeze %dma_start3A_981 : memref<1x1x8x64xi32, #tpu.memory_space<hbm>> -> memref<8x64xi32, #tpu.memory_space<hbm>>
        %dma_start3A_983 = arith.constant 0 : i32
        %dma_start3A_984 = arith.constant 0 : i32
        %dma_start3A_985 = tpu.memref_slice %arg7[%sub3A_974, %dma_start3A_983, %dma_start3A_984] : memref<2x8x64xi32, #tpu.memory_space<vmem>> -> memref<1x8x64xi32, #tpu.memory_space<vmem>>
        %dma_start3A_986 = tpu.memref_squeeze %dma_start3A_985 : memref<1x8x64xi32, #tpu.memory_space<vmem>> -> memref<8x64xi32, #tpu.memory_space<vmem>>
        %dma_start3A_987 = arith.constant 0 : i32
        %dma_start3A_988 = arith.constant 0 : i32
        %dma_start3A_989 = tpu.memref_slice %arg4[%add3A, %add3A_972, %dma_start3A_987, %dma_start3A_988] : memref<32x20x8x64xi32, #tpu.memory_space<hbm>> -> memref<1x1x8x64xi32, #tpu.memory_space<hbm>>
        %dma_start3A_990 = tpu.memref_squeeze %dma_start3A_989 : memref<1x1x8x64xi32, #tpu.memory_space<hbm>> -> memref<8x64xi32, #tpu.memory_space<hbm>>
        tpu.enqueue_dma source(%dma_start3A_990 : memref<8x64xi32, #tpu.memory_space<hbm>>) target(%dma_start3A_986 : memref<8x64xi32, #tpu.memory_space<vmem>>) target_semaphore(%arg10 : memref<!tpu.dma_semaphore, #tpu.memory_space<semaphore_mem>>)
      } else {
      }
      %dma_wait3A_806 = arith.constant 1 : i32
      %dma_wait3A_807 = arith.constant 5 : i32
      %dma_wait3A_808 = arith.constant 0 : i32
      %dma_wait3A_809 = arith.constant 0 : i32
      %dma_wait3A_810 = tpu.memref_slice %arg8[%dma_wait3A_806, %dma_wait3A_808, %dma_wait3A_809] : memref<4x64x128xf32, #tpu.memory_space<vmem>> -> memref<1x64x128xf32, #tpu.memory_space<vmem>>
      %dma_wait3A_811 = tpu.memref_squeeze %dma_wait3A_810 : memref<1x64x128xf32, #tpu.memory_space<vmem>> -> memref<64x128xf32, #tpu.memory_space<vmem>>
      %dma_wait3A_812 = arith.constant 0 : i32
      %dma_wait3A_813 = tpu.memref_slice %arg7[%rem3A_526, %dma_wait3A_807, %dma_wait3A_812] : memref<2x8x64xi32, #tpu.memory_space<vmem>> -> memref<1x1x64xi32, #tpu.memory_space<vmem>>
      %dma_wait3A_814 = tpu.memref_squeeze %dma_wait3A_813 : memref<1x1x64xi32, #tpu.memory_space<vmem>> -> memref<64xi32, #tpu.memory_space<vmem>>
      %dma_wait3A_815 = arith.constant 0 : i32
      %dma_wait3A_816 = arith.constant 0 : i32
      %dma_wait3A_817 = tpu.memref_slice %arg9[%dma_wait3A_815, %dma_wait3A_816] : memref<10240x128xf32, #tpu.memory_space<vmem_shared>> -> memref<10240x128xf32, #tpu.memory_space<vmem_shared>>
      tpu.wait_indirect_dma semaphore(%arg16 : memref<!tpu.dma_semaphore, #tpu.memory_space<semaphore_mem>>) src(%dma_wait3A_811 : memref<64x128xf32, #tpu.memory_space<vmem>>) dst(%dma_wait3A_817 : memref<10240x128xf32, #tpu.memory_space<vmem_shared>>)
      %dma_start3A_818 = arith.constant 5 : i32
      %dma_start3A_819 = arith.constant 1 : i32
      %dma_start3A_820 = arith.constant 0 : i32
      %dma_start3A_821 = arith.constant 0 : i32
      %dma_start3A_822 = tpu.memref_slice %arg8[%dma_start3A_819, %dma_start3A_820, %dma_start3A_821] : memref<4x64x128xf32, #tpu.memory_space<vmem>> -> memref<1x64x128xf32, #tpu.memory_space<vmem>>
      %dma_start3A_823 = tpu.memref_squeeze %dma_start3A_822 : memref<1x64x128xf32, #tpu.memory_space<vmem>> -> memref<64x128xf32, #tpu.memory_space<vmem>>
      %dma_start3A_824 = arith.constant 0 : i32
      %dma_start3A_825 = tpu.memref_slice %arg6[%rem3A_526, %dma_start3A_818, %dma_start3A_824] : memref<2x8x64xi32, #tpu.memory_space<vmem>> -> memref<1x1x64xi32, #tpu.memory_space<vmem>>
      %dma_start3A_826 = tpu.memref_squeeze %dma_start3A_825 : memref<1x1x64xi32, #tpu.memory_space<vmem>> -> memref<64xi32, #tpu.memory_space<vmem>>
      %dma_start3A_827 = arith.constant 0 : i32
      %dma_start3A_828 = arith.constant 0 : i32
      %dma_start3A_829 = tpu.memref_slice %arg2[%dma_start3A_827, %dma_start3A_828] : memref<10000x128xf32, #tpu.memory_space<hbm>> -> memref<10000x128xf32, #tpu.memory_space<hbm>>
      tpu.enqueue_indirect_dma source(%dma_start3A_829 : memref<10000x128xf32, #tpu.memory_space<hbm>>) target(%dma_start3A_823 : memref<64x128xf32, #tpu.memory_space<vmem>>) offsets(%dma_start3A_826 : memref<64xi32, #tpu.memory_space<vmem>>) semaphore(%arg12 : memref<!tpu.dma_semaphore, #tpu.memory_space<semaphore_mem>>)
      %dma_wait3A_830 = arith.constant 3 : i32
      %dma_wait3A_831 = arith.constant 3 : i32
      %dma_wait3A_832 = arith.constant 0 : i32
      %dma_wait3A_833 = arith.constant 0 : i32
      %dma_wait3A_834 = tpu.memref_slice %arg8[%dma_wait3A_831, %dma_wait3A_832, %dma_wait3A_833] : memref<4x64x128xf32, #tpu.memory_space<vmem>> -> memref<1x64x128xf32, #tpu.memory_space<vmem>>
      %dma_wait3A_835 = tpu.memref_squeeze %dma_wait3A_834 : memref<1x64x128xf32, #tpu.memory_space<vmem>> -> memref<64x128xf32, #tpu.memory_space<vmem>>
      %dma_wait3A_836 = arith.constant 0 : i32
      %dma_wait3A_837 = tpu.memref_slice %arg6[%rem3A_526, %dma_wait3A_830, %dma_wait3A_836] : memref<2x8x64xi32, #tpu.memory_space<vmem>> -> memref<1x1x64xi32, #tpu.memory_space<vmem>>
      %dma_wait3A_838 = tpu.memref_squeeze %dma_wait3A_837 : memref<1x1x64xi32, #tpu.memory_space<vmem>> -> memref<64xi32, #tpu.memory_space<vmem>>
      %dma_wait3A_839 = arith.constant 0 : i32
      %dma_wait3A_840 = arith.constant 0 : i32
      %dma_wait3A_841 = tpu.memref_slice %arg2[%dma_wait3A_839, %dma_wait3A_840] : memref<10000x128xf32, #tpu.memory_space<hbm>> -> memref<10000x128xf32, #tpu.memory_space<hbm>>
      tpu.wait_indirect_dma semaphore(%arg14 : memref<!tpu.dma_semaphore, #tpu.memory_space<semaphore_mem>>) src(%dma_wait3A_841 : memref<10000x128xf32, #tpu.memory_space<hbm>>) dst(%dma_wait3A_835 : memref<64x128xf32, #tpu.memory_space<vmem>>)
      %dma_start3A_842 = arith.constant 3 : i32
      %dma_start3A_843 = arith.constant 3 : i32
      %dma_start3A_844 = arith.constant 0 : i32
      %dma_start3A_845 = arith.constant 0 : i32
      %dma_start3A_846 = tpu.memref_slice %arg8[%dma_start3A_842, %dma_start3A_844, %dma_start3A_845] : memref<4x64x128xf32, #tpu.memory_space<vmem>> -> memref<1x64x128xf32, #tpu.memory_space<vmem>>
      %dma_start3A_847 = tpu.memref_squeeze %dma_start3A_846 : memref<1x64x128xf32, #tpu.memory_space<vmem>> -> memref<64x128xf32, #tpu.memory_space<vmem>>
      %dma_start3A_848 = arith.constant 0 : i32
      %dma_start3A_849 = tpu.memref_slice %arg7[%rem3A_526, %dma_start3A_843, %dma_start3A_848] : memref<2x8x64xi32, #tpu.memory_space<vmem>> -> memref<1x1x64xi32, #tpu.memory_space<vmem>>
      %dma_start3A_850 = tpu.memref_squeeze %dma_start3A_849 : memref<1x1x64xi32, #tpu.memory_space<vmem>> -> memref<64xi32, #tpu.memory_space<vmem>>
      %dma_start3A_851 = arith.constant 0 : i32
      %dma_start3A_852 = arith.constant 0 : i32
      %dma_start3A_853 = tpu.memref_slice %arg9[%dma_start3A_851, %dma_start3A_852] : memref<10240x128xf32, #tpu.memory_space<vmem_shared>> -> memref<10240x128xf32, #tpu.memory_space<vmem_shared>>
      tpu.enqueue_indirect_dma source(%dma_start3A_847 : memref<64x128xf32, #tpu.memory_space<vmem>>) target(%dma_start3A_853 : memref<10240x128xf32, #tpu.memory_space<vmem_shared>>) offsets(%dma_start3A_850 : memref<64xi32, #tpu.memory_space<vmem>>) semaphore(%arg18 : memref<!tpu.dma_semaphore, #tpu.memory_space<semaphore_mem>>) {add = true}
      %dma_wait3A_854 = arith.constant 2 : i32
      %dma_wait3A_855 = arith.constant 6 : i32
      %dma_wait3A_856 = arith.constant 0 : i32
      %dma_wait3A_857 = arith.constant 0 : i32
      %dma_wait3A_858 = tpu.memref_slice %arg8[%dma_wait3A_854, %dma_wait3A_856, %dma_wait3A_857] : memref<4x64x128xf32, #tpu.memory_space<vmem>> -> memref<1x64x128xf32, #tpu.memory_space<vmem>>
      %dma_wait3A_859 = tpu.memref_squeeze %dma_wait3A_858 : memref<1x64x128xf32, #tpu.memory_space<vmem>> -> memref<64x128xf32, #tpu.memory_space<vmem>>
      %dma_wait3A_860 = arith.constant 0 : i32
      %dma_wait3A_861 = tpu.memref_slice %arg7[%rem3A_526, %dma_wait3A_855, %dma_wait3A_860] : memref<2x8x64xi32, #tpu.memory_space<vmem>> -> memref<1x1x64xi32, #tpu.memory_space<vmem>>
      %dma_wait3A_862 = tpu.memref_squeeze %dma_wait3A_861 : memref<1x1x64xi32, #tpu.memory_space<vmem>> -> memref<64xi32, #tpu.memory_space<vmem>>
      %dma_wait3A_863 = arith.constant 0 : i32
      %dma_wait3A_864 = arith.constant 0 : i32
      %dma_wait3A_865 = tpu.memref_slice %arg9[%dma_wait3A_863, %dma_wait3A_864] : memref<10240x128xf32, #tpu.memory_space<vmem_shared>> -> memref<10240x128xf32, #tpu.memory_space<vmem_shared>>
      tpu.wait_indirect_dma semaphore(%arg17 : memref<!tpu.dma_semaphore, #tpu.memory_space<semaphore_mem>>) src(%dma_wait3A_859 : memref<64x128xf32, #tpu.memory_space<vmem>>) dst(%dma_wait3A_865 : memref<10240x128xf32, #tpu.memory_space<vmem_shared>>)
      %dma_start3A_866 = arith.constant 6 : i32
      %dma_start3A_867 = arith.constant 2 : i32
      %dma_start3A_868 = arith.constant 0 : i32
      %dma_start3A_869 = arith.constant 0 : i32
      %dma_start3A_870 = tpu.memref_slice %arg8[%dma_start3A_867, %dma_start3A_868, %dma_start3A_869] : memref<4x64x128xf32, #tpu.memory_space<vmem>> -> memref<1x64x128xf32, #tpu.memory_space<vmem>>
      %dma_start3A_871 = tpu.memref_squeeze %dma_start3A_870 : memref<1x64x128xf32, #tpu.memory_space<vmem>> -> memref<64x128xf32, #tpu.memory_space<vmem>>
      %dma_start3A_872 = arith.constant 0 : i32
      %dma_start3A_873 = tpu.memref_slice %arg6[%rem3A_526, %dma_start3A_866, %dma_start3A_872] : memref<2x8x64xi32, #tpu.memory_space<vmem>> -> memref<1x1x64xi32, #tpu.memory_space<vmem>>
      %dma_start3A_874 = tpu.memref_squeeze %dma_start3A_873 : memref<1x1x64xi32, #tpu.memory_space<vmem>> -> memref<64xi32, #tpu.memory_space<vmem>>
      %dma_start3A_875 = arith.constant 0 : i32
      %dma_start3A_876 = arith.constant 0 : i32
      %dma_start3A_877 = tpu.memref_slice %arg2[%dma_start3A_875, %dma_start3A_876] : memref<10000x128xf32, #tpu.memory_space<hbm>> -> memref<10000x128xf32, #tpu.memory_space<hbm>>
      tpu.enqueue_indirect_dma source(%dma_start3A_877 : memref<10000x128xf32, #tpu.memory_space<hbm>>) target(%dma_start3A_871 : memref<64x128xf32, #tpu.memory_space<vmem>>) offsets(%dma_start3A_874 : memref<64xi32, #tpu.memory_space<vmem>>) semaphore(%arg13 : memref<!tpu.dma_semaphore, #tpu.memory_space<semaphore_mem>>)
      %dma_wait3A_878 = arith.constant 4 : i32
      %dma_wait3A_879 = arith.constant 0 : i32
      %dma_wait3A_880 = arith.constant 0 : i32
      %dma_wait3A_881 = arith.constant 0 : i32
      %dma_wait3A_882 = tpu.memref_slice %arg8[%dma_wait3A_879, %dma_wait3A_880, %dma_wait3A_881] : memref<4x64x128xf32, #tpu.memory_space<vmem>> -> memref<1x64x128xf32, #tpu.memory_space<vmem>>
      %dma_wait3A_883 = tpu.memref_squeeze %dma_wait3A_882 : memref<1x64x128xf32, #tpu.memory_space<vmem>> -> memref<64x128xf32, #tpu.memory_space<vmem>>
      %dma_wait3A_884 = arith.constant 0 : i32
      %dma_wait3A_885 = tpu.memref_slice %arg6[%rem3A_526, %dma_wait3A_878, %dma_wait3A_884] : memref<2x8x64xi32, #tpu.memory_space<vmem>> -> memref<1x1x64xi32, #tpu.memory_space<vmem>>
      %dma_wait3A_886 = tpu.memref_squeeze %dma_wait3A_885 : memref<1x1x64xi32, #tpu.memory_space<vmem>> -> memref<64xi32, #tpu.memory_space<vmem>>
      %dma_wait3A_887 = arith.constant 0 : i32
      %dma_wait3A_888 = arith.constant 0 : i32
      %dma_wait3A_889 = tpu.memref_slice %arg2[%dma_wait3A_887, %dma_wait3A_888] : memref<10000x128xf32, #tpu.memory_space<hbm>> -> memref<10000x128xf32, #tpu.memory_space<hbm>>
      tpu.wait_indirect_dma semaphore(%arg11 : memref<!tpu.dma_semaphore, #tpu.memory_space<semaphore_mem>>) src(%dma_wait3A_889 : memref<10000x128xf32, #tpu.memory_space<hbm>>) dst(%dma_wait3A_883 : memref<64x128xf32, #tpu.memory_space<vmem>>)
      %dma_start3A_890 = arith.constant 0 : i32
      %dma_start3A_891 = arith.constant 4 : i32
      %dma_start3A_892 = arith.constant 0 : i32
      %dma_start3A_893 = arith.constant 0 : i32
      %dma_start3A_894 = tpu.memref_slice %arg8[%dma_start3A_890, %dma_start3A_892, %dma_start3A_893] : memref<4x64x128xf32, #tpu.memory_space<vmem>> -> memref<1x64x128xf32, #tpu.memory_space<vmem>>
      %dma_start3A_895 = tpu.memref_squeeze %dma_start3A_894 : memref<1x64x128xf32, #tpu.memory_space<vmem>> -> memref<64x128xf32, #tpu.memory_space<vmem>>
      %dma_start3A_896 = arith.constant 0 : i32
      %dma_start3A_897 = tpu.memref_slice %arg7[%rem3A_526, %dma_start3A_891, %dma_start3A_896] : memref<2x8x64xi32, #tpu.memory_space<vmem>> -> memref<1x1x64xi32, #tpu.memory_space<vmem>>
      %dma_start3A_898 = tpu.memref_squeeze %dma_start3A_897 : memref<1x1x64xi32, #tpu.memory_space<vmem>> -> memref<64xi32, #tpu.memory_space<vmem>>
      %dma_start3A_899 = arith.constant 0 : i32
      %dma_start3A_900 = arith.constant 0 : i32
      %dma_start3A_901 = tpu.memref_slice %arg9[%dma_start3A_899, %dma_start3A_900] : memref<10240x128xf32, #tpu.memory_space<vmem_shared>> -> memref<10240x128xf32, #tpu.memory_space<vmem_shared>>
      tpu.enqueue_indirect_dma source(%dma_start3A_895 : memref<64x128xf32, #tpu.memory_space<vmem>>) target(%dma_start3A_901 : memref<10240x128xf32, #tpu.memory_space<vmem_shared>>) offsets(%dma_start3A_898 : memref<64xi32, #tpu.memory_space<vmem>>) semaphore(%arg15 : memref<!tpu.dma_semaphore, #tpu.memory_space<semaphore_mem>>) {add = true}
      %dma_wait3A_902 = arith.constant 3 : i32
      %dma_wait3A_903 = arith.constant 7 : i32
      %dma_wait3A_904 = arith.constant 0 : i32
      %dma_wait3A_905 = arith.constant 0 : i32
      %dma_wait3A_906 = tpu.memref_slice %arg8[%dma_wait3A_902, %dma_wait3A_904, %dma_wait3A_905] : memref<4x64x128xf32, #tpu.memory_space<vmem>> -> memref<1x64x128xf32, #tpu.memory_space<vmem>>
      %dma_wait3A_907 = tpu.memref_squeeze %dma_wait3A_906 : memref<1x64x128xf32, #tpu.memory_space<vmem>> -> memref<64x128xf32, #tpu.memory_space<vmem>>
      %dma_wait3A_908 = arith.constant 0 : i32
      %dma_wait3A_909 = tpu.memref_slice %arg7[%rem3A_526, %dma_wait3A_903, %dma_wait3A_908] : memref<2x8x64xi32, #tpu.memory_space<vmem>> -> memref<1x1x64xi32, #tpu.memory_space<vmem>>
      %dma_wait3A_910 = tpu.memref_squeeze %dma_wait3A_909 : memref<1x1x64xi32, #tpu.memory_space<vmem>> -> memref<64xi32, #tpu.memory_space<vmem>>
      %dma_wait3A_911 = arith.constant 0 : i32
      %dma_wait3A_912 = arith.constant 0 : i32
      %dma_wait3A_913 = tpu.memref_slice %arg9[%dma_wait3A_911, %dma_wait3A_912] : memref<10240x128xf32, #tpu.memory_space<vmem_shared>> -> memref<10240x128xf32, #tpu.memory_space<vmem_shared>>
      tpu.wait_indirect_dma semaphore(%arg18 : memref<!tpu.dma_semaphore, #tpu.memory_space<semaphore_mem>>) src(%dma_wait3A_907 : memref<64x128xf32, #tpu.memory_space<vmem>>) dst(%dma_wait3A_913 : memref<10240x128xf32, #tpu.memory_space<vmem_shared>>)
      %dma_start3A_914 = arith.constant 7 : i32
      %dma_start3A_915 = arith.constant 3 : i32
      %dma_start3A_916 = arith.constant 0 : i32
      %dma_start3A_917 = arith.constant 0 : i32
      %dma_start3A_918 = tpu.memref_slice %arg8[%dma_start3A_915, %dma_start3A_916, %dma_start3A_917] : memref<4x64x128xf32, #tpu.memory_space<vmem>> -> memref<1x64x128xf32, #tpu.memory_space<vmem>>
      %dma_start3A_919 = tpu.memref_squeeze %dma_start3A_918 : memref<1x64x128xf32, #tpu.memory_space<vmem>> -> memref<64x128xf32, #tpu.memory_space<vmem>>
      %dma_start3A_920 = arith.constant 0 : i32
      %dma_start3A_921 = tpu.memref_slice %arg6[%rem3A_526, %dma_start3A_914, %dma_start3A_920] : memref<2x8x64xi32, #tpu.memory_space<vmem>> -> memref<1x1x64xi32, #tpu.memory_space<vmem>>
      %dma_start3A_922 = tpu.memref_squeeze %dma_start3A_921 : memref<1x1x64xi32, #tpu.memory_space<vmem>> -> memref<64xi32, #tpu.memory_space<vmem>>
      %dma_start3A_923 = arith.constant 0 : i32
      %dma_start3A_924 = arith.constant 0 : i32
      %dma_start3A_925 = tpu.memref_slice %arg2[%dma_start3A_923, %dma_start3A_924] : memref<10000x128xf32, #tpu.memory_space<hbm>> -> memref<10000x128xf32, #tpu.memory_space<hbm>>
      tpu.enqueue_indirect_dma source(%dma_start3A_925 : memref<10000x128xf32, #tpu.memory_space<hbm>>) target(%dma_start3A_919 : memref<64x128xf32, #tpu.memory_space<vmem>>) offsets(%dma_start3A_922 : memref<64xi32, #tpu.memory_space<vmem>>) semaphore(%arg14 : memref<!tpu.dma_semaphore, #tpu.memory_space<semaphore_mem>>)
      %dma_wait3A_926 = arith.constant 5 : i32
      %dma_wait3A_927 = arith.constant 1 : i32
      %dma_wait3A_928 = arith.constant 0 : i32
      %dma_wait3A_929 = arith.constant 0 : i32
      %dma_wait3A_930 = tpu.memref_slice %arg8[%dma_wait3A_927, %dma_wait3A_928, %dma_wait3A_929] : memref<4x64x128xf32, #tpu.memory_space<vmem>> -> memref<1x64x128xf32, #tpu.memory_space<vmem>>
      %dma_wait3A_931 = tpu.memref_squeeze %dma_wait3A_930 : memref<1x64x128xf32, #tpu.memory_space<vmem>> -> memref<64x128xf32, #tpu.memory_space<vmem>>
      %dma_wait3A_932 = arith.constant 0 : i32
      %dma_wait3A_933 = tpu.memref_slice %arg6[%rem3A_526, %dma_wait3A_926, %dma_wait3A_932] : memref<2x8x64xi32, #tpu.memory_space<vmem>> -> memref<1x1x64xi32, #tpu.memory_space<vmem>>
      %dma_wait3A_934 = tpu.memref_squeeze %dma_wait3A_933 : memref<1x1x64xi32, #tpu.memory_space<vmem>> -> memref<64xi32, #tpu.memory_space<vmem>>
      %dma_wait3A_935 = arith.constant 0 : i32
      %dma_wait3A_936 = arith.constant 0 : i32
      %dma_wait3A_937 = tpu.memref_slice %arg2[%dma_wait3A_935, %dma_wait3A_936] : memref<10000x128xf32, #tpu.memory_space<hbm>> -> memref<10000x128xf32, #tpu.memory_space<hbm>>
      tpu.wait_indirect_dma semaphore(%arg12 : memref<!tpu.dma_semaphore, #tpu.memory_space<semaphore_mem>>) src(%dma_wait3A_937 : memref<10000x128xf32, #tpu.memory_space<hbm>>) dst(%dma_wait3A_931 : memref<64x128xf32, #tpu.memory_space<vmem>>)
      %dma_start3A_938 = arith.constant 1 : i32
      %dma_start3A_939 = arith.constant 5 : i32
      %dma_start3A_940 = arith.constant 0 : i32
      %dma_start3A_941 = arith.constant 0 : i32
      %dma_start3A_942 = tpu.memref_slice %arg8[%dma_start3A_938, %dma_start3A_940, %dma_start3A_941] : memref<4x64x128xf32, #tpu.memory_space<vmem>> -> memref<1x64x128xf32, #tpu.memory_space<vmem>>
      %dma_start3A_943 = tpu.memref_squeeze %dma_start3A_942 : memref<1x64x128xf32, #tpu.memory_space<vmem>> -> memref<64x128xf32, #tpu.memory_space<vmem>>
      %dma_start3A_944 = arith.constant 0 : i32
      %dma_start3A_945 = tpu.memref_slice %arg7[%rem3A_526, %dma_start3A_939, %dma_start3A_944] : memref<2x8x64xi32, #tpu.memory_space<vmem>> -> memref<1x1x64xi32, #tpu.memory_space<vmem>>
      %dma_start3A_946 = tpu.memref_squeeze %dma_start3A_945 : memref<1x1x64xi32, #tpu.memory_space<vmem>> -> memref<64xi32, #tpu.memory_space<vmem>>
      %dma_start3A_947 = arith.constant 0 : i32
      %dma_start3A_948 = arith.constant 0 : i32
      %dma_start3A_949 = tpu.memref_slice %arg9[%dma_start3A_947, %dma_start3A_948] : memref<10240x128xf32, #tpu.memory_space<vmem_shared>> -> memref<10240x128xf32, #tpu.memory_space<vmem_shared>>
      tpu.enqueue_indirect_dma source(%dma_start3A_943 : memref<64x128xf32, #tpu.memory_space<vmem>>) target(%dma_start3A_949 : memref<10240x128xf32, #tpu.memory_space<vmem_shared>>) offsets(%dma_start3A_946 : memref<64xi32, #tpu.memory_space<vmem>>) semaphore(%arg16 : memref<!tpu.dma_semaphore, #tpu.memory_space<semaphore_mem>>) {add = true}
      %scan3A_950 = arith.constant 0 : i32
      scf.yield %scan3A_950 : i32
    }
    %scan3A_414 = arith.constant 19 : i32
    %dma_wait3A_415 = arith.constant 1 : i32
    %dma_wait3A_416 = arith.constant 6 : i32
    %dma_wait3A_417 = arith.constant 2 : i32
    %dma_wait3A_418 = arith.constant 0 : i32
    %dma_wait3A_419 = arith.constant 0 : i32
    %dma_wait3A_420 = tpu.memref_slice %arg8[%dma_wait3A_417, %dma_wait3A_418, %dma_wait3A_419] : memref<4x64x128xf32, #tpu.memory_space<vmem>> -> memref<1x64x128xf32, #tpu.memory_space<vmem>>
    %dma_wait3A_421 = tpu.memref_squeeze %dma_wait3A_420 : memref<1x64x128xf32, #tpu.memory_space<vmem>> -> memref<64x128xf32, #tpu.memory_space<vmem>>
    %dma_wait3A_422 = arith.constant 0 : i32
    %dma_wait3A_423 = tpu.memref_slice %arg6[%dma_wait3A_415, %dma_wait3A_416, %dma_wait3A_422] : memref<2x8x64xi32, #tpu.memory_space<vmem>> -> memref<1x1x64xi32, #tpu.memory_space<vmem>>
    %dma_wait3A_424 = tpu.memref_squeeze %dma_wait3A_423 : memref<1x1x64xi32, #tpu.memory_space<vmem>> -> memref<64xi32, #tpu.memory_space<vmem>>
    %dma_wait3A_425 = arith.constant 0 : i32
    %dma_wait3A_426 = arith.constant 0 : i32
    %dma_wait3A_427 = tpu.memref_slice %arg2[%dma_wait3A_425, %dma_wait3A_426] : memref<10000x128xf32, #tpu.memory_space<hbm>> -> memref<10000x128xf32, #tpu.memory_space<hbm>>
    tpu.wait_indirect_dma semaphore(%arg13 : memref<!tpu.dma_semaphore, #tpu.memory_space<semaphore_mem>>) src(%dma_wait3A_427 : memref<10000x128xf32, #tpu.memory_space<hbm>>) dst(%dma_wait3A_421 : memref<64x128xf32, #tpu.memory_space<vmem>>)
    %dma_start3A_428 = arith.constant 2 : i32
    %dma_start3A_429 = arith.constant 1 : i32
    %dma_start3A_430 = arith.constant 6 : i32
    %dma_start3A_431 = arith.constant 0 : i32
    %dma_start3A_432 = arith.constant 0 : i32
    %dma_start3A_433 = tpu.memref_slice %arg8[%dma_start3A_428, %dma_start3A_431, %dma_start3A_432] : memref<4x64x128xf32, #tpu.memory_space<vmem>> -> memref<1x64x128xf32, #tpu.memory_space<vmem>>
    %dma_start3A_434 = tpu.memref_squeeze %dma_start3A_433 : memref<1x64x128xf32, #tpu.memory_space<vmem>> -> memref<64x128xf32, #tpu.memory_space<vmem>>
    %dma_start3A_435 = arith.constant 0 : i32
    %dma_start3A_436 = tpu.memref_slice %arg7[%dma_start3A_429, %dma_start3A_430, %dma_start3A_435] : memref<2x8x64xi32, #tpu.memory_space<vmem>> -> memref<1x1x64xi32, #tpu.memory_space<vmem>>
    %dma_start3A_437 = tpu.memref_squeeze %dma_start3A_436 : memref<1x1x64xi32, #tpu.memory_space<vmem>> -> memref<64xi32, #tpu.memory_space<vmem>>
    %dma_start3A_438 = arith.constant 0 : i32
    %dma_start3A_439 = arith.constant 0 : i32
    %dma_start3A_440 = tpu.memref_slice %arg9[%dma_start3A_438, %dma_start3A_439] : memref<10240x128xf32, #tpu.memory_space<vmem_shared>> -> memref<10240x128xf32, #tpu.memory_space<vmem_shared>>
    tpu.enqueue_indirect_dma source(%dma_start3A_434 : memref<64x128xf32, #tpu.memory_space<vmem>>) target(%dma_start3A_440 : memref<10240x128xf32, #tpu.memory_space<vmem_shared>>) offsets(%dma_start3A_437 : memref<64xi32, #tpu.memory_space<vmem>>) semaphore(%arg17 : memref<!tpu.dma_semaphore, #tpu.memory_space<semaphore_mem>>) {add = true}
    %dma_wait3A_441 = arith.constant 1 : i32
    %dma_wait3A_442 = arith.constant 7 : i32
    %dma_wait3A_443 = arith.constant 3 : i32
    %dma_wait3A_444 = arith.constant 0 : i32
    %dma_wait3A_445 = arith.constant 0 : i32
    %dma_wait3A_446 = tpu.memref_slice %arg8[%dma_wait3A_443, %dma_wait3A_444, %dma_wait3A_445] : memref<4x64x128xf32, #tpu.memory_space<vmem>> -> memref<1x64x128xf32, #tpu.memory_space<vmem>>
    %dma_wait3A_447 = tpu.memref_squeeze %dma_wait3A_446 : memref<1x64x128xf32, #tpu.memory_space<vmem>> -> memref<64x128xf32, #tpu.memory_space<vmem>>
    %dma_wait3A_448 = arith.constant 0 : i32
    %dma_wait3A_449 = tpu.memref_slice %arg6[%dma_wait3A_441, %dma_wait3A_442, %dma_wait3A_448] : memref<2x8x64xi32, #tpu.memory_space<vmem>> -> memref<1x1x64xi32, #tpu.memory_space<vmem>>
    %dma_wait3A_450 = tpu.memref_squeeze %dma_wait3A_449 : memref<1x1x64xi32, #tpu.memory_space<vmem>> -> memref<64xi32, #tpu.memory_space<vmem>>
    %dma_wait3A_451 = arith.constant 0 : i32
    %dma_wait3A_452 = arith.constant 0 : i32
    %dma_wait3A_453 = tpu.memref_slice %arg2[%dma_wait3A_451, %dma_wait3A_452] : memref<10000x128xf32, #tpu.memory_space<hbm>> -> memref<10000x128xf32, #tpu.memory_space<hbm>>
    tpu.wait_indirect_dma semaphore(%arg14 : memref<!tpu.dma_semaphore, #tpu.memory_space<semaphore_mem>>) src(%dma_wait3A_453 : memref<10000x128xf32, #tpu.memory_space<hbm>>) dst(%dma_wait3A_447 : memref<64x128xf32, #tpu.memory_space<vmem>>)
    %dma_start3A_454 = arith.constant 3 : i32
    %dma_start3A_455 = arith.constant 1 : i32
    %dma_start3A_456 = arith.constant 7 : i32
    %dma_start3A_457 = arith.constant 0 : i32
    %dma_start3A_458 = arith.constant 0 : i32
    %dma_start3A_459 = tpu.memref_slice %arg8[%dma_start3A_454, %dma_start3A_457, %dma_start3A_458] : memref<4x64x128xf32, #tpu.memory_space<vmem>> -> memref<1x64x128xf32, #tpu.memory_space<vmem>>
    %dma_start3A_460 = tpu.memref_squeeze %dma_start3A_459 : memref<1x64x128xf32, #tpu.memory_space<vmem>> -> memref<64x128xf32, #tpu.memory_space<vmem>>
    %dma_start3A_461 = arith.constant 0 : i32
    %dma_start3A_462 = tpu.memref_slice %arg7[%dma_start3A_455, %dma_start3A_456, %dma_start3A_461] : memref<2x8x64xi32, #tpu.memory_space<vmem>> -> memref<1x1x64xi32, #tpu.memory_space<vmem>>
    %dma_start3A_463 = tpu.memref_squeeze %dma_start3A_462 : memref<1x1x64xi32, #tpu.memory_space<vmem>> -> memref<64xi32, #tpu.memory_space<vmem>>
    %dma_start3A_464 = arith.constant 0 : i32
    %dma_start3A_465 = arith.constant 0 : i32
    %dma_start3A_466 = tpu.memref_slice %arg9[%dma_start3A_464, %dma_start3A_465] : memref<10240x128xf32, #tpu.memory_space<vmem_shared>> -> memref<10240x128xf32, #tpu.memory_space<vmem_shared>>
    tpu.enqueue_indirect_dma source(%dma_start3A_460 : memref<64x128xf32, #tpu.memory_space<vmem>>) target(%dma_start3A_466 : memref<10240x128xf32, #tpu.memory_space<vmem_shared>>) offsets(%dma_start3A_463 : memref<64xi32, #tpu.memory_space<vmem>>) semaphore(%arg18 : memref<!tpu.dma_semaphore, #tpu.memory_space<semaphore_mem>>) {add = true}
    %dma_wait3A_467 = arith.constant 0 : i32
    %dma_wait3A_468 = arith.constant 0 : i32
    %dma_wait3A_469 = arith.constant 0 : i32
    %dma_wait3A_470 = arith.constant 0 : i32
    %dma_wait3A_471 = arith.constant 0 : i32
    %dma_wait3A_472 = tpu.memref_slice %arg8[%dma_wait3A_467, %dma_wait3A_470, %dma_wait3A_471] : memref<4x64x128xf32, #tpu.memory_space<vmem>> -> memref<1x64x128xf32, #tpu.memory_space<vmem>>
    %dma_wait3A_473 = tpu.memref_squeeze %dma_wait3A_472 : memref<1x64x128xf32, #tpu.memory_space<vmem>> -> memref<64x128xf32, #tpu.memory_space<vmem>>
    %dma_wait3A_474 = arith.constant 0 : i32
    %dma_wait3A_475 = tpu.memref_slice %arg7[%dma_wait3A_468, %dma_wait3A_469, %dma_wait3A_474] : memref<2x8x64xi32, #tpu.memory_space<vmem>> -> memref<1x1x64xi32, #tpu.memory_space<vmem>>
    %dma_wait3A_476 = tpu.memref_squeeze %dma_wait3A_475 : memref<1x1x64xi32, #tpu.memory_space<vmem>> -> memref<64xi32, #tpu.memory_space<vmem>>
    %dma_wait3A_477 = arith.constant 0 : i32
    %dma_wait3A_478 = arith.constant 0 : i32
    %dma_wait3A_479 = tpu.memref_slice %arg9[%dma_wait3A_477, %dma_wait3A_478] : memref<10240x128xf32, #tpu.memory_space<vmem_shared>> -> memref<10240x128xf32, #tpu.memory_space<vmem_shared>>
    tpu.wait_indirect_dma semaphore(%arg15 : memref<!tpu.dma_semaphore, #tpu.memory_space<semaphore_mem>>) src(%dma_wait3A_473 : memref<64x128xf32, #tpu.memory_space<vmem>>) dst(%dma_wait3A_479 : memref<10240x128xf32, #tpu.memory_space<vmem_shared>>)
    %dma_wait3A_480 = arith.constant 1 : i32
    %dma_wait3A_481 = arith.constant 0 : i32
    %dma_wait3A_482 = arith.constant 0 : i32
    %dma_wait3A_483 = arith.constant 0 : i32
    %dma_wait3A_484 = arith.constant 0 : i32
    %dma_wait3A_485 = tpu.memref_slice %arg8[%dma_wait3A_480, %dma_wait3A_483, %dma_wait3A_484] : memref<4x64x128xf32, #tpu.memory_space<vmem>> -> memref<1x64x128xf32, #tpu.memory_space<vmem>>
    %dma_wait3A_486 = tpu.memref_squeeze %dma_wait3A_485 : memref<1x64x128xf32, #tpu.memory_space<vmem>> -> memref<64x128xf32, #tpu.memory_space<vmem>>
    %dma_wait3A_487 = arith.constant 0 : i32
    %dma_wait3A_488 = tpu.memref_slice %arg7[%dma_wait3A_481, %dma_wait3A_482, %dma_wait3A_487] : memref<2x8x64xi32, #tpu.memory_space<vmem>> -> memref<1x1x64xi32, #tpu.memory_space<vmem>>
    %dma_wait3A_489 = tpu.memref_squeeze %dma_wait3A_488 : memref<1x1x64xi32, #tpu.memory_space<vmem>> -> memref<64xi32, #tpu.memory_space<vmem>>
    %dma_wait3A_490 = arith.constant 0 : i32
    %dma_wait3A_491 = arith.constant 0 : i32
    %dma_wait3A_492 = tpu.memref_slice %arg9[%dma_wait3A_490, %dma_wait3A_491] : memref<10240x128xf32, #tpu.memory_space<vmem_shared>> -> memref<10240x128xf32, #tpu.memory_space<vmem_shared>>
    tpu.wait_indirect_dma semaphore(%arg16 : memref<!tpu.dma_semaphore, #tpu.memory_space<semaphore_mem>>) src(%dma_wait3A_486 : memref<64x128xf32, #tpu.memory_space<vmem>>) dst(%dma_wait3A_492 : memref<10240x128xf32, #tpu.memory_space<vmem_shared>>)
    %dma_wait3A_493 = arith.constant 2 : i32
    %dma_wait3A_494 = arith.constant 0 : i32
    %dma_wait3A_495 = arith.constant 0 : i32
    %dma_wait3A_496 = arith.constant 0 : i32
    %dma_wait3A_497 = arith.constant 0 : i32
    %dma_wait3A_498 = tpu.memref_slice %arg8[%dma_wait3A_493, %dma_wait3A_496, %dma_wait3A_497] : memref<4x64x128xf32, #tpu.memory_space<vmem>> -> memref<1x64x128xf32, #tpu.memory_space<vmem>>
    %dma_wait3A_499 = tpu.memref_squeeze %dma_wait3A_498 : memref<1x64x128xf32, #tpu.memory_space<vmem>> -> memref<64x128xf32, #tpu.memory_space<vmem>>
    %dma_wait3A_500 = arith.constant 0 : i32
    %dma_wait3A_501 = tpu.memref_slice %arg7[%dma_wait3A_494, %dma_wait3A_495, %dma_wait3A_500] : memref<2x8x64xi32, #tpu.memory_space<vmem>> -> memref<1x1x64xi32, #tpu.memory_space<vmem>>
    %dma_wait3A_502 = tpu.memref_squeeze %dma_wait3A_501 : memref<1x1x64xi32, #tpu.memory_space<vmem>> -> memref<64xi32, #tpu.memory_space<vmem>>
    %dma_wait3A_503 = arith.constant 0 : i32
    %dma_wait3A_504 = arith.constant 0 : i32
    %dma_wait3A_505 = tpu.memref_slice %arg9[%dma_wait3A_503, %dma_wait3A_504] : memref<10240x128xf32, #tpu.memory_space<vmem_shared>> -> memref<10240x128xf32, #tpu.memory_space<vmem_shared>>
    tpu.wait_indirect_dma semaphore(%arg17 : memref<!tpu.dma_semaphore, #tpu.memory_space<semaphore_mem>>) src(%dma_wait3A_499 : memref<64x128xf32, #tpu.memory_space<vmem>>) dst(%dma_wait3A_505 : memref<10240x128xf32, #tpu.memory_space<vmem_shared>>)
    %dma_wait3A_506 = arith.constant 3 : i32
    %dma_wait3A_507 = arith.constant 0 : i32
    %dma_wait3A_508 = arith.constant 0 : i32
    %dma_wait3A_509 = arith.constant 0 : i32
    %dma_wait3A_510 = arith.constant 0 : i32
    %dma_wait3A_511 = tpu.memref_slice %arg8[%dma_wait3A_506, %dma_wait3A_509, %dma_wait3A_510] : memref<4x64x128xf32, #tpu.memory_space<vmem>> -> memref<1x64x128xf32, #tpu.memory_space<vmem>>
    %dma_wait3A_512 = tpu.memref_squeeze %dma_wait3A_511 : memref<1x64x128xf32, #tpu.memory_space<vmem>> -> memref<64x128xf32, #tpu.memory_space<vmem>>
    %dma_wait3A_513 = arith.constant 0 : i32
    %dma_wait3A_514 = tpu.memref_slice %arg7[%dma_wait3A_507, %dma_wait3A_508, %dma_wait3A_513] : memref<2x8x64xi32, #tpu.memory_space<vmem>> -> memref<1x1x64xi32, #tpu.memory_space<vmem>>
    %dma_wait3A_515 = tpu.memref_squeeze %dma_wait3A_514 : memref<1x1x64xi32, #tpu.memory_space<vmem>> -> memref<64xi32, #tpu.memory_space<vmem>>
    %dma_wait3A_516 = arith.constant 0 : i32
    %dma_wait3A_517 = arith.constant 0 : i32
    %dma_wait3A_518 = tpu.memref_slice %arg9[%dma_wait3A_516, %dma_wait3A_517] : memref<10240x128xf32, #tpu.memory_space<vmem_shared>> -> memref<10240x128xf32, #tpu.memory_space<vmem_shared>>
    tpu.wait_indirect_dma semaphore(%arg18 : memref<!tpu.dma_semaphore, #tpu.memory_space<semaphore_mem>>) src(%dma_wait3A_512 : memref<64x128xf32, #tpu.memory_space<vmem>>) dst(%dma_wait3A_518 : memref<10240x128xf32, #tpu.memory_space<vmem_shared>>)
    %barrier3A_519 = arith.constant 0 : index
    tpu.barrier barrier_id(%barrier3A_519)
    %mul3A_520 = arith.constant 640 : i32
    %mul3A_521 = arith.muli %mul3A_520, %arg1 : i32
    %mul3A_522 = arith.constant 640 : i32
    %mul3A_523 = arith.muli %mul3A_522, %arg1 : i32
    "tpu.region"() ({
      %run_scoped3A_524 = tpu.sem_alloc : memref<!tpu.dma_semaphore, #tpu.memory_space<semaphore_mem>>
      %dma_start3A_525 = arith.constant 0 : i32
      %dma_start3A_526 = tpu.memref_slice %arg5[%arg0, %mul3A_523, %dma_start3A_525] : memref<2x10240x128xf32, #tpu.memory_space<hbm>> -> memref<1x640x128xf32, #tpu.memory_space<hbm>>
      %dma_start3A_527 = tpu.memref_squeeze %dma_start3A_526 : memref<1x640x128xf32, #tpu.memory_space<hbm>> -> memref<640x128xf32, #tpu.memory_space<hbm>>
      %dma_start3A_528 = arith.constant 0 : i32
      %dma_start3A_529 = tpu.memref_slice %arg9[%mul3A_521, %dma_start3A_528] : memref<10240x128xf32, #tpu.memory_space<vmem_shared>> -> memref<640x128xf32, #tpu.memory_space<vmem_shared>>
      tpu.enqueue_dma source(%dma_start3A_529 : memref<640x128xf32, #tpu.memory_space<vmem_shared>>) target(%dma_start3A_527 : memref<640x128xf32, #tpu.memory_space<hbm>>) target_semaphore(%run_scoped3A_524 : memref<!tpu.dma_semaphore, #tpu.memory_space<semaphore_mem>>)
      %dma_wait3A_530 = arith.constant 0 : i32
      %dma_wait3A_531 = tpu.memref_slice %arg5[%arg0, %mul3A_523, %dma_wait3A_530] : memref<2x10240x128xf32, #tpu.memory_space<hbm>> -> memref<1x640x128xf32, #tpu.memory_space<hbm>>
      %dma_wait3A_532 = tpu.memref_squeeze %dma_wait3A_531 : memref<1x640x128xf32, #tpu.memory_space<hbm>> -> memref<640x128xf32, #tpu.memory_space<hbm>>
      %dma_wait3A_533 = arith.constant 0 : i32
      %dma_wait3A_534 = tpu.memref_slice %arg9[%mul3A_521, %dma_wait3A_533] : memref<10240x128xf32, #tpu.memory_space<vmem_shared>> -> memref<640x128xf32, #tpu.memory_space<vmem_shared>>
      tpu.wait_dma2 semaphore(%run_scoped3A_524 : memref<!tpu.dma_semaphore, #tpu.memory_space<semaphore_mem>>) src(%dma_wait3A_534 : memref<640x128xf32, #tpu.memory_space<vmem_shared>>) dst(%dma_wait3A_532 : memref<640x128xf32, #tpu.memory_space<hbm>>)
      tpu.yield
    }) : () -> ()
    return
  }
}

#map = affine_map<(d0, d1) -> (0, 0, 0, 0)>
#map1 = affine_map<(d0, d1) -> (0, 0)>
module attributes {stable_mosaic.version = 14 : i64} {
  func.func @deg_kernel(%arg0: i32, %arg1: i32, %arg2: memref<32x5x16x128xi32, #tpu.memory_space<hbm>>, %arg3: memref<2x10240xf32, #tpu.memory_space<hbm>>, %arg4: memref<2x16x128xi32, #tpu.memory_space<vmem>>, %arg5: memref<128xf32, #tpu.memory_space<vmem>>, %arg6: memref<640xf32, #tpu.memory_space<vmem>>, %arg7: memref<10240xf32, #tpu.memory_space<vmem_shared>>, %arg8: memref<!tpu.dma_semaphore, #tpu.memory_space<semaphore_mem>>, %arg9: memref<!tpu.dma_semaphore, #tpu.memory_space<semaphore_mem>>) attributes {dimension_semantics = [#tpu.dimension_semantics<core_parallel>, #tpu.dimension_semantics<subcore_parallel>], iteration_bounds = array<i64: 2, 16>, scalar_prefetch = 0 : i64, scratch_operands = 6 : i64, tpu.core_type = #tpu.core_type<sc_vector_subcore>, window_params = [{transform_indices = #map}, {transform_indices = #map1}]} {
    %mul3A = arith.constant 16 : i32
    %mul3A_0 = arith.muli %arg0, %mul3A : i32
    %add3A = arith.addi %mul3A_0, %arg1 : i32
    %broadcast_in_dim3A = arith.constant 1.000000e+00 : f32
    %broadcast_in_dim3A_1 = vector.broadcast %broadcast_in_dim3A : f32 to vector<16xf32>
    %swap3A = arith.constant 0 : index
    %swap3A_2 = tpu.vector_load %arg5[%swap3A] {strides = array<i32>} : memref<128xf32, #tpu.memory_space<vmem>>, vector<16xf32>,
    %swap3A_3 = vector.shape_cast %swap3A_2 : vector<16xf32> to vector<16xf32>
    %swap3A_4 = vector.shape_cast %broadcast_in_dim3A_1 : vector<16xf32> to vector<16xf32>
    tpu.vector_store %arg5[%swap3A], %swap3A_4 {strides = array<i32>} : memref<128xf32, #tpu.memory_space<vmem>>, vector<16xf32>,
    %swap3A_5 = arith.constant 16 : index
    %swap3A_6 = tpu.vector_load %arg5[%swap3A_5] {strides = array<i32>} : memref<128xf32, #tpu.memory_space<vmem>>, vector<16xf32>,
    %swap3A_7 = vector.shape_cast %swap3A_6 : vector<16xf32> to vector<16xf32>
    %swap3A_8 = vector.shape_cast %broadcast_in_dim3A_1 : vector<16xf32> to vector<16xf32>
    tpu.vector_store %arg5[%swap3A_5], %swap3A_8 {strides = array<i32>} : memref<128xf32, #tpu.memory_space<vmem>>, vector<16xf32>,
    %swap3A_9 = arith.constant 32 : index
    %swap3A_10 = tpu.vector_load %arg5[%swap3A_9] {strides = array<i32>} : memref<128xf32, #tpu.memory_space<vmem>>, vector<16xf32>,
    %swap3A_11 = vector.shape_cast %swap3A_10 : vector<16xf32> to vector<16xf32>
    %swap3A_12 = vector.shape_cast %broadcast_in_dim3A_1 : vector<16xf32> to vector<16xf32>
    tpu.vector_store %arg5[%swap3A_9], %swap3A_12 {strides = array<i32>} : memref<128xf32, #tpu.memory_space<vmem>>, vector<16xf32>,
    %swap3A_13 = arith.constant 48 : index
    %swap3A_14 = tpu.vector_load %arg5[%swap3A_13] {strides = array<i32>} : memref<128xf32, #tpu.memory_space<vmem>>, vector<16xf32>,
    %swap3A_15 = vector.shape_cast %swap3A_14 : vector<16xf32> to vector<16xf32>
    %swap3A_16 = vector.shape_cast %broadcast_in_dim3A_1 : vector<16xf32> to vector<16xf32>
    tpu.vector_store %arg5[%swap3A_13], %swap3A_16 {strides = array<i32>} : memref<128xf32, #tpu.memory_space<vmem>>, vector<16xf32>,
    %swap3A_17 = arith.constant 64 : index
    %swap3A_18 = tpu.vector_load %arg5[%swap3A_17] {strides = array<i32>} : memref<128xf32, #tpu.memory_space<vmem>>, vector<16xf32>,
    %swap3A_19 = vector.shape_cast %swap3A_18 : vector<16xf32> to vector<16xf32>
    %swap3A_20 = vector.shape_cast %broadcast_in_dim3A_1 : vector<16xf32> to vector<16xf32>
    tpu.vector_store %arg5[%swap3A_17], %swap3A_20 {strides = array<i32>} : memref<128xf32, #tpu.memory_space<vmem>>, vector<16xf32>,
    %swap3A_21 = arith.constant 80 : index
    %swap3A_22 = tpu.vector_load %arg5[%swap3A_21] {strides = array<i32>} : memref<128xf32, #tpu.memory_space<vmem>>, vector<16xf32>,
    %swap3A_23 = vector.shape_cast %swap3A_22 : vector<16xf32> to vector<16xf32>
    %swap3A_24 = vector.shape_cast %broadcast_in_dim3A_1 : vector<16xf32> to vector<16xf32>
    tpu.vector_store %arg5[%swap3A_21], %swap3A_24 {strides = array<i32>} : memref<128xf32, #tpu.memory_space<vmem>>, vector<16xf32>,
    %swap3A_25 = arith.constant 96 : index
    %swap3A_26 = tpu.vector_load %arg5[%swap3A_25] {strides = array<i32>} : memref<128xf32, #tpu.memory_space<vmem>>, vector<16xf32>,
    %swap3A_27 = vector.shape_cast %swap3A_26 : vector<16xf32> to vector<16xf32>
    %swap3A_28 = vector.shape_cast %broadcast_in_dim3A_1 : vector<16xf32> to vector<16xf32>
    tpu.vector_store %arg5[%swap3A_25], %swap3A_28 {strides = array<i32>} : memref<128xf32, #tpu.memory_space<vmem>>, vector<16xf32>,
    %swap3A_29 = arith.constant 112 : index
    %swap3A_30 = tpu.vector_load %arg5[%swap3A_29] {strides = array<i32>} : memref<128xf32, #tpu.memory_space<vmem>>, vector<16xf32>,
    %swap3A_31 = vector.shape_cast %swap3A_30 : vector<16xf32> to vector<16xf32>
    %swap3A_32 = vector.shape_cast %broadcast_in_dim3A_1 : vector<16xf32> to vector<16xf32>
    tpu.vector_store %arg5[%swap3A_29], %swap3A_32 {strides = array<i32>} : memref<128xf32, #tpu.memory_space<vmem>>, vector<16xf32>,
    %broadcast_in_dim3A_33 = arith.constant 0.000000e+00 : f32
    %broadcast_in_dim3A_34 = vector.broadcast %broadcast_in_dim3A_33 : f32 to vector<16xf32>
    %scan3A = arith.constant 0 : i32
    %scan3A_35 = arith.constant 0 : i32
    %scan3A_36 = arith.constant 40 : i32
    %scan3A_37 = arith.addi %scan3A_35, %scan3A_36 : i32
    %scan3A_38 = arith.constant 1 : i32
    %scan3A_39 = scf.for %scan3A_56 = %scan3A_35 to %scan3A_37 step %scan3A_38 iter_args(%scan3A_57 = %scan3A) -> (i32)  : i32 {
      %mul3A_58 = arith.constant 16 : i32
      %mul3A_59 = arith.muli %mul3A_58, %scan3A_56 : i32
      %swap3A_60 = arith.index_cast %mul3A_59 : i32 to index
      %swap3A_61 = tpu.vector_load %arg6[%swap3A_60] {strides = array<i32>} : memref<640xf32, #tpu.memory_space<vmem>>, vector<16xf32>,
      %swap3A_62 = vector.shape_cast %swap3A_61 : vector<16xf32> to vector<16xf32>
      %swap3A_63 = vector.shape_cast %broadcast_in_dim3A_34 : vector<16xf32> to vector<16xf32>
      tpu.vector_store %arg6[%swap3A_60], %swap3A_63 {strides = array<i32>} : memref<640xf32, #tpu.memory_space<vmem>>, vector<16xf32>,
      %scan3A_64 = arith.constant 0 : i32
      scf.yield %scan3A_64 : i32
    }
    %scan3A_40 = arith.constant 40 : i32
    %mul3A_41 = arith.constant 640 : i32
    %mul3A_42 = arith.muli %mul3A_41, %arg1 : i32
    "tpu.region"() ({
      %run_scoped3A_56 = tpu.sem_alloc : memref<!tpu.dma_semaphore, #tpu.memory_space<semaphore_mem>>
      %dma_start3A = tpu.memref_slice %arg7[%mul3A_42] : memref<10240xf32, #tpu.memory_space<vmem_shared>> -> memref<640xf32, #tpu.memory_space<vmem_shared>>
      %dma_start3A_57 = tpu.memref_slice %arg7[%mul3A_42] : memref<10240xf32, #tpu.memory_space<vmem_shared>> -> memref<640xf32, #tpu.memory_space<vmem_shared>>
      tpu.enqueue_dma source(%arg6 : memref<640xf32, #tpu.memory_space<vmem>>) target(%dma_start3A_57 : memref<640xf32, #tpu.memory_space<vmem_shared>>) target_semaphore(%run_scoped3A_56 : memref<!tpu.dma_semaphore, #tpu.memory_space<semaphore_mem>>)
      %dma_wait3A = tpu.memref_slice %arg7[%mul3A_42] : memref<10240xf32, #tpu.memory_space<vmem_shared>> -> memref<640xf32, #tpu.memory_space<vmem_shared>>
      %dma_wait3A_58 = tpu.memref_slice %arg7[%mul3A_42] : memref<10240xf32, #tpu.memory_space<vmem_shared>> -> memref<640xf32, #tpu.memory_space<vmem_shared>>
      tpu.wait_dma2 semaphore(%run_scoped3A_56 : memref<!tpu.dma_semaphore, #tpu.memory_space<semaphore_mem>>) src(%arg6 : memref<640xf32, #tpu.memory_space<vmem>>) dst(%dma_wait3A_58 : memref<640xf32, #tpu.memory_space<vmem_shared>>)
      tpu.yield
    }) : () -> ()
    %barrier3A = arith.constant 0 : index
    tpu.barrier barrier_id(%barrier3A)
    %run_scoped3A = arith.constant 0 : i32
    %run_scoped3A_43 = arith.constant 0 : i32
    "tpu.region"() ({
      %run_scoped3A_56 = tpu.sem_alloc : memref<!tpu.dma_semaphore, #tpu.memory_space<semaphore_mem>>
      %dma_start3A = arith.constant 0 : i32
      %dma_start3A_57 = arith.constant 0 : i32
      %dma_start3A_58 = tpu.memref_slice %arg4[%run_scoped3A_43, %dma_start3A, %dma_start3A_57] : memref<2x16x128xi32, #tpu.memory_space<vmem>> -> memref<1x16x128xi32, #tpu.memory_space<vmem>>
      %dma_start3A_59 = tpu.memref_squeeze %dma_start3A_58 : memref<1x16x128xi32, #tpu.memory_space<vmem>> -> memref<16x128xi32, #tpu.memory_space<vmem>>
      %dma_start3A_60 = arith.constant 0 : i32
      %dma_start3A_61 = arith.constant 0 : i32
      %dma_start3A_62 = tpu.memref_slice %arg2[%add3A, %run_scoped3A, %dma_start3A_60, %dma_start3A_61] : memref<32x5x16x128xi32, #tpu.memory_space<hbm>> -> memref<1x1x16x128xi32, #tpu.memory_space<hbm>>
      %dma_start3A_63 = tpu.memref_squeeze %dma_start3A_62 : memref<1x1x16x128xi32, #tpu.memory_space<hbm>> -> memref<16x128xi32, #tpu.memory_space<hbm>>
      %dma_start3A_64 = arith.constant 0 : i32
      %dma_start3A_65 = arith.constant 0 : i32
      %dma_start3A_66 = tpu.memref_slice %arg4[%run_scoped3A_43, %dma_start3A_64, %dma_start3A_65] : memref<2x16x128xi32, #tpu.memory_space<vmem>> -> memref<1x16x128xi32, #tpu.memory_space<vmem>>
      %dma_start3A_67 = tpu.memref_squeeze %dma_start3A_66 : memref<1x16x128xi32, #tpu.memory_space<vmem>> -> memref<16x128xi32, #tpu.memory_space<vmem>>
      %dma_start3A_68 = arith.constant 0 : i32
      %dma_start3A_69 = arith.constant 0 : i32
      %dma_start3A_70 = tpu.memref_slice %arg2[%add3A, %run_scoped3A, %dma_start3A_68, %dma_start3A_69] : memref<32x5x16x128xi32, #tpu.memory_space<hbm>> -> memref<1x1x16x128xi32, #tpu.memory_space<hbm>>
      %dma_start3A_71 = tpu.memref_squeeze %dma_start3A_70 : memref<1x1x16x128xi32, #tpu.memory_space<hbm>> -> memref<16x128xi32, #tpu.memory_space<hbm>>
      tpu.enqueue_dma source(%dma_start3A_71 : memref<16x128xi32, #tpu.memory_space<hbm>>) target(%dma_start3A_67 : memref<16x128xi32, #tpu.memory_space<vmem>>) target_semaphore(%run_scoped3A_56 : memref<!tpu.dma_semaphore, #tpu.memory_space<semaphore_mem>>)
      %dma_wait3A = arith.constant 0 : i32
      %dma_wait3A_72 = arith.constant 0 : i32
      %dma_wait3A_73 = tpu.memref_slice %arg4[%run_scoped3A_43, %dma_wait3A, %dma_wait3A_72] : memref<2x16x128xi32, #tpu.memory_space<vmem>> -> memref<1x16x128xi32, #tpu.memory_space<vmem>>
      %dma_wait3A_74 = tpu.memref_squeeze %dma_wait3A_73 : memref<1x16x128xi32, #tpu.memory_space<vmem>> -> memref<16x128xi32, #tpu.memory_space<vmem>>
      %dma_wait3A_75 = arith.constant 0 : i32
      %dma_wait3A_76 = arith.constant 0 : i32
      %dma_wait3A_77 = tpu.memref_slice %arg2[%add3A, %run_scoped3A, %dma_wait3A_75, %dma_wait3A_76] : memref<32x5x16x128xi32, #tpu.memory_space<hbm>> -> memref<1x1x16x128xi32, #tpu.memory_space<hbm>>
      %dma_wait3A_78 = tpu.memref_squeeze %dma_wait3A_77 : memref<1x1x16x128xi32, #tpu.memory_space<hbm>> -> memref<16x128xi32, #tpu.memory_space<hbm>>
      %dma_wait3A_79 = arith.constant 0 : i32
      %dma_wait3A_80 = arith.constant 0 : i32
      %dma_wait3A_81 = tpu.memref_slice %arg4[%run_scoped3A_43, %dma_wait3A_79, %dma_wait3A_80] : memref<2x16x128xi32, #tpu.memory_space<vmem>> -> memref<1x16x128xi32, #tpu.memory_space<vmem>>
      %dma_wait3A_82 = tpu.memref_squeeze %dma_wait3A_81 : memref<1x16x128xi32, #tpu.memory_space<vmem>> -> memref<16x128xi32, #tpu.memory_space<vmem>>
      %dma_wait3A_83 = arith.constant 0 : i32
      %dma_wait3A_84 = arith.constant 0 : i32
      %dma_wait3A_85 = tpu.memref_slice %arg2[%add3A, %run_scoped3A, %dma_wait3A_83, %dma_wait3A_84] : memref<32x5x16x128xi32, #tpu.memory_space<hbm>> -> memref<1x1x16x128xi32, #tpu.memory_space<hbm>>
      %dma_wait3A_86 = tpu.memref_squeeze %dma_wait3A_85 : memref<1x1x16x128xi32, #tpu.memory_space<hbm>> -> memref<16x128xi32, #tpu.memory_space<hbm>>
      tpu.wait_dma2 semaphore(%run_scoped3A_56 : memref<!tpu.dma_semaphore, #tpu.memory_space<semaphore_mem>>) src(%dma_wait3A_86 : memref<16x128xi32, #tpu.memory_space<hbm>>) dst(%dma_wait3A_82 : memref<16x128xi32, #tpu.memory_space<vmem>>)
      tpu.yield
    }) : () -> ()
    %scan3A_44 = arith.constant 0 : i32
    %scan3A_45 = arith.constant 0 : i32
    %scan3A_46 = arith.constant 5 : i32
    %scan3A_47 = arith.addi %scan3A_45, %scan3A_46 : i32
    %scan3A_48 = arith.constant 1 : i32
    %scan3A_49 = scf.for %scan3A_56 = %scan3A_45 to %scan3A_47 step %scan3A_48 iter_args(%scan3A_57 = %scan3A_44) -> (i32)  : i32 {
      %rem3A = arith.constant 2 : i32
      %rem3A_58 = arith.remsi %scan3A_56, %rem3A : i32
      %gt3A = arith.constant 0 : i32
      %gt3A_59 = arith.cmpi sgt, %scan3A_56, %gt3A : i32
      %convert_element_type3A = arith.extui %gt3A_59 : i1 to i32
      %cond3A = arith.constant 0 : i32
      %cond3A_60 = arith.cmpi ne, %convert_element_type3A, %cond3A : i32
      scf.if %cond3A_60 {
        %dma_wait3A_258 = arith.constant 0 : i32
        %dma_wait3A_259 = arith.constant 0 : i32
        %dma_wait3A_260 = tpu.memref_slice %arg4[%rem3A_58, %dma_wait3A_258, %dma_wait3A_259] : memref<2x16x128xi32, #tpu.memory_space<vmem>> -> memref<1x16x128xi32, #tpu.memory_space<vmem>>
        %dma_wait3A_261 = tpu.memref_squeeze %dma_wait3A_260 : memref<1x16x128xi32, #tpu.memory_space<vmem>> -> memref<16x128xi32, #tpu.memory_space<vmem>>
        %dma_wait3A_262 = arith.constant 0 : i32
        %dma_wait3A_263 = arith.constant 0 : i32
        %dma_wait3A_264 = tpu.memref_slice %arg2[%add3A, %scan3A_56, %dma_wait3A_262, %dma_wait3A_263] : memref<32x5x16x128xi32, #tpu.memory_space<hbm>> -> memref<1x1x16x128xi32, #tpu.memory_space<hbm>>
        %dma_wait3A_265 = tpu.memref_squeeze %dma_wait3A_264 : memref<1x1x16x128xi32, #tpu.memory_space<hbm>> -> memref<16x128xi32, #tpu.memory_space<hbm>>
        %dma_wait3A_266 = arith.constant 0 : i32
        %dma_wait3A_267 = arith.constant 0 : i32
        %dma_wait3A_268 = tpu.memref_slice %arg4[%rem3A_58, %dma_wait3A_266, %dma_wait3A_267] : memref<2x16x128xi32, #tpu.memory_space<vmem>> -> memref<1x16x128xi32, #tpu.memory_space<vmem>>
        %dma_wait3A_269 = tpu.memref_squeeze %dma_wait3A_268 : memref<1x16x128xi32, #tpu.memory_space<vmem>> -> memref<16x128xi32, #tpu.memory_space<vmem>>
        %dma_wait3A_270 = arith.constant 0 : i32
        %dma_wait3A_271 = arith.constant 0 : i32
        %dma_wait3A_272 = tpu.memref_slice %arg2[%add3A, %scan3A_56, %dma_wait3A_270, %dma_wait3A_271] : memref<32x5x16x128xi32, #tpu.memory_space<hbm>> -> memref<1x1x16x128xi32, #tpu.memory_space<hbm>>
        %dma_wait3A_273 = tpu.memref_squeeze %dma_wait3A_272 : memref<1x1x16x128xi32, #tpu.memory_space<hbm>> -> memref<16x128xi32, #tpu.memory_space<hbm>>
        tpu.wait_dma2 semaphore(%arg8 : memref<!tpu.dma_semaphore, #tpu.memory_space<semaphore_mem>>) src(%dma_wait3A_273 : memref<16x128xi32, #tpu.memory_space<hbm>>) dst(%dma_wait3A_269 : memref<16x128xi32, #tpu.memory_space<vmem>>)
      } else {
      }
      %add3A_61 = arith.constant 1 : i32
      %add3A_62 = arith.addi %scan3A_56, %add3A_61 : i32
      %lt3A = arith.constant 5 : i32
      %lt3A_63 = arith.cmpi slt, %add3A_62, %lt3A : i32
      %convert_element_type3A_64 = arith.extui %lt3A_63 : i1 to i32
      %cond3A_65 = arith.constant 0 : i32
      %cond3A_66 = arith.cmpi ne, %convert_element_type3A_64, %cond3A_65 : i32
      scf.if %cond3A_66 {
        %add3A_258 = arith.constant 1 : i32
        %add3A_259 = arith.addi %scan3A_56, %add3A_258 : i32
        %sub3A = arith.constant 1 : i32
        %sub3A_260 = arith.subi %sub3A, %rem3A_58 : i32
        %dma_start3A_261 = arith.constant 0 : i32
        %dma_start3A_262 = arith.constant 0 : i32
        %dma_start3A_263 = tpu.memref_slice %arg4[%sub3A_260, %dma_start3A_261, %dma_start3A_262] : memref<2x16x128xi32, #tpu.memory_space<vmem>> -> memref<1x16x128xi32, #tpu.memory_space<vmem>>
        %dma_start3A_264 = tpu.memref_squeeze %dma_start3A_263 : memref<1x16x128xi32, #tpu.memory_space<vmem>> -> memref<16x128xi32, #tpu.memory_space<vmem>>
        %dma_start3A_265 = arith.constant 0 : i32
        %dma_start3A_266 = arith.constant 0 : i32
        %dma_start3A_267 = tpu.memref_slice %arg2[%add3A, %add3A_259, %dma_start3A_265, %dma_start3A_266] : memref<32x5x16x128xi32, #tpu.memory_space<hbm>> -> memref<1x1x16x128xi32, #tpu.memory_space<hbm>>
        %dma_start3A_268 = tpu.memref_squeeze %dma_start3A_267 : memref<1x1x16x128xi32, #tpu.memory_space<hbm>> -> memref<16x128xi32, #tpu.memory_space<hbm>>
        %dma_start3A_269 = arith.constant 0 : i32
        %dma_start3A_270 = arith.constant 0 : i32
        %dma_start3A_271 = tpu.memref_slice %arg4[%sub3A_260, %dma_start3A_269, %dma_start3A_270] : memref<2x16x128xi32, #tpu.memory_space<vmem>> -> memref<1x16x128xi32, #tpu.memory_space<vmem>>
        %dma_start3A_272 = tpu.memref_squeeze %dma_start3A_271 : memref<1x16x128xi32, #tpu.memory_space<vmem>> -> memref<16x128xi32, #tpu.memory_space<vmem>>
        %dma_start3A_273 = arith.constant 0 : i32
        %dma_start3A_274 = arith.constant 0 : i32
        %dma_start3A_275 = tpu.memref_slice %arg2[%add3A, %add3A_259, %dma_start3A_273, %dma_start3A_274] : memref<32x5x16x128xi32, #tpu.memory_space<hbm>> -> memref<1x1x16x128xi32, #tpu.memory_space<hbm>>
        %dma_start3A_276 = tpu.memref_squeeze %dma_start3A_275 : memref<1x1x16x128xi32, #tpu.memory_space<hbm>> -> memref<16x128xi32, #tpu.memory_space<hbm>>
        tpu.enqueue_dma source(%dma_start3A_276 : memref<16x128xi32, #tpu.memory_space<hbm>>) target(%dma_start3A_272 : memref<16x128xi32, #tpu.memory_space<vmem>>) target_semaphore(%arg8 : memref<!tpu.dma_semaphore, #tpu.memory_space<semaphore_mem>>)
      } else {
      }
      %dma_start3A = arith.constant 0 : i32
      %dma_start3A_67 = arith.constant 0 : i32
      %dma_start3A_68 = tpu.memref_slice %arg4[%rem3A_58, %dma_start3A, %dma_start3A_67] : memref<2x16x128xi32, #tpu.memory_space<vmem>> -> memref<1x1x128xi32, #tpu.memory_space<vmem>>
      %dma_start3A_69 = tpu.memref_squeeze %dma_start3A_68 : memref<1x1x128xi32, #tpu.memory_space<vmem>> -> memref<128xi32, #tpu.memory_space<vmem>>
      %dma_start3A_70 = arith.constant 0 : i32
      %dma_start3A_71 = tpu.memref_slice %arg7[%dma_start3A_70] : memref<10240xf32, #tpu.memory_space<vmem_shared>> -> memref<10240xf32, #tpu.memory_space<vmem_shared>>
      tpu.enqueue_indirect_dma source(%arg5 : memref<128xf32, #tpu.memory_space<vmem>>) target(%dma_start3A_71 : memref<10240xf32, #tpu.memory_space<vmem_shared>>) offsets(%dma_start3A_69 : memref<128xi32, #tpu.memory_space<vmem>>) semaphore(%arg9 : memref<!tpu.dma_semaphore, #tpu.memory_space<semaphore_mem>>) {add = true}
      %dma_start3A_72 = arith.constant 1 : i32
      %dma_start3A_73 = arith.constant 0 : i32
      %dma_start3A_74 = tpu.memref_slice %arg4[%rem3A_58, %dma_start3A_72, %dma_start3A_73] : memref<2x16x128xi32, #tpu.memory_space<vmem>> -> memref<1x1x128xi32, #tpu.memory_space<vmem>>
      %dma_start3A_75 = tpu.memref_squeeze %dma_start3A_74 : memref<1x1x128xi32, #tpu.memory_space<vmem>> -> memref<128xi32, #tpu.memory_space<vmem>>
      %dma_start3A_76 = arith.constant 0 : i32
      %dma_start3A_77 = tpu.memref_slice %arg7[%dma_start3A_76] : memref<10240xf32, #tpu.memory_space<vmem_shared>> -> memref<10240xf32, #tpu.memory_space<vmem_shared>>
      tpu.enqueue_indirect_dma source(%arg5 : memref<128xf32, #tpu.memory_space<vmem>>) target(%dma_start3A_77 : memref<10240xf32, #tpu.memory_space<vmem_shared>>) offsets(%dma_start3A_75 : memref<128xi32, #tpu.memory_space<vmem>>) semaphore(%arg9 : memref<!tpu.dma_semaphore, #tpu.memory_space<semaphore_mem>>) {add = true}
      %dma_start3A_78 = arith.constant 2 : i32
      %dma_start3A_79 = arith.constant 0 : i32
      %dma_start3A_80 = tpu.memref_slice %arg4[%rem3A_58, %dma_start3A_78, %dma_start3A_79] : memref<2x16x128xi32, #tpu.memory_space<vmem>> -> memref<1x1x128xi32, #tpu.memory_space<vmem>>
      %dma_start3A_81 = tpu.memref_squeeze %dma_start3A_80 : memref<1x1x128xi32, #tpu.memory_space<vmem>> -> memref<128xi32, #tpu.memory_space<vmem>>
      %dma_start3A_82 = arith.constant 0 : i32
      %dma_start3A_83 = tpu.memref_slice %arg7[%dma_start3A_82] : memref<10240xf32, #tpu.memory_space<vmem_shared>> -> memref<10240xf32, #tpu.memory_space<vmem_shared>>
      tpu.enqueue_indirect_dma source(%arg5 : memref<128xf32, #tpu.memory_space<vmem>>) target(%dma_start3A_83 : memref<10240xf32, #tpu.memory_space<vmem_shared>>) offsets(%dma_start3A_81 : memref<128xi32, #tpu.memory_space<vmem>>) semaphore(%arg9 : memref<!tpu.dma_semaphore, #tpu.memory_space<semaphore_mem>>) {add = true}
      %dma_start3A_84 = arith.constant 3 : i32
      %dma_start3A_85 = arith.constant 0 : i32
      %dma_start3A_86 = tpu.memref_slice %arg4[%rem3A_58, %dma_start3A_84, %dma_start3A_85] : memref<2x16x128xi32, #tpu.memory_space<vmem>> -> memref<1x1x128xi32, #tpu.memory_space<vmem>>
      %dma_start3A_87 = tpu.memref_squeeze %dma_start3A_86 : memref<1x1x128xi32, #tpu.memory_space<vmem>> -> memref<128xi32, #tpu.memory_space<vmem>>
      %dma_start3A_88 = arith.constant 0 : i32
      %dma_start3A_89 = tpu.memref_slice %arg7[%dma_start3A_88] : memref<10240xf32, #tpu.memory_space<vmem_shared>> -> memref<10240xf32, #tpu.memory_space<vmem_shared>>
      tpu.enqueue_indirect_dma source(%arg5 : memref<128xf32, #tpu.memory_space<vmem>>) target(%dma_start3A_89 : memref<10240xf32, #tpu.memory_space<vmem_shared>>) offsets(%dma_start3A_87 : memref<128xi32, #tpu.memory_space<vmem>>) semaphore(%arg9 : memref<!tpu.dma_semaphore, #tpu.memory_space<semaphore_mem>>) {add = true}
      %dma_start3A_90 = arith.constant 4 : i32
      %dma_start3A_91 = arith.constant 0 : i32
      %dma_start3A_92 = tpu.memref_slice %arg4[%rem3A_58, %dma_start3A_90, %dma_start3A_91] : memref<2x16x128xi32, #tpu.memory_space<vmem>> -> memref<1x1x128xi32, #tpu.memory_space<vmem>>
      %dma_start3A_93 = tpu.memref_squeeze %dma_start3A_92 : memref<1x1x128xi32, #tpu.memory_space<vmem>> -> memref<128xi32, #tpu.memory_space<vmem>>
      %dma_start3A_94 = arith.constant 0 : i32
      %dma_start3A_95 = tpu.memref_slice %arg7[%dma_start3A_94] : memref<10240xf32, #tpu.memory_space<vmem_shared>> -> memref<10240xf32, #tpu.memory_space<vmem_shared>>
      tpu.enqueue_indirect_dma source(%arg5 : memref<128xf32, #tpu.memory_space<vmem>>) target(%dma_start3A_95 : memref<10240xf32, #tpu.memory_space<vmem_shared>>) offsets(%dma_start3A_93 : memref<128xi32, #tpu.memory_space<vmem>>) semaphore(%arg9 : memref<!tpu.dma_semaphore, #tpu.memory_space<semaphore_mem>>) {add = true}
      %dma_start3A_96 = arith.constant 5 : i32
      %dma_start3A_97 = arith.constant 0 : i32
      %dma_start3A_98 = tpu.memref_slice %arg4[%rem3A_58, %dma_start3A_96, %dma_start3A_97] : memref<2x16x128xi32, #tpu.memory_space<vmem>> -> memref<1x1x128xi32, #tpu.memory_space<vmem>>
      %dma_start3A_99 = tpu.memref_squeeze %dma_start3A_98 : memref<1x1x128xi32, #tpu.memory_space<vmem>> -> memref<128xi32, #tpu.memory_space<vmem>>
      %dma_start3A_100 = arith.constant 0 : i32
      %dma_start3A_101 = tpu.memref_slice %arg7[%dma_start3A_100] : memref<10240xf32, #tpu.memory_space<vmem_shared>> -> memref<10240xf32, #tpu.memory_space<vmem_shared>>
      tpu.enqueue_indirect_dma source(%arg5 : memref<128xf32, #tpu.memory_space<vmem>>) target(%dma_start3A_101 : memref<10240xf32, #tpu.memory_space<vmem_shared>>) offsets(%dma_start3A_99 : memref<128xi32, #tpu.memory_space<vmem>>) semaphore(%arg9 : memref<!tpu.dma_semaphore, #tpu.memory_space<semaphore_mem>>) {add = true}
      %dma_start3A_102 = arith.constant 6 : i32
      %dma_start3A_103 = arith.constant 0 : i32
      %dma_start3A_104 = tpu.memref_slice %arg4[%rem3A_58, %dma_start3A_102, %dma_start3A_103] : memref<2x16x128xi32, #tpu.memory_space<vmem>> -> memref<1x1x128xi32, #tpu.memory_space<vmem>>
      %dma_start3A_105 = tpu.memref_squeeze %dma_start3A_104 : memref<1x1x128xi32, #tpu.memory_space<vmem>> -> memref<128xi32, #tpu.memory_space<vmem>>
      %dma_start3A_106 = arith.constant 0 : i32
      %dma_start3A_107 = tpu.memref_slice %arg7[%dma_start3A_106] : memref<10240xf32, #tpu.memory_space<vmem_shared>> -> memref<10240xf32, #tpu.memory_space<vmem_shared>>
      tpu.enqueue_indirect_dma source(%arg5 : memref<128xf32, #tpu.memory_space<vmem>>) target(%dma_start3A_107 : memref<10240xf32, #tpu.memory_space<vmem_shared>>) offsets(%dma_start3A_105 : memref<128xi32, #tpu.memory_space<vmem>>) semaphore(%arg9 : memref<!tpu.dma_semaphore, #tpu.memory_space<semaphore_mem>>) {add = true}
      %dma_start3A_108 = arith.constant 7 : i32
      %dma_start3A_109 = arith.constant 0 : i32
      %dma_start3A_110 = tpu.memref_slice %arg4[%rem3A_58, %dma_start3A_108, %dma_start3A_109] : memref<2x16x128xi32, #tpu.memory_space<vmem>> -> memref<1x1x128xi32, #tpu.memory_space<vmem>>
      %dma_start3A_111 = tpu.memref_squeeze %dma_start3A_110 : memref<1x1x128xi32, #tpu.memory_space<vmem>> -> memref<128xi32, #tpu.memory_space<vmem>>
      %dma_start3A_112 = arith.constant 0 : i32
      %dma_start3A_113 = tpu.memref_slice %arg7[%dma_start3A_112] : memref<10240xf32, #tpu.memory_space<vmem_shared>> -> memref<10240xf32, #tpu.memory_space<vmem_shared>>
      tpu.enqueue_indirect_dma source(%arg5 : memref<128xf32, #tpu.memory_space<vmem>>) target(%dma_start3A_113 : memref<10240xf32, #tpu.memory_space<vmem_shared>>) offsets(%dma_start3A_111 : memref<128xi32, #tpu.memory_space<vmem>>) semaphore(%arg9 : memref<!tpu.dma_semaphore, #tpu.memory_space<semaphore_mem>>) {add = true}
      %dma_start3A_114 = arith.constant 8 : i32
      %dma_start3A_115 = arith.constant 0 : i32
      %dma_start3A_116 = tpu.memref_slice %arg4[%rem3A_58, %dma_start3A_114, %dma_start3A_115] : memref<2x16x128xi32, #tpu.memory_space<vmem>> -> memref<1x1x128xi32, #tpu.memory_space<vmem>>
      %dma_start3A_117 = tpu.memref_squeeze %dma_start3A_116 : memref<1x1x128xi32, #tpu.memory_space<vmem>> -> memref<128xi32, #tpu.memory_space<vmem>>
      %dma_start3A_118 = arith.constant 0 : i32
      %dma_start3A_119 = tpu.memref_slice %arg7[%dma_start3A_118] : memref<10240xf32, #tpu.memory_space<vmem_shared>> -> memref<10240xf32, #tpu.memory_space<vmem_shared>>
      tpu.enqueue_indirect_dma source(%arg5 : memref<128xf32, #tpu.memory_space<vmem>>) target(%dma_start3A_119 : memref<10240xf32, #tpu.memory_space<vmem_shared>>) offsets(%dma_start3A_117 : memref<128xi32, #tpu.memory_space<vmem>>) semaphore(%arg9 : memref<!tpu.dma_semaphore, #tpu.memory_space<semaphore_mem>>) {add = true}
      %dma_start3A_120 = arith.constant 9 : i32
      %dma_start3A_121 = arith.constant 0 : i32
      %dma_start3A_122 = tpu.memref_slice %arg4[%rem3A_58, %dma_start3A_120, %dma_start3A_121] : memref<2x16x128xi32, #tpu.memory_space<vmem>> -> memref<1x1x128xi32, #tpu.memory_space<vmem>>
      %dma_start3A_123 = tpu.memref_squeeze %dma_start3A_122 : memref<1x1x128xi32, #tpu.memory_space<vmem>> -> memref<128xi32, #tpu.memory_space<vmem>>
      %dma_start3A_124 = arith.constant 0 : i32
      %dma_start3A_125 = tpu.memref_slice %arg7[%dma_start3A_124] : memref<10240xf32, #tpu.memory_space<vmem_shared>> -> memref<10240xf32, #tpu.memory_space<vmem_shared>>
      tpu.enqueue_indirect_dma source(%arg5 : memref<128xf32, #tpu.memory_space<vmem>>) target(%dma_start3A_125 : memref<10240xf32, #tpu.memory_space<vmem_shared>>) offsets(%dma_start3A_123 : memref<128xi32, #tpu.memory_space<vmem>>) semaphore(%arg9 : memref<!tpu.dma_semaphore, #tpu.memory_space<semaphore_mem>>) {add = true}
      %dma_start3A_126 = arith.constant 10 : i32
      %dma_start3A_127 = arith.constant 0 : i32
      %dma_start3A_128 = tpu.memref_slice %arg4[%rem3A_58, %dma_start3A_126, %dma_start3A_127] : memref<2x16x128xi32, #tpu.memory_space<vmem>> -> memref<1x1x128xi32, #tpu.memory_space<vmem>>
      %dma_start3A_129 = tpu.memref_squeeze %dma_start3A_128 : memref<1x1x128xi32, #tpu.memory_space<vmem>> -> memref<128xi32, #tpu.memory_space<vmem>>
      %dma_start3A_130 = arith.constant 0 : i32
      %dma_start3A_131 = tpu.memref_slice %arg7[%dma_start3A_130] : memref<10240xf32, #tpu.memory_space<vmem_shared>> -> memref<10240xf32, #tpu.memory_space<vmem_shared>>
      tpu.enqueue_indirect_dma source(%arg5 : memref<128xf32, #tpu.memory_space<vmem>>) target(%dma_start3A_131 : memref<10240xf32, #tpu.memory_space<vmem_shared>>) offsets(%dma_start3A_129 : memref<128xi32, #tpu.memory_space<vmem>>) semaphore(%arg9 : memref<!tpu.dma_semaphore, #tpu.memory_space<semaphore_mem>>) {add = true}
      %dma_start3A_132 = arith.constant 11 : i32
      %dma_start3A_133 = arith.constant 0 : i32
      %dma_start3A_134 = tpu.memref_slice %arg4[%rem3A_58, %dma_start3A_132, %dma_start3A_133] : memref<2x16x128xi32, #tpu.memory_space<vmem>> -> memref<1x1x128xi32, #tpu.memory_space<vmem>>
      %dma_start3A_135 = tpu.memref_squeeze %dma_start3A_134 : memref<1x1x128xi32, #tpu.memory_space<vmem>> -> memref<128xi32, #tpu.memory_space<vmem>>
      %dma_start3A_136 = arith.constant 0 : i32
      %dma_start3A_137 = tpu.memref_slice %arg7[%dma_start3A_136] : memref<10240xf32, #tpu.memory_space<vmem_shared>> -> memref<10240xf32, #tpu.memory_space<vmem_shared>>
      tpu.enqueue_indirect_dma source(%arg5 : memref<128xf32, #tpu.memory_space<vmem>>) target(%dma_start3A_137 : memref<10240xf32, #tpu.memory_space<vmem_shared>>) offsets(%dma_start3A_135 : memref<128xi32, #tpu.memory_space<vmem>>) semaphore(%arg9 : memref<!tpu.dma_semaphore, #tpu.memory_space<semaphore_mem>>) {add = true}
      %dma_start3A_138 = arith.constant 12 : i32
      %dma_start3A_139 = arith.constant 0 : i32
      %dma_start3A_140 = tpu.memref_slice %arg4[%rem3A_58, %dma_start3A_138, %dma_start3A_139] : memref<2x16x128xi32, #tpu.memory_space<vmem>> -> memref<1x1x128xi32, #tpu.memory_space<vmem>>
      %dma_start3A_141 = tpu.memref_squeeze %dma_start3A_140 : memref<1x1x128xi32, #tpu.memory_space<vmem>> -> memref<128xi32, #tpu.memory_space<vmem>>
      %dma_start3A_142 = arith.constant 0 : i32
      %dma_start3A_143 = tpu.memref_slice %arg7[%dma_start3A_142] : memref<10240xf32, #tpu.memory_space<vmem_shared>> -> memref<10240xf32, #tpu.memory_space<vmem_shared>>
      tpu.enqueue_indirect_dma source(%arg5 : memref<128xf32, #tpu.memory_space<vmem>>) target(%dma_start3A_143 : memref<10240xf32, #tpu.memory_space<vmem_shared>>) offsets(%dma_start3A_141 : memref<128xi32, #tpu.memory_space<vmem>>) semaphore(%arg9 : memref<!tpu.dma_semaphore, #tpu.memory_space<semaphore_mem>>) {add = true}
      %dma_start3A_144 = arith.constant 13 : i32
      %dma_start3A_145 = arith.constant 0 : i32
      %dma_start3A_146 = tpu.memref_slice %arg4[%rem3A_58, %dma_start3A_144, %dma_start3A_145] : memref<2x16x128xi32, #tpu.memory_space<vmem>> -> memref<1x1x128xi32, #tpu.memory_space<vmem>>
      %dma_start3A_147 = tpu.memref_squeeze %dma_start3A_146 : memref<1x1x128xi32, #tpu.memory_space<vmem>> -> memref<128xi32, #tpu.memory_space<vmem>>
      %dma_start3A_148 = arith.constant 0 : i32
      %dma_start3A_149 = tpu.memref_slice %arg7[%dma_start3A_148] : memref<10240xf32, #tpu.memory_space<vmem_shared>> -> memref<10240xf32, #tpu.memory_space<vmem_shared>>
      tpu.enqueue_indirect_dma source(%arg5 : memref<128xf32, #tpu.memory_space<vmem>>) target(%dma_start3A_149 : memref<10240xf32, #tpu.memory_space<vmem_shared>>) offsets(%dma_start3A_147 : memref<128xi32, #tpu.memory_space<vmem>>) semaphore(%arg9 : memref<!tpu.dma_semaphore, #tpu.memory_space<semaphore_mem>>) {add = true}
      %dma_start3A_150 = arith.constant 14 : i32
      %dma_start3A_151 = arith.constant 0 : i32
      %dma_start3A_152 = tpu.memref_slice %arg4[%rem3A_58, %dma_start3A_150, %dma_start3A_151] : memref<2x16x128xi32, #tpu.memory_space<vmem>> -> memref<1x1x128xi32, #tpu.memory_space<vmem>>
      %dma_start3A_153 = tpu.memref_squeeze %dma_start3A_152 : memref<1x1x128xi32, #tpu.memory_space<vmem>> -> memref<128xi32, #tpu.memory_space<vmem>>
      %dma_start3A_154 = arith.constant 0 : i32
      %dma_start3A_155 = tpu.memref_slice %arg7[%dma_start3A_154] : memref<10240xf32, #tpu.memory_space<vmem_shared>> -> memref<10240xf32, #tpu.memory_space<vmem_shared>>
      tpu.enqueue_indirect_dma source(%arg5 : memref<128xf32, #tpu.memory_space<vmem>>) target(%dma_start3A_155 : memref<10240xf32, #tpu.memory_space<vmem_shared>>) offsets(%dma_start3A_153 : memref<128xi32, #tpu.memory_space<vmem>>) semaphore(%arg9 : memref<!tpu.dma_semaphore, #tpu.memory_space<semaphore_mem>>) {add = true}
      %dma_start3A_156 = arith.constant 15 : i32
      %dma_start3A_157 = arith.constant 0 : i32
      %dma_start3A_158 = tpu.memref_slice %arg4[%rem3A_58, %dma_start3A_156, %dma_start3A_157] : memref<2x16x128xi32, #tpu.memory_space<vmem>> -> memref<1x1x128xi32, #tpu.memory_space<vmem>>
      %dma_start3A_159 = tpu.memref_squeeze %dma_start3A_158 : memref<1x1x128xi32, #tpu.memory_space<vmem>> -> memref<128xi32, #tpu.memory_space<vmem>>
      %dma_start3A_160 = arith.constant 0 : i32
      %dma_start3A_161 = tpu.memref_slice %arg7[%dma_start3A_160] : memref<10240xf32, #tpu.memory_space<vmem_shared>> -> memref<10240xf32, #tpu.memory_space<vmem_shared>>
      tpu.enqueue_indirect_dma source(%arg5 : memref<128xf32, #tpu.memory_space<vmem>>) target(%dma_start3A_161 : memref<10240xf32, #tpu.memory_space<vmem_shared>>) offsets(%dma_start3A_159 : memref<128xi32, #tpu.memory_space<vmem>>) semaphore(%arg9 : memref<!tpu.dma_semaphore, #tpu.memory_space<semaphore_mem>>) {add = true}
      %dma_wait3A = arith.constant 0 : i32
      %dma_wait3A_162 = arith.constant 0 : i32
      %dma_wait3A_163 = tpu.memref_slice %arg4[%rem3A_58, %dma_wait3A, %dma_wait3A_162] : memref<2x16x128xi32, #tpu.memory_space<vmem>> -> memref<1x1x128xi32, #tpu.memory_space<vmem>>
      %dma_wait3A_164 = tpu.memref_squeeze %dma_wait3A_163 : memref<1x1x128xi32, #tpu.memory_space<vmem>> -> memref<128xi32, #tpu.memory_space<vmem>>
      %dma_wait3A_165 = arith.constant 0 : i32
      %dma_wait3A_166 = tpu.memref_slice %arg7[%dma_wait3A_165] : memref<10240xf32, #tpu.memory_space<vmem_shared>> -> memref<10240xf32, #tpu.memory_space<vmem_shared>>
      tpu.wait_indirect_dma semaphore(%arg9 : memref<!tpu.dma_semaphore, #tpu.memory_space<semaphore_mem>>) src(%arg5 : memref<128xf32, #tpu.memory_space<vmem>>) dst(%dma_wait3A_166 : memref<10240xf32, #tpu.memory_space<vmem_shared>>)
      %dma_wait3A_167 = arith.constant 1 : i32
      %dma_wait3A_168 = arith.constant 0 : i32
      %dma_wait3A_169 = tpu.memref_slice %arg4[%rem3A_58, %dma_wait3A_167, %dma_wait3A_168] : memref<2x16x128xi32, #tpu.memory_space<vmem>> -> memref<1x1x128xi32, #tpu.memory_space<vmem>>
      %dma_wait3A_170 = tpu.memref_squeeze %dma_wait3A_169 : memref<1x1x128xi32, #tpu.memory_space<vmem>> -> memref<128xi32, #tpu.memory_space<vmem>>
      %dma_wait3A_171 = arith.constant 0 : i32
      %dma_wait3A_172 = tpu.memref_slice %arg7[%dma_wait3A_171] : memref<10240xf32, #tpu.memory_space<vmem_shared>> -> memref<10240xf32, #tpu.memory_space<vmem_shared>>
      tpu.wait_indirect_dma semaphore(%arg9 : memref<!tpu.dma_semaphore, #tpu.memory_space<semaphore_mem>>) src(%arg5 : memref<128xf32, #tpu.memory_space<vmem>>) dst(%dma_wait3A_172 : memref<10240xf32, #tpu.memory_space<vmem_shared>>)
      %dma_wait3A_173 = arith.constant 2 : i32
      %dma_wait3A_174 = arith.constant 0 : i32
      %dma_wait3A_175 = tpu.memref_slice %arg4[%rem3A_58, %dma_wait3A_173, %dma_wait3A_174] : memref<2x16x128xi32, #tpu.memory_space<vmem>> -> memref<1x1x128xi32, #tpu.memory_space<vmem>>
      %dma_wait3A_176 = tpu.memref_squeeze %dma_wait3A_175 : memref<1x1x128xi32, #tpu.memory_space<vmem>> -> memref<128xi32, #tpu.memory_space<vmem>>
      %dma_wait3A_177 = arith.constant 0 : i32
      %dma_wait3A_178 = tpu.memref_slice %arg7[%dma_wait3A_177] : memref<10240xf32, #tpu.memory_space<vmem_shared>> -> memref<10240xf32, #tpu.memory_space<vmem_shared>>
      tpu.wait_indirect_dma semaphore(%arg9 : memref<!tpu.dma_semaphore, #tpu.memory_space<semaphore_mem>>) src(%arg5 : memref<128xf32, #tpu.memory_space<vmem>>) dst(%dma_wait3A_178 : memref<10240xf32, #tpu.memory_space<vmem_shared>>)
      %dma_wait3A_179 = arith.constant 3 : i32
      %dma_wait3A_180 = arith.constant 0 : i32
      %dma_wait3A_181 = tpu.memref_slice %arg4[%rem3A_58, %dma_wait3A_179, %dma_wait3A_180] : memref<2x16x128xi32, #tpu.memory_space<vmem>> -> memref<1x1x128xi32, #tpu.memory_space<vmem>>
      %dma_wait3A_182 = tpu.memref_squeeze %dma_wait3A_181 : memref<1x1x128xi32, #tpu.memory_space<vmem>> -> memref<128xi32, #tpu.memory_space<vmem>>
      %dma_wait3A_183 = arith.constant 0 : i32
      %dma_wait3A_184 = tpu.memref_slice %arg7[%dma_wait3A_183] : memref<10240xf32, #tpu.memory_space<vmem_shared>> -> memref<10240xf32, #tpu.memory_space<vmem_shared>>
      tpu.wait_indirect_dma semaphore(%arg9 : memref<!tpu.dma_semaphore, #tpu.memory_space<semaphore_mem>>) src(%arg5 : memref<128xf32, #tpu.memory_space<vmem>>) dst(%dma_wait3A_184 : memref<10240xf32, #tpu.memory_space<vmem_shared>>)
      %dma_wait3A_185 = arith.constant 4 : i32
      %dma_wait3A_186 = arith.constant 0 : i32
      %dma_wait3A_187 = tpu.memref_slice %arg4[%rem3A_58, %dma_wait3A_185, %dma_wait3A_186] : memref<2x16x128xi32, #tpu.memory_space<vmem>> -> memref<1x1x128xi32, #tpu.memory_space<vmem>>
      %dma_wait3A_188 = tpu.memref_squeeze %dma_wait3A_187 : memref<1x1x128xi32, #tpu.memory_space<vmem>> -> memref<128xi32, #tpu.memory_space<vmem>>
      %dma_wait3A_189 = arith.constant 0 : i32
      %dma_wait3A_190 = tpu.memref_slice %arg7[%dma_wait3A_189] : memref<10240xf32, #tpu.memory_space<vmem_shared>> -> memref<10240xf32, #tpu.memory_space<vmem_shared>>
      tpu.wait_indirect_dma semaphore(%arg9 : memref<!tpu.dma_semaphore, #tpu.memory_space<semaphore_mem>>) src(%arg5 : memref<128xf32, #tpu.memory_space<vmem>>) dst(%dma_wait3A_190 : memref<10240xf32, #tpu.memory_space<vmem_shared>>)
      %dma_wait3A_191 = arith.constant 5 : i32
      %dma_wait3A_192 = arith.constant 0 : i32
      %dma_wait3A_193 = tpu.memref_slice %arg4[%rem3A_58, %dma_wait3A_191, %dma_wait3A_192] : memref<2x16x128xi32, #tpu.memory_space<vmem>> -> memref<1x1x128xi32, #tpu.memory_space<vmem>>
      %dma_wait3A_194 = tpu.memref_squeeze %dma_wait3A_193 : memref<1x1x128xi32, #tpu.memory_space<vmem>> -> memref<128xi32, #tpu.memory_space<vmem>>
      %dma_wait3A_195 = arith.constant 0 : i32
      %dma_wait3A_196 = tpu.memref_slice %arg7[%dma_wait3A_195] : memref<10240xf32, #tpu.memory_space<vmem_shared>> -> memref<10240xf32, #tpu.memory_space<vmem_shared>>
      tpu.wait_indirect_dma semaphore(%arg9 : memref<!tpu.dma_semaphore, #tpu.memory_space<semaphore_mem>>) src(%arg5 : memref<128xf32, #tpu.memory_space<vmem>>) dst(%dma_wait3A_196 : memref<10240xf32, #tpu.memory_space<vmem_shared>>)
      %dma_wait3A_197 = arith.constant 6 : i32
      %dma_wait3A_198 = arith.constant 0 : i32
      %dma_wait3A_199 = tpu.memref_slice %arg4[%rem3A_58, %dma_wait3A_197, %dma_wait3A_198] : memref<2x16x128xi32, #tpu.memory_space<vmem>> -> memref<1x1x128xi32, #tpu.memory_space<vmem>>
      %dma_wait3A_200 = tpu.memref_squeeze %dma_wait3A_199 : memref<1x1x128xi32, #tpu.memory_space<vmem>> -> memref<128xi32, #tpu.memory_space<vmem>>
      %dma_wait3A_201 = arith.constant 0 : i32
      %dma_wait3A_202 = tpu.memref_slice %arg7[%dma_wait3A_201] : memref<10240xf32, #tpu.memory_space<vmem_shared>> -> memref<10240xf32, #tpu.memory_space<vmem_shared>>
      tpu.wait_indirect_dma semaphore(%arg9 : memref<!tpu.dma_semaphore, #tpu.memory_space<semaphore_mem>>) src(%arg5 : memref<128xf32, #tpu.memory_space<vmem>>) dst(%dma_wait3A_202 : memref<10240xf32, #tpu.memory_space<vmem_shared>>)
      %dma_wait3A_203 = arith.constant 7 : i32
      %dma_wait3A_204 = arith.constant 0 : i32
      %dma_wait3A_205 = tpu.memref_slice %arg4[%rem3A_58, %dma_wait3A_203, %dma_wait3A_204] : memref<2x16x128xi32, #tpu.memory_space<vmem>> -> memref<1x1x128xi32, #tpu.memory_space<vmem>>
      %dma_wait3A_206 = tpu.memref_squeeze %dma_wait3A_205 : memref<1x1x128xi32, #tpu.memory_space<vmem>> -> memref<128xi32, #tpu.memory_space<vmem>>
      %dma_wait3A_207 = arith.constant 0 : i32
      %dma_wait3A_208 = tpu.memref_slice %arg7[%dma_wait3A_207] : memref<10240xf32, #tpu.memory_space<vmem_shared>> -> memref<10240xf32, #tpu.memory_space<vmem_shared>>
      tpu.wait_indirect_dma semaphore(%arg9 : memref<!tpu.dma_semaphore, #tpu.memory_space<semaphore_mem>>) src(%arg5 : memref<128xf32, #tpu.memory_space<vmem>>) dst(%dma_wait3A_208 : memref<10240xf32, #tpu.memory_space<vmem_shared>>)
      %dma_wait3A_209 = arith.constant 8 : i32
      %dma_wait3A_210 = arith.constant 0 : i32
      %dma_wait3A_211 = tpu.memref_slice %arg4[%rem3A_58, %dma_wait3A_209, %dma_wait3A_210] : memref<2x16x128xi32, #tpu.memory_space<vmem>> -> memref<1x1x128xi32, #tpu.memory_space<vmem>>
      %dma_wait3A_212 = tpu.memref_squeeze %dma_wait3A_211 : memref<1x1x128xi32, #tpu.memory_space<vmem>> -> memref<128xi32, #tpu.memory_space<vmem>>
      %dma_wait3A_213 = arith.constant 0 : i32
      %dma_wait3A_214 = tpu.memref_slice %arg7[%dma_wait3A_213] : memref<10240xf32, #tpu.memory_space<vmem_shared>> -> memref<10240xf32, #tpu.memory_space<vmem_shared>>
      tpu.wait_indirect_dma semaphore(%arg9 : memref<!tpu.dma_semaphore, #tpu.memory_space<semaphore_mem>>) src(%arg5 : memref<128xf32, #tpu.memory_space<vmem>>) dst(%dma_wait3A_214 : memref<10240xf32, #tpu.memory_space<vmem_shared>>)
      %dma_wait3A_215 = arith.constant 9 : i32
      %dma_wait3A_216 = arith.constant 0 : i32
      %dma_wait3A_217 = tpu.memref_slice %arg4[%rem3A_58, %dma_wait3A_215, %dma_wait3A_216] : memref<2x16x128xi32, #tpu.memory_space<vmem>> -> memref<1x1x128xi32, #tpu.memory_space<vmem>>
      %dma_wait3A_218 = tpu.memref_squeeze %dma_wait3A_217 : memref<1x1x128xi32, #tpu.memory_space<vmem>> -> memref<128xi32, #tpu.memory_space<vmem>>
      %dma_wait3A_219 = arith.constant 0 : i32
      %dma_wait3A_220 = tpu.memref_slice %arg7[%dma_wait3A_219] : memref<10240xf32, #tpu.memory_space<vmem_shared>> -> memref<10240xf32, #tpu.memory_space<vmem_shared>>
      tpu.wait_indirect_dma semaphore(%arg9 : memref<!tpu.dma_semaphore, #tpu.memory_space<semaphore_mem>>) src(%arg5 : memref<128xf32, #tpu.memory_space<vmem>>) dst(%dma_wait3A_220 : memref<10240xf32, #tpu.memory_space<vmem_shared>>)
      %dma_wait3A_221 = arith.constant 10 : i32
      %dma_wait3A_222 = arith.constant 0 : i32
      %dma_wait3A_223 = tpu.memref_slice %arg4[%rem3A_58, %dma_wait3A_221, %dma_wait3A_222] : memref<2x16x128xi32, #tpu.memory_space<vmem>> -> memref<1x1x128xi32, #tpu.memory_space<vmem>>
      %dma_wait3A_224 = tpu.memref_squeeze %dma_wait3A_223 : memref<1x1x128xi32, #tpu.memory_space<vmem>> -> memref<128xi32, #tpu.memory_space<vmem>>
      %dma_wait3A_225 = arith.constant 0 : i32
      %dma_wait3A_226 = tpu.memref_slice %arg7[%dma_wait3A_225] : memref<10240xf32, #tpu.memory_space<vmem_shared>> -> memref<10240xf32, #tpu.memory_space<vmem_shared>>
      tpu.wait_indirect_dma semaphore(%arg9 : memref<!tpu.dma_semaphore, #tpu.memory_space<semaphore_mem>>) src(%arg5 : memref<128xf32, #tpu.memory_space<vmem>>) dst(%dma_wait3A_226 : memref<10240xf32, #tpu.memory_space<vmem_shared>>)
      %dma_wait3A_227 = arith.constant 11 : i32
      %dma_wait3A_228 = arith.constant 0 : i32
      %dma_wait3A_229 = tpu.memref_slice %arg4[%rem3A_58, %dma_wait3A_227, %dma_wait3A_228] : memref<2x16x128xi32, #tpu.memory_space<vmem>> -> memref<1x1x128xi32, #tpu.memory_space<vmem>>
      %dma_wait3A_230 = tpu.memref_squeeze %dma_wait3A_229 : memref<1x1x128xi32, #tpu.memory_space<vmem>> -> memref<128xi32, #tpu.memory_space<vmem>>
      %dma_wait3A_231 = arith.constant 0 : i32
      %dma_wait3A_232 = tpu.memref_slice %arg7[%dma_wait3A_231] : memref<10240xf32, #tpu.memory_space<vmem_shared>> -> memref<10240xf32, #tpu.memory_space<vmem_shared>>
      tpu.wait_indirect_dma semaphore(%arg9 : memref<!tpu.dma_semaphore, #tpu.memory_space<semaphore_mem>>) src(%arg5 : memref<128xf32, #tpu.memory_space<vmem>>) dst(%dma_wait3A_232 : memref<10240xf32, #tpu.memory_space<vmem_shared>>)
      %dma_wait3A_233 = arith.constant 12 : i32
      %dma_wait3A_234 = arith.constant 0 : i32
      %dma_wait3A_235 = tpu.memref_slice %arg4[%rem3A_58, %dma_wait3A_233, %dma_wait3A_234] : memref<2x16x128xi32, #tpu.memory_space<vmem>> -> memref<1x1x128xi32, #tpu.memory_space<vmem>>
      %dma_wait3A_236 = tpu.memref_squeeze %dma_wait3A_235 : memref<1x1x128xi32, #tpu.memory_space<vmem>> -> memref<128xi32, #tpu.memory_space<vmem>>
      %dma_wait3A_237 = arith.constant 0 : i32
      %dma_wait3A_238 = tpu.memref_slice %arg7[%dma_wait3A_237] : memref<10240xf32, #tpu.memory_space<vmem_shared>> -> memref<10240xf32, #tpu.memory_space<vmem_shared>>
      tpu.wait_indirect_dma semaphore(%arg9 : memref<!tpu.dma_semaphore, #tpu.memory_space<semaphore_mem>>) src(%arg5 : memref<128xf32, #tpu.memory_space<vmem>>) dst(%dma_wait3A_238 : memref<10240xf32, #tpu.memory_space<vmem_shared>>)
      %dma_wait3A_239 = arith.constant 13 : i32
      %dma_wait3A_240 = arith.constant 0 : i32
      %dma_wait3A_241 = tpu.memref_slice %arg4[%rem3A_58, %dma_wait3A_239, %dma_wait3A_240] : memref<2x16x128xi32, #tpu.memory_space<vmem>> -> memref<1x1x128xi32, #tpu.memory_space<vmem>>
      %dma_wait3A_242 = tpu.memref_squeeze %dma_wait3A_241 : memref<1x1x128xi32, #tpu.memory_space<vmem>> -> memref<128xi32, #tpu.memory_space<vmem>>
      %dma_wait3A_243 = arith.constant 0 : i32
      %dma_wait3A_244 = tpu.memref_slice %arg7[%dma_wait3A_243] : memref<10240xf32, #tpu.memory_space<vmem_shared>> -> memref<10240xf32, #tpu.memory_space<vmem_shared>>
      tpu.wait_indirect_dma semaphore(%arg9 : memref<!tpu.dma_semaphore, #tpu.memory_space<semaphore_mem>>) src(%arg5 : memref<128xf32, #tpu.memory_space<vmem>>) dst(%dma_wait3A_244 : memref<10240xf32, #tpu.memory_space<vmem_shared>>)
      %dma_wait3A_245 = arith.constant 14 : i32
      %dma_wait3A_246 = arith.constant 0 : i32
      %dma_wait3A_247 = tpu.memref_slice %arg4[%rem3A_58, %dma_wait3A_245, %dma_wait3A_246] : memref<2x16x128xi32, #tpu.memory_space<vmem>> -> memref<1x1x128xi32, #tpu.memory_space<vmem>>
      %dma_wait3A_248 = tpu.memref_squeeze %dma_wait3A_247 : memref<1x1x128xi32, #tpu.memory_space<vmem>> -> memref<128xi32, #tpu.memory_space<vmem>>
      %dma_wait3A_249 = arith.constant 0 : i32
      %dma_wait3A_250 = tpu.memref_slice %arg7[%dma_wait3A_249] : memref<10240xf32, #tpu.memory_space<vmem_shared>> -> memref<10240xf32, #tpu.memory_space<vmem_shared>>
      tpu.wait_indirect_dma semaphore(%arg9 : memref<!tpu.dma_semaphore, #tpu.memory_space<semaphore_mem>>) src(%arg5 : memref<128xf32, #tpu.memory_space<vmem>>) dst(%dma_wait3A_250 : memref<10240xf32, #tpu.memory_space<vmem_shared>>)
      %dma_wait3A_251 = arith.constant 15 : i32
      %dma_wait3A_252 = arith.constant 0 : i32
      %dma_wait3A_253 = tpu.memref_slice %arg4[%rem3A_58, %dma_wait3A_251, %dma_wait3A_252] : memref<2x16x128xi32, #tpu.memory_space<vmem>> -> memref<1x1x128xi32, #tpu.memory_space<vmem>>
      %dma_wait3A_254 = tpu.memref_squeeze %dma_wait3A_253 : memref<1x1x128xi32, #tpu.memory_space<vmem>> -> memref<128xi32, #tpu.memory_space<vmem>>
      %dma_wait3A_255 = arith.constant 0 : i32
      %dma_wait3A_256 = tpu.memref_slice %arg7[%dma_wait3A_255] : memref<10240xf32, #tpu.memory_space<vmem_shared>> -> memref<10240xf32, #tpu.memory_space<vmem_shared>>
      tpu.wait_indirect_dma semaphore(%arg9 : memref<!tpu.dma_semaphore, #tpu.memory_space<semaphore_mem>>) src(%arg5 : memref<128xf32, #tpu.memory_space<vmem>>) dst(%dma_wait3A_256 : memref<10240xf32, #tpu.memory_space<vmem_shared>>)
      %scan3A_257 = arith.constant 0 : i32
      scf.yield %scan3A_257 : i32
    }
    %scan3A_50 = arith.constant 5 : i32
    %barrier3A_51 = arith.constant 0 : index
    tpu.barrier barrier_id(%barrier3A_51)
    %mul3A_52 = arith.constant 640 : i32
    %mul3A_53 = arith.muli %mul3A_52, %arg1 : i32
    %mul3A_54 = arith.constant 640 : i32
    %mul3A_55 = arith.muli %mul3A_54, %arg1 : i32
    "tpu.region"() ({
      %run_scoped3A_56 = tpu.sem_alloc : memref<!tpu.dma_semaphore, #tpu.memory_space<semaphore_mem>>
      %dma_start3A = tpu.memref_slice %arg3[%arg0, %mul3A_55] : memref<2x10240xf32, #tpu.memory_space<hbm>> -> memref<1x640xf32, #tpu.memory_space<hbm>>
      %dma_start3A_57 = tpu.memref_squeeze %dma_start3A : memref<1x640xf32, #tpu.memory_space<hbm>> -> memref<640xf32, #tpu.memory_space<hbm>>
      %dma_start3A_58 = tpu.memref_slice %arg7[%mul3A_53] : memref<10240xf32, #tpu.memory_space<vmem_shared>> -> memref<640xf32, #tpu.memory_space<vmem_shared>>
      tpu.enqueue_dma source(%dma_start3A_58 : memref<640xf32, #tpu.memory_space<vmem_shared>>) target(%dma_start3A_57 : memref<640xf32, #tpu.memory_space<hbm>>) target_semaphore(%run_scoped3A_56 : memref<!tpu.dma_semaphore, #tpu.memory_space<semaphore_mem>>)
      %dma_wait3A = tpu.memref_slice %arg3[%arg0, %mul3A_55] : memref<2x10240xf32, #tpu.memory_space<hbm>> -> memref<1x640xf32, #tpu.memory_space<hbm>>
      %dma_wait3A_59 = tpu.memref_squeeze %dma_wait3A : memref<1x640xf32, #tpu.memory_space<hbm>> -> memref<640xf32, #tpu.memory_space<hbm>>
      %dma_wait3A_60 = tpu.memref_slice %arg7[%mul3A_53] : memref<10240xf32, #tpu.memory_space<vmem_shared>> -> memref<640xf32, #tpu.memory_space<vmem_shared>>
      tpu.wait_dma2 semaphore(%run_scoped3A_56 : memref<!tpu.dma_semaphore, #tpu.memory_space<semaphore_mem>>) src(%dma_wait3A_60 : memref<640xf32, #tpu.memory_space<vmem_shared>>) dst(%dma_wait3A_59 : memref<640xf32, #tpu.memory_space<hbm>>)
      tpu.yield
    }) : () -> ()
    return
  }
}

module attributes {stable_mosaic.version = 14 : i64} {
  func.func @_scale_body(%arg0: i32, %arg1: memref<2x10240xf32, #tpu.memory_space<vmem>>, %arg2: memref<512x128xf32, #tpu.memory_space<vmem>>, %arg3: memref<512x128xf32, #tpu.memory_space<vmem>>) attributes {dimension_semantics = [#tpu.dimension_semantics<arbitrary>], iteration_bounds = array<i64: 20>, scalar_prefetch = 0 : i64, scratch_operands = 0 : i64, tpu.core_type = #tpu.core_type<tc>, window_params = [{pipeline_mode = #tpu.pipeline_mode<synchronous>, transform_indices = @transform_0, window_bounds = array<i64: 2, 10240>}, {transform_indices = @transform_1, window_bounds = array<i64: 512, 128>}, {transform_indices = @transform_2, window_bounds = array<i64: 512, 128>}]} {
    %mul3A = arith.constant 512 : i32
    %mul3A_0 = arith.muli %arg0, %mul3A : i32
    %get3A = arith.constant 0 : index
    %get3A_1 = arith.index_cast %mul3A_0 : i32 to index
    %get3A_2 = vector.load %arg1[%get3A, %get3A_1] : memref<2x10240xf32, #tpu.memory_space<vmem>>, vector<2x512xf32>
    %slice3A = vector.extract_strided_slice %get3A_2 {offsets = [0, 0], sizes = [1, 512], strides = [1, 1]} : vector<2x512xf32> to vector<1x512xf32>
    %squeeze3A = vector.shape_cast %slice3A : vector<1x512xf32> to vector<512xf32>
    %slice3A_3 = vector.extract_strided_slice %get3A_2 {offsets = [1, 0], sizes = [1, 512], strides = [1, 1]} : vector<2x512xf32> to vector<1x512xf32>
    %squeeze3A_4 = vector.shape_cast %slice3A_3 : vector<1x512xf32> to vector<512xf32>
    %add3A = arith.addf %squeeze3A, %squeeze3A_4 : vector<512xf32>
    %add3A_5 = arith.constant 1.000000e+00 : f32
    %add3A_6 = vector.broadcast %add3A_5 : f32 to vector<512xf32>
    %add3A_7 = arith.addf %add3A, %add3A_6 : vector<512xf32>
    %rsqrt3A = math.rsqrt %add3A_7 : vector<512xf32>
    %get3A_8 = arith.constant 0 : index
    %get3A_9 = arith.constant 0 : index
    %get3A_10 = vector.load %arg2[%get3A_8, %get3A_9] : memref<512x128xf32, #tpu.memory_space<vmem>>, vector<512x128xf32>
    %broadcast_in_dim3A = vector.shape_cast %rsqrt3A : vector<512xf32> to vector<512x1xf32>
    %mul3A_11 = vector.broadcast %broadcast_in_dim3A : vector<512x1xf32> to vector<512x128xf32>
    %mul3A_12 = arith.mulf %get3A_10, %mul3A_11 : vector<512x128xf32>
    %swap3A = arith.constant 0 : index
    %swap3A_13 = arith.constant 0 : index
    %swap3A_14 = vector.load %arg3[%swap3A, %swap3A_13] : memref<512x128xf32, #tpu.memory_space<vmem>>, vector<512x128xf32>
    tpu.vector_store %arg3[%swap3A, %swap3A_13], %mul3A_12 {strides = array<i32>} : memref<512x128xf32, #tpu.memory_space<vmem>>, vector<512x128xf32>,
    return
  }
  func.func @transform_0(%arg0: i32) -> (i32, i32) {
    %c0_i32 = arith.constant 0 : i32
    %c0_i32_0 = arith.constant 0 : i32
    %c0_i32_1 = arith.constant 0 : i32
    return %c0_i32, %c0_i32_0 : i32, i32
  }
  func.func @transform_1(%arg0: i32) -> (i32, i32) {
    %c0_i32 = arith.constant 0 : i32
    %c0_i32_0 = arith.constant 0 : i32
    return %arg0, %c0_i32 : i32, i32
  }
  func.func @transform_2(%arg0: i32) -> (i32, i32) {
    %c0_i32 = arith.constant 0 : i32
    %c0_i32_0 = arith.constant 0 : i32
    return %arg0, %c0_i32 : i32, i32
  }
}

module attributes {stable_mosaic.version = 14 : i64} {
  func.func @_epilogue_body(%arg0: i32, %arg1: memref<2x10240xf32, #tpu.memory_space<vmem>>, %arg2: memref<2x512x128xf32, #tpu.memory_space<vmem>>, %arg3: memref<512x128xf32, #tpu.memory_space<vmem>>, %arg4: memref<128x128xf32, #tpu.memory_space<vmem>>, %arg5: memref<1x128xf32, #tpu.memory_space<vmem>>, %arg6: memref<512x128xf32, #tpu.memory_space<vmem>>) attributes {dimension_semantics = [#tpu.dimension_semantics<arbitrary>], iteration_bounds = array<i64: 20>, scalar_prefetch = 0 : i64, scratch_operands = 0 : i64, tpu.core_type = #tpu.core_type<tc>, window_params = [{pipeline_mode = #tpu.pipeline_mode<synchronous>, transform_indices = @transform_0, window_bounds = array<i64: 2, 10240>}, {transform_indices = @transform_1, window_bounds = array<i64: 2, 512, 128>}, {transform_indices = @transform_2, window_bounds = array<i64: 512, 128>}, {pipeline_mode = #tpu.pipeline_mode<synchronous>, transform_indices = @transform_3, window_bounds = array<i64: 128, 128>}, {pipeline_mode = #tpu.pipeline_mode<synchronous>, transform_indices = @transform_4, window_bounds = array<i64: 1, 128>}, {transform_indices = @transform_5, window_bounds = array<i64: 512, 128>}]} {
    %mul3A = arith.constant 512 : i32
    %mul3A_0 = arith.muli %arg0, %mul3A : i32
    %get3A = arith.constant 0 : index
    %get3A_1 = arith.index_cast %mul3A_0 : i32 to index
    %get3A_2 = vector.load %arg1[%get3A, %get3A_1] : memref<2x10240xf32, #tpu.memory_space<vmem>>, vector<2x512xf32>
    %slice3A = vector.extract_strided_slice %get3A_2 {offsets = [0, 0], sizes = [1, 512], strides = [1, 1]} : vector<2x512xf32> to vector<1x512xf32>
    %squeeze3A = vector.shape_cast %slice3A : vector<1x512xf32> to vector<512xf32>
    %slice3A_3 = vector.extract_strided_slice %get3A_2 {offsets = [1, 0], sizes = [1, 512], strides = [1, 1]} : vector<2x512xf32> to vector<1x512xf32>
    %squeeze3A_4 = vector.shape_cast %slice3A_3 : vector<1x512xf32> to vector<512xf32>
    %add3A = arith.addf %squeeze3A, %squeeze3A_4 : vector<512xf32>
    %add3A_5 = arith.constant 1.000000e+00 : f32
    %add3A_6 = vector.broadcast %add3A_5 : f32 to vector<512xf32>
    %add3A_7 = arith.addf %add3A, %add3A_6 : vector<512xf32>
    %rsqrt3A = math.rsqrt %add3A_7 : vector<512xf32>
    %get3A_8 = arith.constant 0 : index
    %get3A_9 = arith.constant 0 : index
    %get3A_10 = arith.constant 0 : index
    %get3A_11 = vector.load %arg2[%get3A_8, %get3A_9, %get3A_10] : memref<2x512x128xf32, #tpu.memory_space<vmem>>, vector<1x512x128xf32>
    %get3A_12 = vector.shape_cast %get3A_11 : vector<1x512x128xf32> to vector<512x128xf32>
    %get3A_13 = arith.constant 1 : index
    %get3A_14 = arith.constant 0 : index
    %get3A_15 = arith.constant 0 : index
    %get3A_16 = vector.load %arg2[%get3A_13, %get3A_14, %get3A_15] : memref<2x512x128xf32, #tpu.memory_space<vmem>>, vector<1x512x128xf32>
    %get3A_17 = vector.shape_cast %get3A_16 : vector<1x512x128xf32> to vector<512x128xf32>
    %add3A_18 = arith.addf %get3A_12, %get3A_17 : vector<512x128xf32>
    %get3A_19 = arith.constant 0 : index
    %get3A_20 = arith.constant 0 : index
    %get3A_21 = vector.load %arg3[%get3A_19, %get3A_20] : memref<512x128xf32, #tpu.memory_space<vmem>>, vector<512x128xf32>
    %add3A_22 = arith.addf %add3A_18, %get3A_21 : vector<512x128xf32>
    %broadcast_in_dim3A = vector.shape_cast %rsqrt3A : vector<512xf32> to vector<512x1xf32>
    %mul3A_23 = vector.broadcast %broadcast_in_dim3A : vector<512x1xf32> to vector<512x128xf32>
    %mul3A_24 = arith.mulf %add3A_22, %mul3A_23 : vector<512x128xf32>
    %get3A_25 = arith.constant 0 : index
    %get3A_26 = arith.constant 0 : index
    %get3A_27 = vector.load %arg4[%get3A_25, %get3A_26] : memref<128x128xf32, #tpu.memory_space<vmem>>, vector<128x128xf32>
    %dot_general3A = arith.constant dense<0.000000e+00> : vector<512x128xf32>
    %dot_general3A_28 = tpu.matmul %mul3A_24, %get3A_27, %dot_general3A {dimension_numbers = #tpu.dot_dimension_numbers<[1], [0], [0], [1], [0, 0, 1, 1], [], []>, transpose_lhs_hint = false} : vector<512x128xf32>, vector<128x128xf32>, vector<512x128xf32> -> vector<512x128xf32>
    %get3A_29 = arith.constant 0 : index
    %get3A_30 = arith.constant 0 : index
    %get3A_31 = vector.load %arg5[%get3A_29, %get3A_30] : memref<1x128xf32, #tpu.memory_space<vmem>>, vector<1x128xf32>
    %add3A_32 = vector.broadcast %get3A_31 : vector<1x128xf32> to vector<512x128xf32>
    %add3A_33 = arith.addf %dot_general3A_28, %add3A_32 : vector<512x128xf32>
    %swap3A = arith.constant 0 : index
    %swap3A_34 = arith.constant 0 : index
    %swap3A_35 = vector.load %arg6[%swap3A, %swap3A_34] : memref<512x128xf32, #tpu.memory_space<vmem>>, vector<512x128xf32>
    tpu.vector_store %arg6[%swap3A, %swap3A_34], %add3A_33 {strides = array<i32>} : memref<512x128xf32, #tpu.memory_space<vmem>>, vector<512x128xf32>,
    return
  }
  func.func @transform_0(%arg0: i32) -> (i32, i32) {
    %c0_i32 = arith.constant 0 : i32
    %c0_i32_0 = arith.constant 0 : i32
    %c0_i32_1 = arith.constant 0 : i32
    return %c0_i32, %c0_i32_0 : i32, i32
  }
  func.func @transform_1(%arg0: i32) -> (i32, i32, i32) {
    %c0_i32 = arith.constant 0 : i32
    %c0_i32_0 = arith.constant 0 : i32
    %c0_i32_1 = arith.constant 0 : i32
    return %c0_i32, %arg0, %c0_i32_0 : i32, i32, i32
  }
  func.func @transform_2(%arg0: i32) -> (i32, i32) {
    %c0_i32 = arith.constant 0 : i32
    %c0_i32_0 = arith.constant 0 : i32
    return %arg0, %c0_i32 : i32, i32
  }
  func.func @transform_3(%arg0: i32) -> (i32, i32) {
    %c0_i32 = arith.constant 0 : i32
    %c0_i32_0 = arith.constant 0 : i32
    %c0_i32_1 = arith.constant 0 : i32
    return %c0_i32, %c0_i32_0 : i32, i32
  }
  func.func @transform_4(%arg0: i32) -> (i32, i32) {
    %c0_i32 = arith.constant 0 : i32
    %c0_i32_0 = arith.constant 0 : i32
    %c0_i32_1 = arith.constant 0 : i32
    return %c0_i32, %c0_i32_0 : i32, i32
  }
  func.func @transform_5(%arg0: i32) -> (i32, i32) {
    %c0_i32 = arith.constant 0 : i32
    %c0_i32_0 = arith.constant 0 : i32
    return %arg0, %c0_i32 : i32, i32
  }
}

</mosaic_0001>

<sc_bundles>
// kernel: kernel.6.cloned.1.call-start
scs
__scs_entry_jumppad:
0x0: {  	(pc) =	sbr.rel $0x88, $3  }
0x1: {  	(tag) =	ssettag $0x0;
	lr =	simm.s32 $0x1  }
0x2: {  	[smem:$0x3F9D] =	sst lr;
	_ =	strace $0xD0000000  }
0x3: {  	_ = 	snop  }
0x4: {  	_ = 	snop  }
0x5: {  	_ = 	snop  }
0x6: {  	_ = 	snop  }
0x7: {  	_ = 	snop  }
__scs_overlays_trampoline_lowered:
0x8: {  	[smem:$0x3FAC] =	sst s0  }
0x9: {  	[smem:$0x3FAD] =	sst s1  }
0xa: {  	[smem:$0x3FAE] =	sst s2  }
0xb: {  	[smem:$0x3FAF] =	sst s3  }
0xc: {  	[smem:$0x3FB0] =	sst s4  }
0xd: {  	[smem:$0x3FB1] =	sst s5  }
0xe: {  	[smem:$0x3FB2] =	sst s6  }
0xf: {  	[smem:$0x3FB3] =	sst s7  }
0x10: {  	[smem:$0x3FB4] =	sst s8  }
0x11: {  	[smem:$0x3FB5] =	sst s9;
	s0 =	simm.s32 @!p0 $0x0  }
0x12: {  	s1 =	sld [smem:$0x3F9B];
	s0 =	simm.s32 @p0 $0x1  }
0x13: {  	[smem:$0x3FB6] =	sst s0;
	s0 =	simm.s32 @!p1 $0x0  }
0x14: {  	s2 =	sld [smem:$0x3F9A];
	s0 =	simm.s32 @p1 $0x1  }
0x15: {  	[smem:$0x3FB7] =	sst s0;
	s0 =	simm.s32 @!p2 $0x0  }
0x16: {  	s3 =	sld [smem:$0x3FDB];
	s0 =	simm.s32 @p2 $0x1  }
0x17: {  	s4 =	simm.s32 $0x1BF5;
	[smem:$0x3FB9] =	sst s0  }
0x18: {  	s0 =	sld [smem:$0x3F9C];
	_ =	swait.ge [sflag:s4], $0x0  }
0x19: {  	s7 =	sld [smem:$0x3F9D]  }
0x1a: {  	s8 =	sadd.s32 $0xFFFFE003, lr  }
0x1b: {  	s9 =	sadd.s32 $0xFFFFFEF7, lr;
	s5 =	simm.s32 $0xFFFFFFFF;
	p2 =	slt.u32 s8, $0xFFFFF086  }
0x1c: {  	p1 =	slt.u32 s9, $0xF7A;
	s5 =	simm.s32 @!p2 $0x0  }
0x1d: {  	s5 =	simm.s32 @p1 $0x1;
	p0 =	seq.s32 s7, s2  }
0x1e: {  	s7 =	smul.u32 @!p0 $0xF7A, s2;
	p2 =	seq.s32 @!p0 s5, $0x0  }
0x1f: {  	s9 =	smul.u32 $0xF7A, s1;
	s8 =	simm.s32 @!p0 $0x1BF5;
	p2 =	por !p2, p0  }
0x20: {  	[sflag:s8] =	ssyncset.s32 @!p0 $0xFFFFF086;
	s6 =	sadd.s32 @!p0 s3, s7;
	s7 =	simm.s32 @!p0 $0x108  }
0x21: {  	s3 =	sadd.s32 s3, s9;
	s6 =	sadd.s32 @!p0 $0x88, s6;
	s7 =	simm.s32 @p2 $0x1082  }
0x22: {  	[simem:s7], [sflag:s8] =	dma.local @!p0 [hbm:s6], $0xF7A  }
0x23: {  	s9 =	sor.u32 $0xD0000000, s2;
	s6 =	simm.s32 $0x108;
	_ =	swait.ge @!p0 [sflag:s8], $0x0  }
0x24: {  	s3 =	sadd.s32 $0x88, s3;
	s6 =	simm.s32 @!p1 $0x1082;
	[sflag:s4] =	ssyncset.s32 $0xFFFFF086  }
0x25: {  	[simem:s6], [sflag:s4] =	dma.local [hbm:s3], $0xF7A  }
0x26: {  	[smem:$0x3F9D] =	sst s1;
	(tag) =	ssettag s2;
	_ =	strace s9  }
0x27: {  	s1 =	sld [smem:$0x3FAD]  }
0x28: {  	s2 =	sld [smem:$0x3FAE]  }
0x29: {  	s4 =	sld [smem:$0x3FB0]  }
0x2a: {  	p0 =	seq.s32 s5, $0x0;
	s5 =	sld [smem:$0x3FB1]  }
0x2b: {  	s6 =	sld [smem:$0x3FB2]  }
0x2c: {  	s7 =	sld [smem:$0x3FB3]  }
0x2d: {  	s3 =	simm.s32 $0x108;
	s8 =	sld [smem:$0x3FB4]  }
0x2e: {  	s3 =	simm.s32 @!p0 $0x1082;
	s9 =	sld [smem:$0x3FB5]  }
0x2f: {  	lr =	sadd.s32 s0, s3;
	s0 =	sld [smem:$0x3FAC]  }
0x30: {  	s3 =	sld [smem:$0x3FAF]  }
0x31: {  	[smem:$0x3FB8] =	sst s10  }
0x32: {  	s10 =	sld [smem:$0x3FB6];
	_ =	sdelay $0x3  }
0x33: {  	p0 =	seq.s32 s10, $0x1;
	s10 =	sld [smem:$0x3FB8];
	_ =	sdelay $0x3  }
0x34: {  	[smem:$0x3FB8] =	sst s10  }
0x35: {  	s10 =	sld [smem:$0x3FB7];
	_ =	sdelay $0x3  }
0x36: {  	p1 =	seq.s32 s10, $0x1;
	s10 =	sld [smem:$0x3FB8];
	_ =	sdelay $0x3  }
0x37: {  	[smem:$0x3FB8] =	sst s10  }
0x38: {  	s10 =	sld [smem:$0x3FB9]  }
0x39: {  	_ = 	snop;
	(pc) =	sbr.ind lr, $3  }
0x3a: {  	_ = 	snop  }
0x3b: {  	_ = 	snop  }
0x3c: {  	p2 =	seq.s32 s10, $0x1;
	s10 =	sld [smem:$0x3FB8]  }
0x3d: {  	_ =	shalt  }
0x3e: {  	_ =	shalt  }
0x3f: {  	_ =	shalt  }
0x40: {  	_ =	shalt  }
0x41: {  	_ =	shalt  }
0x42: {  	_ =	shalt  }
0x43: {  	_ =	shalt  }
0x44: {  	_ =	shalt  }
0x45: {  	_ =	shalt  }
0x46: {  	_ =	shalt  }
0x47: {  	_ =	shalt  }
0x48: {  	_ =	shalt  }
0x49: {  	_ =	shalt  }
0x4a: {  	_ =	shalt  }
0x4b: {  	_ =	shalt  }
0x4c: {  	_ =	shalt  }
0x4d: {  	_ =	shalt  }
0x4e: {  	_ =	shalt  }
0x4f: {  	_ =	shalt  }
0x50: {  	_ =	shalt  }
0x51: {  	_ =	shalt  }
0x52: {  	_ =	shalt  }
0x53: {  	_ =	shalt  }
0x54: {  	_ =	shalt  }
0x55: {  	_ =	shalt  }
0x56: {  	_ =	shalt  }
0x57: {  	_ =	shalt  }
0x58: {  	_ =	shalt  }
0x59: {  	_ =	shalt  }
0x5a: {  	_ =	shalt  }
0x5b: {  	_ =	shalt  }
0x5c: {  	_ =	shalt  }
0x5d: {  	_ =	shalt  }
0x5e: {  	_ =	shalt  }
0x5f: {  	_ =	shalt  }
0x60: {  	_ =	shalt  }
0x61: {  	_ =	shalt  }
0x62: {  	_ =	shalt  }
0x63: {  	_ =	shalt  }
0x64: {  	_ =	shalt  }
0x65: {  	_ =	shalt  }
0x66: {  	_ =	shalt  }
0x67: {  	_ =	shalt  }
0x68: {  	_ =	shalt  }
0x69: {  	_ =	shalt  }
0x6a: {  	_ =	shalt  }
0x6b: {  	_ =	shalt  }
0x6c: {  	_ =	shalt  }
0x6d: {  	_ =	shalt  }
0x6e: {  	_ =	shalt  }
0x6f: {  	_ =	shalt  }
0x70: {  	_ =	shalt  }
0x71: {  	_ =	shalt  }
0x72: {  	_ =	shalt  }
0x73: {  	_ =	shalt  }
0x74: {  	_ =	shalt  }
0x75: {  	_ =	shalt  }
0x76: {  	_ =	shalt  }
0x77: {  	_ =	shalt  }
0x78: {  	_ =	shalt  }
0x79: {  	_ =	shalt  }
0x7a: {  	_ =	shalt  }
0x7b: {  	_ =	shalt  }
0x7c: {  	_ =	shalt  }
0x7d: {  	_ =	shalt  }
0x7e: {  	_ =	shalt  }
0x7f: {  	_ =	shalt  }
0x80: {  	_ =	shalt  }
0x81: {  	_ =	shalt  }
0x82: {  	_ =	shalt  }
0x83: {  	_ =	shalt  }
0x84: {  	_ =	shalt  }
0x85: {  	_ =	shalt  }
0x86: {  	_ =	shalt  }
0x87: {  	_ =	shalt  }
.Lfunc_end0:
.L_simem_size_0:
called_computation_lowered:
.L_overlay_start_0:
0x88: {  	s2 =	sld [smem:$0x3FD9]  }
0x89: {  	s3 =	sld [smem:$0x3FFE];
	_ =	sdelay $0x1  }
0x8a: {  	s1 =	srdreg.scid  }
0x8b: {  	s0 =	sand.u32 $0x1, s1  }
0x8c: {  	s17 =	sshll.u32 s0, $0xA;
	s2 =	sadd.s32 s3, s2  }
0x8d: {  	s2 =	sadd.s32 s2, s17  }
0x8e: {  	[smem:$0x3FC4] =	sst s2  }
0x8f: {  	_ = 	snop  }
0x90: {  	s2 =	sld [smem:$0x3FD0];
	(tm) =	ssettm $0x1  }
0x91: {  	s18 =	sld [smem:$0x3FFB];
	_ =	sdelay $0x3  }
0x92: {  	_ =	strace s18  }
0x93: {  	s3 =	sld [smem:$0x3FFC];
	_ =	sdelay $0x3  }
0x94: {  	_ =	strace s3  }
0x95: {  	s3 =	sld [smem:$0x3FFD];
	_ =	sdelay $0x3  }
0x96: {  	_ =	strace s3  }
0x97: {  	_ =	strace $0x8FFFFFFF  }
0x98: {  	s19 =	sld [smem:$0x3FDB];
	_ =	sdelay $0x1  }
0x99: {  	s4 =	simm.s32 $_scs_section_size  }
0x9a: {  	s5 =	simm.s32 $_size__tile_overlayer_lowered;
	s6 =	simm.s32 $_tile_overlayer_lowered  }
0x9b: {  	s22 =	simm.s32 $0x1BFF;
	s21 =	sshll.u32 s6, $0x1;
	s3 =	sadd.s32 s4, s19  }
0x9c: {  	s7 =	simm.s32 $0x0;
	s20 =	sshll.u32 s5, $0x1;
	s5 =	sadd.s32 s21, s3  }
0x9d: {  	[timem:s7], [sflag:s22] =	dma.local [hbm:s5], s20  }
0x9e: {  	_ =	swait.ge [sflag:s22], s20  }
0x9f: {  	s4 =	ssub.s32 $0x0, s20;
	[sflag:s22] =	ssyncset.done $0x0  }
0xa0: {  	[sflag:s22] =	ssyncadd.s32 s4;
	_ =	sdelay $0x1  }
0xa1: {  	s23 =	simm.s32 $0x1B8B  }
0xa2: {  	_ =	swait.ge [sflag:s23], $0x1  }
0xa3: {  	[sflag:s23] =	ssyncset.done $0x0  }
0xa4: {  	s25 =	simm.s32 $0x1B8E;
	s24 =	sld [smem:$0x3FFE];
	[sflag:s23] =	ssyncadd.s32 $0xFFFFFFFF  }
0xa5: {  	s26 =	simm.s32 $execute0_lowered;
	[smem:$0x3FD2] =	sst s25  }
0xa6: {  	s5 =	sshll.u32 s26, $0x1;
	_ =	strace $0x80000046;
	[dreg:$0x1] =	wrdreg $0xFFFFFFFF  }
0xa7: {  	s28 =	simm.s32 $_size_execute0_lowered;
	s3 =	sadd.s32 s3, s5;
	[dreg:$0x0] =	wrdreg $0x0  }
0xa8: {  	s5 =	sshll.u32 s28, $0x1;
	[dreg:$0x2] =	wrdreg s3  }
0xa9: {  	[dreg:$0x3] =	wrdreg s5  }
0xaa: {  	[dreg:$0x4] =	wrdreg $0xC0  }
0xab: {  	_ =	task [dreg:s7], $0x5FFFF  }
0xac: {  	[dreg:$0x1] =	wrdreg $0xFFFFFFFF  }
0xad: {  	[dreg:$0x0] =	wrdreg $0x60  }
0xae: {  	[dreg:$0x2] =	wrdreg s2  }
0xaf: {  	[dreg:$0x3] =	wrdreg s24  }
0xb0: {  	[dreg:$0x4] =	wrdreg $0x13000  }
0xb1: {  	[dreg:$0x5] =	wrdreg $0x9  }
0xb2: {  	_ =	task.clear_ibuf [dreg:s7], $0x6FFFF;
	_ =	strace $0x90000046  }
0xb3: {  	s29 =	simm.s32 $0x9;
	_ =	strace $0x80000048  }
0xb4: {  	_ =	swait.ge [sflag:s29], $0x1  }
0xb5: {  	[sflag:s29] =	ssyncadd.s32 $0xFFFFFFFF  }
0xb6: {  	_ =	strace $0x90000048  }
0xb7: {  	_ =	sfence  }
0xb8: {  	s30 =	sld [smem:$0x0];
	_ =	sdelay $0x2  }
0xb9: {  	s31 =	sshll.u32 s1, $0xD;
	s1 =	sshrl.u32 s1, $0x2  }
0xba: {  	s3 =	sand.u32 $0x4000, s31;
	s1 =	sadd.s32 s1, s30  }
0xbb: {  	s0 =	sor.u32 s3, s0;
	s1 =	sshll.u32 s1, $0x11  }
0xbc: {  	s0 =	sor.u32 s1, s0  }
0xbd: {  	s0 =	sadd.s32 $0x8F2B, s0  }
0xbe: {  	[sflag:s0] =	ssyncadd.remote.s32 $0x1  }
0xbf: {  	_ =	sfence.sel $0xFFFF  }
0xc0: {  	[dreg:$0x0] =	wrdreg $0xFFFFFFFF;
	(pc) =	sbr.abs _section_cstart, $3  }
0xc1: {  	[dreg:$0x1] =	wrdreg $0xFFFFFFFF  }
0xc2: {  	_ =	task.clear_ibuf [dreg:s7], $0x2FFFF;
	_ =	strace $0x9FFFFFFF  }
0xc3: {  	(tm) =	ssettm $0x7FFFFFFF  }
tec
execute0_lowered:
.L_overlay_start_1:
0x0: {  	(tag) =	ssettag $0x1  }
0x1: {  	s1 =	rddreg [dreg:$0x0]  }
0x2: {  	s6 =	rddreg [dreg:$0x1]  }
0x3: {  	s3 =	rddreg [dreg:$0x2]  }
0x4: {  	s0 =	rddreg [dreg:$0x3];
	s4 =	simm.s32 $0x0  }
0x5: {  	s5 =	srdreg.scid;
	s2 =	stileid.u32;
	s11 =	simm.s32 $0x3  }
0x6: {  	s12 =	simm.s32 $0x1;
	s13 =	simm.s32 $0x80;
	s14 =	simm.s32 $0x1000  }
0x7: {  	s15 =	simm.s32 $0x2;
	s18 =	simm.s32 $0x20;
	s19 =	simm.s32 $0x10  }
0x8: {  	s20 =	simm.s32 $0x0;
	[smem:$0x7FF] =	sst s4;
	s7 =	smul.u32 $0x500, s2  }
0x9: {  	s5 =	sand.u32 $0x1, s5;
	s25 =	smul.u32 $0xA00, s2;
	s16 =	sshll.u32 s2, $0x6  }
0xa: {  	_ =	strace $0x80000047;
	s8 =	sshll.u32 s5, $0x7;
	s9 =	sshll.u32 s5, $0x4  }
0xb: {  	s10 =	ssub.s32 $0x2, s5;
	s16 =	sor.u32 $0x1C03, s16;
	s7 =	sor.u32 s8, s7  }
.Ltmp0:
0xc: {  	s24 =	sor.u32 s2, s9;
	s28 =	sshrl.u32 s10, $0x1;
	(pc) =	sbr.rel .LBB2_1-.Ltmp0, $4  }
0xd: {  	s29 =	sshrl.u32 s25, $0x2;
	s7 =	sshrl.u32 s7, $0x3;
	s5 =	smul.u32 $0x2800, s24  }
0xe: {  	s30 =	ssub.s32 s10, s28;
	s10 =	simm.s32 $0x1080;
	s26 =	sadd.s32 s7, s6  }
0xf: {  	s6 =	sadd.s32 s29, s3;
	s9 =	smax.u32 s30, $0x1;
	s31 =	sshrl.u32 s5, $0x3  }
0x10: {  	v0 =	vimm.f32 $1.000000000e+00;
	v1 =	vimm.f32 $0.0e+00;
	s8 =	sadd.s32 $0x1600, s26;
	s17 =	sshrl.u32 s6, $0x3;
	s7 =	sadd.s32 s1, s31  }
.LBB2_5:
0x11: {  	s20 =	sadd.s32 $0x1, s20  }
0x12: {  	p0 =	sne.s32 s20, s9  }
.Ltmp1:
0x13: {  	[bflag:$0x0] =	sbarrier.arrive $0xFFFF;
	(pc) =	sbr.rel @!p0 .LBB2_6-.Ltmp1, $4  }
0x14: {  	[hbm:s8@s18], [sflag:s16] =	dma.strided [spmem:s17@s19], $0x50, s12, $0x10   }
0x15: {  	_ =	swait.ge [sflag:s11], $0x50  }
0x16: {  	[sflag:s11] =	ssyncset.done $0x0  }
0x17: {  	[sflag:s11] =	ssyncadd.s32 $0xFFFFFFB0  }
.LBB2_1:
0x18: {  	[tilespmem:$0x1000] =	vst v0  }
0x19: {  	[tilespmem:$0x1010] =	vst v0  }
0x1a: {  	[tilespmem:$0x1020] =	vst v0  }
0x1b: {  	[tilespmem:$0x1030] =	vst v0  }
0x1c: {  	[tilespmem:$0x1040] =	vst v0  }
0x1d: {  	[tilespmem:$0x1050] =	vst v0  }
0x1e: {  	[tilespmem:$0x1060] =	vst v0  }
0x1f: {  	[tilespmem:$0x1070] =	vst v0  }
0x20: {  	[tilespmem:$0x1080] =	vst v1  }
0x21: {  	[tilespmem:$0x1090] =	vst v1  }
0x22: {  	[tilespmem:$0x10A0] =	vst v1  }
0x23: {  	[tilespmem:$0x10B0] =	vst v1  }
0x24: {  	[tilespmem:$0x10C0] =	vst v1  }
0x25: {  	[tilespmem:$0x10D0] =	vst v1  }
0x26: {  	[tilespmem:$0x10E0] =	vst v1  }
0x27: {  	[tilespmem:$0x10F0] =	vst v1  }
0x28: {  	[tilespmem:$0x1100] =	vst v1  }
0x29: {  	[tilespmem:$0x1110] =	vst v1  }
0x2a: {  	[tilespmem:$0x1120] =	vst v1  }
0x2b: {  	[tilespmem:$0x1130] =	vst v1  }
0x2c: {  	[tilespmem:$0x1140] =	vst v1  }
0x2d: {  	[tilespmem:$0x1150] =	vst v1  }
0x2e: {  	[tilespmem:$0x1160] =	vst v1  }
0x2f: {  	[tilespmem:$0x1170] =	vst v1  }
0x30: {  	[tilespmem:$0x1180] =	vst v1  }
0x31: {  	[tilespmem:$0x1190] =	vst v1  }
0x32: {  	[tilespmem:$0x11A0] =	vst v1  }
0x33: {  	[tilespmem:$0x11B0] =	vst v1  }
0x34: {  	[tilespmem:$0x11C0] =	vst v1  }
0x35: {  	[tilespmem:$0x11D0] =	vst v1  }
0x36: {  	[tilespmem:$0x11E0] =	vst v1  }
0x37: {  	[tilespmem:$0x11F0] =	vst v1  }
0x38: {  	[tilespmem:$0x1200] =	vst v1  }
0x39: {  	[tilespmem:$0x1210] =	vst v1  }
0x3a: {  	[tilespmem:$0x1220] =	vst v1  }
0x3b: {  	[tilespmem:$0x1230] =	vst v1  }
0x3c: {  	[tilespmem:$0x1240] =	vst v1  }
0x3d: {  	[tilespmem:$0x1250] =	vst v1  }
0x3e: {  	[tilespmem:$0x1260] =	vst v1  }
0x3f: {  	[tilespmem:$0x1270] =	vst v1  }
0x40: {  	[tilespmem:$0x1280] =	vst v1  }
0x41: {  	[tilespmem:$0x1290] =	vst v1  }
0x42: {  	[tilespmem:$0x12A0] =	vst v1  }
0x43: {  	[tilespmem:$0x12B0] =	vst v1  }
0x44: {  	[tilespmem:$0x12C0] =	vst v1  }
0x45: {  	[tilespmem:$0x12D0] =	vst v1  }
0x46: {  	[tilespmem:$0x12E0] =	vst v1  }
0x47: {  	[tilespmem:$0x12F0] =	vst v1  }
0x48: {  	[spmem:s6] =	stream.linear.scatter [tilespmem:s10], [sflag:$0x3], $0x280, $0x38;
	[tilespmem:$0x1580] =	vst v63  }
0x49: {  	_ =	swait.ge [sflag:s11], $0x280  }
0x4a: {  	[sflag:s11] =	ssyncset.done $0x0  }
0x4b: {  	[sflag:s11] =	ssyncadd.s32 $0xFFFFFD80  }
.Ltmp2:
0x4c: {  	[bflag:$0x0] =	sbarrier.arrive $0xFFFF;
	(pc) =	sbr.rel .LBB2_2-.Ltmp2, $4  }
0x4d: {  	[tilespmem:s4], [sflag:$0x3] =	stream.linear.gather [hbm4b:s7+s4], $0x800, $0x38;
	[tilespmem:$0x1580] =	vst v63  }
0x4e: {  	_ =	swait.ge [sflag:s11], $0x800  }
0x4f: {  	[sflag:s11] =	ssyncset.done $0x0  }
0x50: {  	s22 =	simm.s32 $0x0;
	[sflag:s11] =	ssyncadd.s32 $0xFFFFF800  }
.LBB2_4:
0x51: {  	s22 =	sshll.u32 s23, $0xB  }
0x52: {  	[spmem:s3] =	stream.indirect.scatter.add.f32 [tilespmem:s14], [sflag:$0x2], $0x1, s22, s13, $0xb8;
	[tilespmem:$0x1580] =	vst v63  }
0x53: {  	s23 =	sor.u32 $0x80, s22  }
0x54: {  	[spmem:s3] =	stream.indirect.scatter.add.f32 [tilespmem:s14], [sflag:$0x2], $0x1, s23, s13, $0xb8;
	[tilespmem:$0x1580] =	vst v63  }
0x55: {  	s25 =	sor.u32 $0x100, s22  }
0x56: {  	[spmem:s3] =	stream.indirect.scatter.add.f32 [tilespmem:s14], [sflag:$0x2], $0x1, s25, s13, $0xb8;
	[tilespmem:$0x1580] =	vst v63  }
0x57: {  	s26 =	sor.u32 $0x180, s22  }
0x58: {  	[spmem:s3] =	stream.indirect.scatter.add.f32 [tilespmem:s14], [sflag:$0x2], $0x1, s26, s13, $0xb8;
	[tilespmem:$0x1580] =	vst v63  }
0x59: {  	s28 =	sor.u32 $0x200, s22  }
0x5a: {  	[spmem:s3] =	stream.indirect.scatter.add.f32 [tilespmem:s14], [sflag:$0x2], $0x1, s28, s13, $0xb8;
	[tilespmem:$0x1580] =	vst v63  }
0x5b: {  	s29 =	sor.u32 $0x280, s22  }
0x5c: {  	[spmem:s3] =	stream.indirect.scatter.add.f32 [tilespmem:s14], [sflag:$0x2], $0x1, s29, s13, $0xb8;
	[tilespmem:$0x1580] =	vst v63  }
0x5d: {  	s30 =	sor.u32 $0x300, s22  }
0x5e: {  	[spmem:s3] =	stream.indirect.scatter.add.f32 [tilespmem:s14], [sflag:$0x2], $0x1, s30, s13, $0xb8;
	[tilespmem:$0x1580] =	vst v63  }
0x5f: {  	s31 =	sor.u32 $0x380, s22  }
0x60: {  	[spmem:s3] =	stream.indirect.scatter.add.f32 [tilespmem:s14], [sflag:$0x2], $0x1, s31, s13, $0xb8;
	[tilespmem:$0x1580] =	vst v63  }
0x61: {  	s24 =	sor.u32 $0x400, s22  }
0x62: {  	[spmem:s3] =	stream.indirect.scatter.add.f32 [tilespmem:s14], [sflag:$0x2], $0x1, s24, s13, $0xb8;
	[tilespmem:$0x1580] =	vst v63  }
0x63: {  	s25 =	sor.u32 $0x480, s22  }
0x64: {  	[spmem:s3] =	stream.indirect.scatter.add.f32 [tilespmem:s14], [sflag:$0x2], $0x1, s25, s13, $0xb8;
	[tilespmem:$0x1580] =	vst v63  }
0x65: {  	s26 =	sor.u32 $0x500, s22  }
0x66: {  	[spmem:s3] =	stream.indirect.scatter.add.f32 [tilespmem:s14], [sflag:$0x2], $0x1, s26, s13, $0xb8;
	[tilespmem:$0x1580] =	vst v63  }
0x67: {  	s28 =	sor.u32 $0x580, s22  }
0x68: {  	[spmem:s3] =	stream.indirect.scatter.add.f32 [tilespmem:s14], [sflag:$0x2], $0x1, s28, s13, $0xb8;
	[tilespmem:$0x1580] =	vst v63  }
0x69: {  	s29 =	sor.u32 $0x600, s22  }
0x6a: {  	[spmem:s3] =	stream.indirect.scatter.add.f32 [tilespmem:s14], [sflag:$0x2], $0x1, s29, s13, $0xb8;
	[tilespmem:$0x1580] =	vst v63  }
0x6b: {  	s30 =	sor.u32 $0x680, s22  }
0x6c: {  	[spmem:s3] =	stream.indirect.scatter.add.f32 [tilespmem:s14], [sflag:$0x2], $0x1, s30, s13, $0xb8;
	[tilespmem:$0x1580] =	vst v63  }
0x6d: {  	s31 =	sor.u32 $0x700, s22  }
0x6e: {  	[spmem:s3] =	stream.indirect.scatter.add.f32 [tilespmem:s14], [sflag:$0x2], $0x1, s31, s13, $0xb8;
	[tilespmem:$0x1580] =	vst v63  }
0x6f: {  	s22 =	sor.u32 $0x780, s22  }
0x70: {  	[spmem:s3] =	stream.indirect.scatter.add.f32 [tilespmem:s14], [sflag:$0x2], $0x1, s22, s13, $0xb8;
	[tilespmem:$0x1580] =	vst v63  }
0x71: {  	_ =	swait.ge [sflag:s15], $0x80  }
0x72: {  	[sflag:s15] =	ssyncset.done $0x0  }
0x73: {  	[sflag:s15] =	ssyncadd.s32 $0xFFFFFF80  }
0x74: {  	_ =	swait.ge [sflag:s15], $0x80  }
0x75: {  	[sflag:s15] =	ssyncset.done $0x0  }
0x76: {  	[sflag:s15] =	ssyncadd.s32 $0xFFFFFF80  }
0x77: {  	_ =	swait.ge [sflag:s15], $0x80  }
0x78: {  	[sflag:s15] =	ssyncset.done $0x0  }
0x79: {  	[sflag:s15] =	ssyncadd.s32 $0xFFFFFF80  }
0x7a: {  	_ =	swait.ge [sflag:s15], $0x80  }
0x7b: {  	[sflag:s15] =	ssyncset.done $0x0  }
0x7c: {  	[sflag:s15] =	ssyncadd.s32 $0xFFFFFF80  }
0x7d: {  	_ =	swait.ge [sflag:s15], $0x80  }
0x7e: {  	[sflag:s15] =	ssyncset.done $0x0  }
0x7f: {  	[sflag:s15] =	ssyncadd.s32 $0xFFFFFF80  }
0x80: {  	_ =	swait.ge [sflag:s15], $0x80  }
0x81: {  	[sflag:s15] =	ssyncset.done $0x0  }
0x82: {  	[sflag:s15] =	ssyncadd.s32 $0xFFFFFF80  }
0x83: {  	_ =	swait.ge [sflag:s15], $0x80  }
0x84: {  	[sflag:s15] =	ssyncset.done $0x0  }
0x85: {  	[sflag:s15] =	ssyncadd.s32 $0xFFFFFF80  }
0x86: {  	_ =	swait.ge [sflag:s15], $0x80  }
0x87: {  	[sflag:s15] =	ssyncset.done $0x0  }
0x88: {  	[sflag:s15] =	ssyncadd.s32 $0xFFFFFF80  }
0x89: {  	_ =	swait.ge [sflag:s15], $0x80  }
0x8a: {  	[sflag:s15] =	ssyncset.done $0x0  }
0x8b: {  	[sflag:s15] =	ssyncadd.s32 $0xFFFFFF80  }
0x8c: {  	_ =	swait.ge [sflag:s15], $0x80  }
0x8d: {  	[sflag:s15] =	ssyncset.done $0x0  }
0x8e: {  	[sflag:s15] =	ssyncadd.s32 $0xFFFFFF80  }
0x8f: {  	_ =	swait.ge [sflag:s15], $0x80  }
0x90: {  	[sflag:s15] =	ssyncset.done $0x0  }
0x91: {  	[sflag:s15] =	ssyncadd.s32 $0xFFFFFF80  }
0x92: {  	_ =	swait.ge [sflag:s15], $0x80  }
0x93: {  	[sflag:s15] =	ssyncset.done $0x0  }
0x94: {  	[sflag:s15] =	ssyncadd.s32 $0xFFFFFF80  }
0x95: {  	_ =	swait.ge [sflag:s15], $0x80  }
0x96: {  	[sflag:s15] =	ssyncset.done $0x0  }
0x97: {  	[sflag:s15] =	ssyncadd.s32 $0xFFFFFF80  }
0x98: {  	_ =	swait.ge [sflag:s15], $0x80  }
0x99: {  	[sflag:s15] =	ssyncset.done $0x0  }
0x9a: {  	[sflag:s15] =	ssyncadd.s32 $0xFFFFFF80  }
0x9b: {  	p0 =	slt.u32 s21, $0x5;
	_ =	swait.ge [sflag:s15], $0x80  }
.Ltmp3:
0x9c: {  	[sflag:s15] =	ssyncset.done $0x0;
	(pc) =	sbr.rel @!p0 .LBB2_5-.Ltmp3, $4  }
0x9d: {  	[sflag:s15] =	ssyncadd.s32 $0xFFFFFF80  }
0x9e: {  	_ =	swait.ge [sflag:s15], $0x80  }
0x9f: {  	[sflag:s15] =	ssyncset.done $0x0  }
0xa0: {  	s22 =	smov.u32 s21;
	[sflag:s15] =	ssyncadd.s32 $0xFFFFFF80  }
.LBB2_2:
0xa1: {  	p0 =	seq.s32 s22, $0x0  }
0xa2: {  	p1 =	seq.s32 @!p0 s22, $0x4  }
0xa3: {  	p1 =	por p0, !p1  }
.Ltmp4:
0xa4: {  	_ = 	snop;
	(pc) =	sbr.rel @!p1 .LBB2_4-.Ltmp4, $4  }
0xa5: {  	s21 =	simm.s32 @!p0 $0x1  }
0xa6: {  	_ =	swait.ge @!p0 [sflag:s21], $0x800  }
0xa7: {  	[sflag:s21] =	ssyncset.done @!p0 $0x0  }
0xa8: {  	s23 =	sand.u32 $0x1, s22;
	[sflag:s21] =	ssyncadd.s32 @!p0 $0xFFFFF800;
	s21 =	simm.s32 @!p0 $0x5  }
0xa9: {  	s21 =	sadd.s32 @!p0 $0x1, s22  }
0xaa: {  	s21 =	simm.s32 @p0 $0x1  }
.Ltmp5:
0xab: {  	s31 =	sshll.u32 s21, $0xB;
	(pc) =	sbr.rel .LBB2_4-.Ltmp5, $4  }
0xac: {  	s22 =	sadd.s32 s5, s31  }
0xad: {  	s24 =	sshll.u32 s23, $0xB;
	s22 =	sshrl.u32 s22, $0x3  }
0xae: {  	s24 =	sxor.u32 $0x800, s24;
	s22 =	sadd.s32 s1, s22  }
0xaf: {  	[tilespmem:s24], [sflag:$0x1] =	stream.linear.gather [hbm4b:s22+s4], $0x800, $0x38;
	[tilespmem:$0x1580] =	vst v63  }
.LBB2_6:
0xb0: {  	_ =	sfence.sel $0x180000  }
0xb1: {  	[bflag:$0x0] =	sbarrier.arrive $0xFFFF  }
0xb2: {  	p0 =	sne.s32 s2, $0x0;
	_ =	strace $0x90000047  }
0xb3: {  	s0 =	sadd.s32 @!p0 $0x100000, s0;
	[bflag:$0x2] =	sbarrier.arrive $0xFFFF  }
0xb4: {  	[sflag:s0] =	ssyncadd.tile.s32 @!p0 $0x1;
	_ =	shalt  }
.Lfunc_end2:
_tile_overlayer_lowered:
.L_overlay_start_2:
0xb5: {  	(tag) =	ssettag $0x2  }
0xb6: {  	s0 =	rddreg [dreg:$0x0];
	s2 =	stileid.u32  }
0xb7: {  	s1 =	rddreg [dreg:$0x1];
	p0 =	sne.s32 s2, $0x0  }
0xb8: {  	s3 =	rddreg [dreg:$0x2];
	[bflag:$0x3] =	sbarrier.arrive $0xFFFF;
	s2 =	simm.s32 @!p0 $0x1C03  }
0xb9: {  	[timem:s3], [sflag:s2] =	dma.local @!p0 [hbm:s0], s1  }
0xba: {  	s0 =	simm.s32 @!p0 $0x3  }
0xbb: {  	_ =	swait.ge @!p0 [sflag:s0], s1  }
0xbc: {  	s1 =	ssub.s32 @!p0 $0x0, s1;
	[sflag:s0] =	ssyncset.done @!p0 $0x0  }
0xbd: {  	[sflag:s0] =	ssyncadd.s32 @!p0 s1  }
0xbe: {  	[bflag:$0x3] =	sbarrier.arrive $0xFFFF  }
0xbf: {  	_ =	shalt  }

// kernel: kernel.9.cloned.1.call-start
scs
__scs_entry_jumppad:
0x0: {  	(pc) =	sbr.rel $0x88, $3  }
0x1: {  	(tag) =	ssettag $0x0;
	lr =	simm.s32 $0x1  }
0x2: {  	[smem:$0x3F9D] =	sst lr;
	_ =	strace $0xD0000000  }
0x3: {  	_ = 	snop  }
0x4: {  	_ = 	snop  }
0x5: {  	_ = 	snop  }
0x6: {  	_ = 	snop  }
0x7: {  	_ = 	snop  }
__scs_overlays_trampoline_lowered:
0x8: {  	[smem:$0x3FAC] =	sst s0  }
0x9: {  	[smem:$0x3FAD] =	sst s1  }
0xa: {  	[smem:$0x3FAE] =	sst s2  }
0xb: {  	[smem:$0x3FAF] =	sst s3  }
0xc: {  	[smem:$0x3FB0] =	sst s4  }
0xd: {  	[smem:$0x3FB1] =	sst s5  }
0xe: {  	[smem:$0x3FB2] =	sst s6  }
0xf: {  	[smem:$0x3FB3] =	sst s7  }
0x10: {  	[smem:$0x3FB4] =	sst s8  }
0x11: {  	[smem:$0x3FB5] =	sst s9;
	s0 =	simm.s32 @!p0 $0x0  }
0x12: {  	s1 =	sld [smem:$0x3F9B];
	s0 =	simm.s32 @p0 $0x1  }
0x13: {  	[smem:$0x3FB6] =	sst s0;
	s0 =	simm.s32 @!p1 $0x0  }
0x14: {  	s2 =	sld [smem:$0x3F9A];
	s0 =	simm.s32 @p1 $0x1  }
0x15: {  	[smem:$0x3FB7] =	sst s0;
	s0 =	simm.s32 @!p2 $0x0  }
0x16: {  	s3 =	sld [smem:$0x3FDB];
	s0 =	simm.s32 @p2 $0x1  }
0x17: {  	s4 =	simm.s32 $0x1BF5;
	[smem:$0x3FB9] =	sst s0  }
0x18: {  	s0 =	sld [smem:$0x3F9C];
	_ =	swait.ge [sflag:s4], $0x0  }
0x19: {  	s7 =	sld [smem:$0x3F9D]  }
0x1a: {  	s8 =	sadd.s32 $0xFFFFE003, lr  }
0x1b: {  	s9 =	sadd.s32 $0xFFFFFEF7, lr;
	s5 =	simm.s32 $0xFFFFFFFF;
	p2 =	slt.u32 s8, $0xFFFFF086  }
0x1c: {  	p1 =	slt.u32 s9, $0xF7A;
	s5 =	simm.s32 @!p2 $0x0  }
0x1d: {  	s5 =	simm.s32 @p1 $0x1;
	p0 =	seq.s32 s7, s2  }
0x1e: {  	s7 =	smul.u32 @!p0 $0xF7A, s2;
	p2 =	seq.s32 @!p0 s5, $0x0  }
0x1f: {  	s9 =	smul.u32 $0xF7A, s1;
	s8 =	simm.s32 @!p0 $0x1BF5;
	p2 =	por !p2, p0  }
0x20: {  	[sflag:s8] =	ssyncset.s32 @!p0 $0xFFFFF086;
	s6 =	sadd.s32 @!p0 s3, s7;
	s7 =	simm.s32 @!p0 $0x108  }
0x21: {  	s3 =	sadd.s32 s3, s9;
	s6 =	sadd.s32 @!p0 $0x88, s6;
	s7 =	simm.s32 @p2 $0x1082  }
0x22: {  	[simem:s7], [sflag:s8] =	dma.local @!p0 [hbm:s6], $0xF7A  }
0x23: {  	s9 =	sor.u32 $0xD0000000, s2;
	s6 =	simm.s32 $0x108;
	_ =	swait.ge @!p0 [sflag:s8], $0x0  }
0x24: {  	s3 =	sadd.s32 $0x88, s3;
	s6 =	simm.s32 @!p1 $0x1082;
	[sflag:s4] =	ssyncset.s32 $0xFFFFF086  }
0x25: {  	[simem:s6], [sflag:s4] =	dma.local [hbm:s3], $0xF7A  }
0x26: {  	[smem:$0x3F9D] =	sst s1;
	(tag) =	ssettag s2;
	_ =	strace s9  }
0x27: {  	s1 =	sld [smem:$0x3FAD]  }
0x28: {  	s2 =	sld [smem:$0x3FAE]  }
0x29: {  	s4 =	sld [smem:$0x3FB0]  }
0x2a: {  	p0 =	seq.s32 s5, $0x0;
	s5 =	sld [smem:$0x3FB1]  }
0x2b: {  	s6 =	sld [smem:$0x3FB2]  }
0x2c: {  	s7 =	sld [smem:$0x3FB3]  }
0x2d: {  	s3 =	simm.s32 $0x108;
	s8 =	sld [smem:$0x3FB4]  }
0x2e: {  	s3 =	simm.s32 @!p0 $0x1082;
	s9 =	sld [smem:$0x3FB5]  }
0x2f: {  	lr =	sadd.s32 s0, s3;
	s0 =	sld [smem:$0x3FAC]  }
0x30: {  	s3 =	sld [smem:$0x3FAF]  }
0x31: {  	[smem:$0x3FB8] =	sst s10  }
0x32: {  	s10 =	sld [smem:$0x3FB6];
	_ =	sdelay $0x3  }
0x33: {  	p0 =	seq.s32 s10, $0x1;
	s10 =	sld [smem:$0x3FB8];
	_ =	sdelay $0x3  }
0x34: {  	[smem:$0x3FB8] =	sst s10  }
0x35: {  	s10 =	sld [smem:$0x3FB7];
	_ =	sdelay $0x3  }
0x36: {  	p1 =	seq.s32 s10, $0x1;
	s10 =	sld [smem:$0x3FB8];
	_ =	sdelay $0x3  }
0x37: {  	[smem:$0x3FB8] =	sst s10  }
0x38: {  	s10 =	sld [smem:$0x3FB9]  }
0x39: {  	_ = 	snop;
	(pc) =	sbr.ind lr, $3  }
0x3a: {  	_ = 	snop  }
0x3b: {  	_ = 	snop  }
0x3c: {  	p2 =	seq.s32 s10, $0x1;
	s10 =	sld [smem:$0x3FB8]  }
0x3d: {  	_ =	shalt  }
0x3e: {  	_ =	shalt  }
0x3f: {  	_ =	shalt  }
0x40: {  	_ =	shalt  }
0x41: {  	_ =	shalt  }
0x42: {  	_ =	shalt  }
0x43: {  	_ =	shalt  }
0x44: {  	_ =	shalt  }
0x45: {  	_ =	shalt  }
0x46: {  	_ =	shalt  }
0x47: {  	_ =	shalt  }
0x48: {  	_ =	shalt  }
0x49: {  	_ =	shalt  }
0x4a: {  	_ =	shalt  }
0x4b: {  	_ =	shalt  }
0x4c: {  	_ =	shalt  }
0x4d: {  	_ =	shalt  }
0x4e: {  	_ =	shalt  }
0x4f: {  	_ =	shalt  }
0x50: {  	_ =	shalt  }
0x51: {  	_ =	shalt  }
0x52: {  	_ =	shalt  }
0x53: {  	_ =	shalt  }
0x54: {  	_ =	shalt  }
0x55: {  	_ =	shalt  }
0x56: {  	_ =	shalt  }
0x57: {  	_ =	shalt  }
0x58: {  	_ =	shalt  }
0x59: {  	_ =	shalt  }
0x5a: {  	_ =	shalt  }
0x5b: {  	_ =	shalt  }
0x5c: {  	_ =	shalt  }
0x5d: {  	_ =	shalt  }
0x5e: {  	_ =	shalt  }
0x5f: {  	_ =	shalt  }
0x60: {  	_ =	shalt  }
0x61: {  	_ =	shalt  }
0x62: {  	_ =	shalt  }
0x63: {  	_ =	shalt  }
0x64: {  	_ =	shalt  }
0x65: {  	_ =	shalt  }
0x66: {  	_ =	shalt  }
0x67: {  	_ =	shalt  }
0x68: {  	_ =	shalt  }
0x69: {  	_ =	shalt  }
0x6a: {  	_ =	shalt  }
0x6b: {  	_ =	shalt  }
0x6c: {  	_ =	shalt  }
0x6d: {  	_ =	shalt  }
0x6e: {  	_ =	shalt  }
0x6f: {  	_ =	shalt  }
0x70: {  	_ =	shalt  }
0x71: {  	_ =	shalt  }
0x72: {  	_ =	shalt  }
0x73: {  	_ =	shalt  }
0x74: {  	_ =	shalt  }
0x75: {  	_ =	shalt  }
0x76: {  	_ =	shalt  }
0x77: {  	_ =	shalt  }
0x78: {  	_ =	shalt  }
0x79: {  	_ =	shalt  }
0x7a: {  	_ =	shalt  }
0x7b: {  	_ =	shalt  }
0x7c: {  	_ =	shalt  }
0x7d: {  	_ =	shalt  }
0x7e: {  	_ =	shalt  }
0x7f: {  	_ =	shalt  }
0x80: {  	_ =	shalt  }
0x81: {  	_ =	shalt  }
0x82: {  	_ =	shalt  }
0x83: {  	_ =	shalt  }
0x84: {  	_ =	shalt  }
0x85: {  	_ =	shalt  }
0x86: {  	_ =	shalt  }
0x87: {  	_ =	shalt  }
.Lfunc_end0:
.L_simem_size_0:
called_computation.1_lowered:
.L_overlay_start_0:
0x88: {  	s2 =	sld [smem:$0x3FD9]  }
0x89: {  	s3 =	sld [smem:$0x3FFE];
	_ =	sdelay $0x1  }
0x8a: {  	s1 =	srdreg.scid  }
0x8b: {  	s0 =	sand.u32 $0x1, s1  }
0x8c: {  	s17 =	sshll.u32 s0, $0xA;
	s2 =	sadd.s32 s3, s2  }
0x8d: {  	s2 =	sadd.s32 s2, s17  }
0x8e: {  	[smem:$0x3FC4] =	sst s2  }
0x8f: {  	_ = 	snop  }
0x90: {  	s2 =	sld [smem:$0x3FD0];
	(tm) =	ssettm $0x1  }
0x91: {  	s18 =	sld [smem:$0x3FFB];
	_ =	sdelay $0x3  }
0x92: {  	_ =	strace s18  }
0x93: {  	s3 =	sld [smem:$0x3FFC];
	_ =	sdelay $0x3  }
0x94: {  	_ =	strace s3  }
0x95: {  	s3 =	sld [smem:$0x3FFD];
	_ =	sdelay $0x3  }
0x96: {  	_ =	strace s3  }
0x97: {  	_ =	strace $0x8FFFFFFF  }
0x98: {  	s19 =	sld [smem:$0x3FDB];
	_ =	sdelay $0x1  }
0x99: {  	s4 =	simm.s32 $_scs_section_size  }
0x9a: {  	s5 =	simm.s32 $_size__tile_overlayer_lowered;
	s6 =	simm.s32 $_tile_overlayer_lowered  }
0x9b: {  	s22 =	simm.s32 $0x1BFF;
	s21 =	sshll.u32 s6, $0x1;
	s3 =	sadd.s32 s4, s19  }
0x9c: {  	s7 =	simm.s32 $0x0;
	s20 =	sshll.u32 s5, $0x1;
	s5 =	sadd.s32 s21, s3  }
0x9d: {  	[timem:s7], [sflag:s22] =	dma.local [hbm:s5], s20  }
0x9e: {  	_ =	swait.ge [sflag:s22], s20  }
0x9f: {  	s4 =	ssub.s32 $0x0, s20;
	[sflag:s22] =	ssyncset.done $0x0  }
0xa0: {  	[sflag:s22] =	ssyncadd.s32 s4;
	_ =	sdelay $0x1  }
0xa1: {  	s23 =	simm.s32 $0x1B8B  }
0xa2: {  	_ =	swait.ge [sflag:s23], $0x1  }
0xa3: {  	[sflag:s23] =	ssyncset.done $0x0  }
0xa4: {  	s25 =	simm.s32 $0x1B8E;
	s24 =	sld [smem:$0x3FFE];
	[sflag:s23] =	ssyncadd.s32 $0xFFFFFFFF  }
0xa5: {  	s26 =	simm.s32 $execute0_lowered;
	[smem:$0x3FD2] =	sst s25  }
0xa6: {  	s5 =	sshll.u32 s26, $0x1;
	_ =	strace $0x80000049;
	[dreg:$0x1] =	wrdreg $0xFFFFFFFF  }
0xa7: {  	s28 =	simm.s32 $_size_execute0_lowered;
	s3 =	sadd.s32 s3, s5;
	[dreg:$0x0] =	wrdreg $0x0  }
0xa8: {  	s5 =	sshll.u32 s28, $0x1;
	[dreg:$0x2] =	wrdreg s3  }
0xa9: {  	[dreg:$0x3] =	wrdreg s5  }
0xaa: {  	[dreg:$0x4] =	wrdreg $0xC0  }
0xab: {  	_ =	task [dreg:s7], $0x5FFFF  }
0xac: {  	[dreg:$0x1] =	wrdreg $0xFFFFFFFF  }
0xad: {  	[dreg:$0x0] =	wrdreg $0x60  }
0xae: {  	[dreg:$0x2] =	wrdreg s2  }
0xaf: {  	[dreg:$0x3] =	wrdreg s24  }
0xb0: {  	[dreg:$0x4] =	wrdreg $0x90000  }
0xb1: {  	[dreg:$0x5] =	wrdreg $0x9  }
0xb2: {  	_ =	task.clear_ibuf [dreg:s7], $0x6FFFF;
	_ =	strace $0x90000049  }
0xb3: {  	s29 =	simm.s32 $0x9;
	_ =	strace $0x8000004B  }
0xb4: {  	_ =	swait.ge [sflag:s29], $0x1  }
0xb5: {  	[sflag:s29] =	ssyncadd.s32 $0xFFFFFFFF  }
0xb6: {  	_ =	strace $0x9000004B  }
0xb7: {  	_ =	sfence  }
0xb8: {  	s30 =	sld [smem:$0x0];
	_ =	sdelay $0x2  }
0xb9: {  	s31 =	sshll.u32 s1, $0xD;
	s1 =	sshrl.u32 s1, $0x2  }
0xba: {  	s3 =	sand.u32 $0x4000, s31;
	s1 =	sadd.s32 s1, s30  }
0xbb: {  	s0 =	sor.u32 s3, s0;
	s1 =	sshll.u32 s1, $0x11  }
0xbc: {  	s0 =	sor.u32 s1, s0  }
0xbd: {  	s0 =	sadd.s32 $0x8F2B, s0  }
0xbe: {  	[sflag:s0] =	ssyncadd.remote.s32 $0x1  }
0xbf: {  	_ =	sfence.sel $0xFFFF  }
0xc0: {  	[dreg:$0x0] =	wrdreg $0xFFFFFFFF;
	(pc) =	sbr.abs _section_cstart, $3  }
0xc1: {  	[dreg:$0x1] =	wrdreg $0xFFFFFFFF  }
0xc2: {  	_ =	task.clear_ibuf [dreg:s7], $0x2FFFF;
	_ =	strace $0x9FFFFFFF  }
0xc3: {  	(tm) =	ssettm $0x7FFFFFFF  }
tec
execute0_lowered:
.L_overlay_start_1:
0x0: {  	(tag) =	ssettag $0x1  }
0x1: {  	s0 =	rddreg [dreg:$0x0]  }
0x2: {  	s1 =	rddreg [dreg:$0x1]  }
0x3: {  	s2 =	srdreg.scid;
	s3 =	rddreg [dreg:$0x2]  }
0x4: {  	s11 =	stileid.u32;
	s4 =	simm.s32 $0x0;
	s29 =	simm.s32 $0x3000  }
0x5: {  	s31 =	simm.s32 $0x5000;
	s30 =	simm.s32 $0x7000;
	s6 =	smul.u32 $0x14000, s11  }
0x6: {  	s28 =	simm.s32 $0x3;
	s2 =	sand.u32 $0x1, s2;
	s7 =	smul.u32 $0x50000, s11  }
0x7: {  	[smem:$0x7FF] =	sst s4;
	s12 =	sadd.s32 $0x16000, s1;
	s5 =	smul.u32 $0x140000, s2  }
0x8: {  	s8 =	sadd.s32 $0x2000, s1;
	s20 =	smul.u32 $0x5000, s11;
	_ =	strace $0x8000004A  }
0x9: {  	s13 =	ssub.s32 $0x2, s2;
	s10 =	sshll.u32 s2, $0x4;
	s5 =	sadd.s32 s6, s5  }
0xa: {  	s2 =	smul.u32 $0x50000, s2;
	s7 =	sshrl.u32 s7, $0x2;
	s5 =	sshrl.u32 s5, $0x3  }
0xb: {  	s9 =	sshrl.u32 s13, $0x1;
	s1 =	sadd.s32 s5, s1;
	s5 =	sadd.s32 s7, s3  }
0xc: {  	s10 =	sor.u32 s11, s10;
	s11 =	simm.s32 $0x1;
	s7 =	sadd.s32 $0x2000, s5  }
0xd: {  	s9 =	ssub.s32 s13, s9;
	s14 =	sadd.s32 $0x4000, s5;
	[dreg:$0x4] =	wrdreg s7  }
0xe: {  	s15 =	smul.u32 $0x5000, s10;
	s16 =	sadd.s32 $0x6000, s5;
	[dreg:$0x5] =	wrdreg s14  }
0xf: {  	s2 =	sadd.s32 s20, s2;
	s17 =	sadd.s32 $0x8000, s5;
	[dreg:$0x6] =	wrdreg s16  }
0x10: {  	s6 =	simm.s32 $0x4;
	s18 =	sadd.s32 $0xA000, s5;
	[dreg:$0x7] =	wrdreg s17  }
0x11: {  	s10 =	simm.s32 $0x9;
	s19 =	sadd.s32 $0xC000, s5;
	[dreg:$0x8] =	wrdreg s18  }
0x12: {  	s2 =	sor.u32 $0x800, s2;
	s21 =	sadd.s32 $0xE000, s5;
	[dreg:$0x9] =	wrdreg s19  }
0x13: {  	s20 =	smax.u32 s9, $0x1;
	s22 =	sadd.s32 $0x10000, s5;
	[dreg:$0xa] =	wrdreg s21  }
0x14: {  	s9 =	simm.s32 $0x8;
	s23 =	sadd.s32 $0x12000, s5;
	[dreg:$0xb] =	wrdreg s22  }
0x15: {  	s2 =	sshrl.u32 s2, $0x3;
	s1 =	sadd.s32 $0x2A000, s1;
	[dreg:$0xc] =	wrdreg s23  }
0x16: {  	s7 =	sshrl.u32 s15, $0x3;
	[dreg:$0x11] =	wrdreg s1;
	s21 =	sadd.s32 s2, s8  }
0x17: {  	s22 =	sadd.s32 s2, s12;
	s23 =	simm.s32 $0x1000;
	s24 =	sadd.s32 s12, s7  }
0x18: {  	s1 =	simm.s32 $0x2;
	s25 =	sadd.s32 s8, s7;
	[dreg:$0xd] =	wrdreg s24  }
0x19: {  	s2 =	simm.s32 $0x6;
	s7 =	sor.u32 $0x80, s7;
	[dreg:$0xe] =	wrdreg s25  }
0x1a: {  	s26 =	sadd.s32 s12, s7;
	s7 =	sadd.s32 s8, s7;
	s24 =	simm.s32 $0xA  }
0x1b: {  	s8 =	simm.s32 $0x5;
	s12 =	simm.s32 $0x0;
	[dreg:$0xf] =	wrdreg s26  }
0x1c: {  	v0 =	vimm.f32 $0.0e+00;
	[dreg:$0x10] =	wrdreg s7;
	s26 =	simm.s32 $0x40;
	s7 =	simm.s32 $0x7  }
.LBB2_1:
0x1d: {  	s13 =	simm.s32 $0x0;
	s14 =	simm.s32 $0x200  }
.LBB2_2:
0x1e: {  	p0 =	sne.s32 s14, $0x7E00;
	[tilespmem:s13+$0x1070] =	vst v0  }
0x1f: {  	[tilespmem:s13+$0x1000] =	vst v0  }
0x20: {  	[tilespmem:s13+$0x1010] =	vst v0  }
.Ltmp0:
0x21: {  	[tilespmem:s13+$0x1020] =	vst v0;
	(pc) =	sbr.rel @p0 .LBB2_2-.Ltmp0, $4  }
0x22: {  	[tilespmem:s13+$0x1030] =	vst v0  }
0x23: {  	[tilespmem:s13+$0x1040] =	vst v0  }
0x24: {  	[tilespmem:s13+$0x1050] =	vst v0  }
0x25: {  	[tilespmem:s13+$0x1060] =	vst v0;
	s13 =	sshra.s32 s14, $0x2;
	s14 =	sadd.s32 $0x200, s14  }
0x26: {  	[tilespmem:s13+$0x1070] =	vst v0  }
0x27: {  	[tilespmem:s13+$0x1000] =	vst v0  }
0x28: {  	[tilespmem:s13+$0x1010] =	vst v0  }
0x29: {  	[tilespmem:s13+$0x1020] =	vst v0  }
0x2a: {  	[tilespmem:s13+$0x1030] =	vst v0  }
0x2b: {  	[tilespmem:s13+$0x1040] =	vst v0  }
0x2c: {  	[tilespmem:s13+$0x1050] =	vst v0  }
0x2d: {  	[tilespmem:s13+$0x1060] =	vst v0  }
0x2e: {  	[spmem:s5] =	stream.linear.scatter [tilespmem:s23], [sflag:$0xA], $0x2000, $0x38;
	[tilespmem:$0x1D000] =	vst v63  }
0x2f: {  	_ =	swait.ge [sflag:s24], $0x2000  }
0x30: {  	[sflag:s24] =	ssyncset.done $0x0  }
0x31: {  	s15 =	rddreg [dreg:$0x4];
	[sflag:s24] =	ssyncadd.s32 $0xFFFFE000  }
0x32: {  	[spmem:s15] =	stream.linear.scatter [tilespmem:s23], [sflag:$0xA], $0x2000, $0x38;
	[tilespmem:$0x1D000] =	vst v63  }
0x33: {  	_ =	swait.ge [sflag:s24], $0x2000  }
0x34: {  	[sflag:s24] =	ssyncset.done $0x0  }
0x35: {  	s16 =	rddreg [dreg:$0x5];
	[sflag:s24] =	ssyncadd.s32 $0xFFFFE000  }
0x36: {  	[spmem:s16] =	stream.linear.scatter [tilespmem:s23], [sflag:$0xA], $0x2000, $0x38;
	[tilespmem:$0x1D000] =	vst v63  }
0x37: {  	_ =	swait.ge [sflag:s24], $0x2000  }
0x38: {  	[sflag:s24] =	ssyncset.done $0x0  }
0x39: {  	s17 =	rddreg [dreg:$0x6];
	[sflag:s24] =	ssyncadd.s32 $0xFFFFE000  }
0x3a: {  	[spmem:s17] =	stream.linear.scatter [tilespmem:s23], [sflag:$0xA], $0x2000, $0x38;
	[tilespmem:$0x1D000] =	vst v63  }
0x3b: {  	_ =	swait.ge [sflag:s24], $0x2000  }
0x3c: {  	[sflag:s24] =	ssyncset.done $0x0  }
0x3d: {  	s18 =	rddreg [dreg:$0x7];
	[sflag:s24] =	ssyncadd.s32 $0xFFFFE000  }
0x3e: {  	[spmem:s18] =	stream.linear.scatter [tilespmem:s23], [sflag:$0xA], $0x2000, $0x38;
	[tilespmem:$0x1D000] =	vst v63  }
0x3f: {  	_ =	swait.ge [sflag:s24], $0x2000  }
0x40: {  	[sflag:s24] =	ssyncset.done $0x0  }
0x41: {  	s19 =	rddreg [dreg:$0x8];
	[sflag:s24] =	ssyncadd.s32 $0xFFFFE000  }
0x42: {  	[spmem:s19] =	stream.linear.scatter [tilespmem:s23], [sflag:$0xA], $0x2000, $0x38;
	[tilespmem:$0x1D000] =	vst v63  }
0x43: {  	_ =	swait.ge [sflag:s24], $0x2000  }
0x44: {  	[sflag:s24] =	ssyncset.done $0x0  }
0x45: {  	s25 =	rddreg [dreg:$0x9];
	[sflag:s24] =	ssyncadd.s32 $0xFFFFE000  }
0x46: {  	[spmem:s25] =	stream.linear.scatter [tilespmem:s23], [sflag:$0xA], $0x2000, $0x38;
	[tilespmem:$0x1D000] =	vst v63  }
0x47: {  	_ =	swait.ge [sflag:s24], $0x2000  }
0x48: {  	[sflag:s24] =	ssyncset.done $0x0  }
0x49: {  	s14 =	rddreg [dreg:$0xa];
	[sflag:s24] =	ssyncadd.s32 $0xFFFFE000  }
0x4a: {  	[spmem:s14] =	stream.linear.scatter [tilespmem:s23], [sflag:$0xA], $0x2000, $0x38;
	[tilespmem:$0x1D000] =	vst v63  }
0x4b: {  	_ =	swait.ge [sflag:s24], $0x2000  }
0x4c: {  	[sflag:s24] =	ssyncset.done $0x0  }
0x4d: {  	s15 =	rddreg [dreg:$0xb];
	[sflag:s24] =	ssyncadd.s32 $0xFFFFE000  }
0x4e: {  	[spmem:s15] =	stream.linear.scatter [tilespmem:s23], [sflag:$0xA], $0x2000, $0x38;
	[tilespmem:$0x1D000] =	vst v63  }
0x4f: {  	_ =	swait.ge [sflag:s24], $0x2000  }
0x50: {  	[sflag:s24] =	ssyncset.done $0x0  }
0x51: {  	s16 =	rddreg [dreg:$0xc];
	[sflag:s24] =	ssyncadd.s32 $0xFFFFE000  }
0x52: {  	[spmem:s16] =	stream.linear.scatter [tilespmem:s23], [sflag:$0xA], $0x2000, $0x38;
	[tilespmem:$0x1D000] =	vst v63  }
0x53: {  	_ =	swait.ge [sflag:s24], $0x2000  }
0x54: {  	[sflag:s24] =	ssyncset.done $0x0  }
0x55: {  	[sflag:s24] =	ssyncadd.s32 $0xFFFFE000  }
0x56: {  	[bflag:$0x0] =	sbarrier.arrive $0xFFFF  }
0x57: {  	s17 =	rddreg [dreg:$0xd]  }
0x58: {  	[tilespmem:s4], [sflag:$0xA] =	stream.linear.gather [hbm4b:s17+s4], $0x400, $0x38;
	[tilespmem:$0x1D000] =	vst v63  }
0x59: {  	_ =	swait.ge [sflag:s24], $0x400  }
0x5a: {  	[sflag:s24] =	ssyncset.done $0x0  }
0x5b: {  	s14 =	simm.s32 $0x800;
	s18 =	rddreg [dreg:$0xe];
	[sflag:s24] =	ssyncadd.s32 $0xFFFFFC00  }
0x5c: {  	[tilespmem:s14], [sflag:$0xA] =	stream.linear.gather [hbm4b:s18+s4], $0x400, $0x38;
	[tilespmem:$0x1D000] =	vst v63  }
0x5d: {  	_ =	swait.ge [sflag:s24], $0x400  }
0x5e: {  	[sflag:s24] =	ssyncset.done $0x0  }
0x5f: {  	[sflag:s24] =	ssyncadd.s32 $0xFFFFFC00  }
0x60: {  	[tilespmem:s23], [sflag:$0x2] =	stream.indirect.gather [hbm4b:s0+s26], $0x80, s4, s26, $0xb8;
	[tilespmem:$0x1D000] =	vst v63  }
0x61: {  	s19 =	simm.s32 $0x80  }
0x62: {  	[tilespmem:s29], [sflag:$0x3] =	stream.indirect.gather [hbm4b:s0+s26], $0x80, s19, s26, $0xb8;
	[tilespmem:$0x1D000] =	vst v63  }
0x63: {  	s25 =	simm.s32 $0x100  }
0x64: {  	[tilespmem:s31], [sflag:$0x4] =	stream.indirect.gather [hbm4b:s0+s26], $0x80, s25, s26, $0xb8;
	[tilespmem:$0x1D000] =	vst v63  }
0x65: {  	_ =	swait.ge [sflag:s1], $0x2000  }
0x66: {  	[sflag:s1] =	ssyncset.done $0x0  }
0x67: {  	[sflag:s1] =	ssyncadd.s32 $0xFFFFE000  }
0x68: {  	[spmem:s3] =	stream.indirect.scatter.add.f32 [tilespmem:s23], [sflag:$0x6], $0x80, s14, s26, $0xb8;
	[tilespmem:$0x1D000] =	vst v63  }
0x69: {  	s14 =	simm.s32 $0x180  }
0x6a: {  	[tilespmem:s30], [sflag:$0x5] =	stream.indirect.gather [hbm4b:s0+s26], $0x80, s14, s26, $0xb8;
	[tilespmem:$0x1D000] =	vst v63  }
0x6b: {  	_ =	swait.ge [sflag:s28], $0x2000  }
0x6c: {  	[sflag:s28] =	ssyncset.done $0x0  }
0x6d: {  	s15 =	simm.s32 $0x880;
	[sflag:s28] =	ssyncadd.s32 $0xFFFFE000  }
0x6e: {  	[spmem:s3] =	stream.indirect.scatter.add.f32 [tilespmem:s29], [sflag:$0x7], $0x80, s15, s26, $0xb8;
	[tilespmem:$0x1D000] =	vst v63  }
0x6f: {  	_ =	swait.ge [sflag:s2], $0x2000  }
0x70: {  	[sflag:s2] =	ssyncset.done $0x0  }
0x71: {  	s16 =	simm.s32 $0x200;
	[sflag:s2] =	ssyncadd.s32 $0xFFFFE000  }
0x72: {  	[tilespmem:s23], [sflag:$0x2] =	stream.indirect.gather [hbm4b:s0+s26], $0x80, s16, s26, $0xb8;
	[tilespmem:$0x1D000] =	vst v63  }
0x73: {  	_ =	swait.ge [sflag:s6], $0x2000  }
0x74: {  	[sflag:s6] =	ssyncset.done $0x0  }
0x75: {  	s17 =	simm.s32 $0x900;
	[sflag:s6] =	ssyncadd.s32 $0xFFFFE000  }
0x76: {  	[spmem:s3] =	stream.indirect.scatter.add.f32 [tilespmem:s31], [sflag:$0x8], $0x80, s17, s26, $0xb8;
	[tilespmem:$0x1D000] =	vst v63  }
0x77: {  	s13 =	simm.s32 $0x400;
	s18 =	rddreg [dreg:$0xf]  }
0x78: {  	[tilespmem:s13], [sflag:$0x1] =	stream.linear.gather [hbm4b:s18+s4], $0x400, $0x38;
	[tilespmem:$0x1D000] =	vst v63  }
0x79: {  	s15 =	simm.s32 $0xC00;
	s19 =	rddreg [dreg:$0x10]  }
0x7a: {  	[tilespmem:s15], [sflag:$0x1] =	stream.linear.gather [hbm4b:s19+s4], $0x400, $0x38;
	[tilespmem:$0x1D000] =	vst v63  }
0x7b: {  	_ =	swait.ge [sflag:s7], $0x2000  }
0x7c: {  	[sflag:s7] =	ssyncset.done $0x0  }
0x7d: {  	s25 =	simm.s32 $0x280;
	[sflag:s7] =	ssyncadd.s32 $0xFFFFE000  }
0x7e: {  	[tilespmem:s29], [sflag:$0x3] =	stream.indirect.gather [hbm4b:s0+s26], $0x80, s25, s26, $0xb8;
	[tilespmem:$0x1D000] =	vst v63  }
0x7f: {  	_ =	swait.ge [sflag:s8], $0x2000  }
0x80: {  	[sflag:s8] =	ssyncset.done $0x0  }
0x81: {  	s15 =	simm.s32 $0x980;
	[sflag:s8] =	ssyncadd.s32 $0xFFFFE000  }
0x82: {  	[spmem:s3] =	stream.indirect.scatter.add.f32 [tilespmem:s30], [sflag:$0x9], $0x80, s15, s26, $0xb8;
	[tilespmem:$0x1D000] =	vst v63  }
0x83: {  	_ =	swait.ge [sflag:s9], $0x2000  }
0x84: {  	[sflag:s9] =	ssyncset.done $0x0  }
0x85: {  	s16 =	simm.s32 $0x300;
	[sflag:s9] =	ssyncadd.s32 $0xFFFFE000  }
0x86: {  	[tilespmem:s31], [sflag:$0x4] =	stream.indirect.gather [hbm4b:s0+s26], $0x80, s16, s26, $0xb8;
	[tilespmem:$0x1D000] =	vst v63  }
0x87: {  	_ =	swait.ge [sflag:s1], $0x2000  }
0x88: {  	[sflag:s1] =	ssyncset.done $0x0  }
0x89: {  	s17 =	simm.s32 $0xA00;
	[sflag:s1] =	ssyncadd.s32 $0xFFFFE000  }
0x8a: {  	[spmem:s3] =	stream.indirect.scatter.add.f32 [tilespmem:s23], [sflag:$0x6], $0x80, s17, s26, $0xb8;
	[tilespmem:$0x1D000] =	vst v63  }
0x8b: {  	_ =	swait.ge [sflag:s10], $0x2000  }
0x8c: {  	[sflag:s10] =	ssyncset.done $0x0  }
0x8d: {  	s18 =	simm.s32 $0x380;
	[sflag:s10] =	ssyncadd.s32 $0xFFFFE000  }
0x8e: {  	[tilespmem:s30], [sflag:$0x5] =	stream.indirect.gather [hbm4b:s0+s26], $0x80, s18, s26, $0xb8;
	[tilespmem:$0x1D000] =	vst v63  }
0x8f: {  	_ =	swait.ge [sflag:s28], $0x2000  }
0x90: {  	[sflag:s28] =	ssyncset.done $0x0  }
0x91: {  	s19 =	simm.s32 $0xA80;
	[sflag:s28] =	ssyncadd.s32 $0xFFFFE000  }
0x92: {  	[spmem:s3] =	stream.indirect.scatter.add.f32 [tilespmem:s29], [sflag:$0x7], $0x80, s19, s26, $0xb8;
	[tilespmem:$0x1D000] =	vst v63  }
0x93: {  	_ =	swait.ge [sflag:s11], $0x400  }
0x94: {  	[sflag:s11] =	ssyncset.done $0x0  }
0x95: {  	[sflag:s11] =	ssyncadd.s32 $0xFFFFFC00  }
0x96: {  	_ =	swait.ge [sflag:s11], $0x400  }
0x97: {  	[sflag:s11] =	ssyncset.done $0x0  }
0x98: {  	[sflag:s11] =	ssyncadd.s32 $0xFFFFFC00  }
0x99: {  	_ =	swait.ge [sflag:s2], $0x2000  }
0x9a: {  	[sflag:s2] =	ssyncset.done $0x0  }
0x9b: {  	s15 =	sand.u32 $0x400, s13;
	[sflag:s2] =	ssyncadd.s32 $0xFFFFE000  }
0x9c: {  	[tilespmem:s23], [sflag:$0x2] =	stream.indirect.gather [hbm4b:s0+s26], $0x80, s15, s26, $0xb8;
	[tilespmem:$0x1D000] =	vst v63  }
0x9d: {  	_ =	swait.ge [sflag:s6], $0x2000  }
0x9e: {  	[sflag:s6] =	ssyncset.done $0x0  }
0x9f: {  	s13 =	sxor.u32 $0xF00, s15;
	[sflag:s6] =	ssyncadd.s32 $0xFFFFE000  }
0xa0: {  	[spmem:s3] =	stream.indirect.scatter.add.f32 [tilespmem:s31], [sflag:$0x8], $0x80, s13, s26, $0xb8;
	[tilespmem:$0x1D000] =	vst v63  }
0xa1: {  	_ =	swait.ge [sflag:s7], $0x2000  }
0xa2: {  	[sflag:s7] =	ssyncset.done $0x0  }
0xa3: {  	s25 =	sor.u32 $0x80, s15;
	[sflag:s7] =	ssyncadd.s32 $0xFFFFE000  }
0xa4: {  	[tilespmem:s29], [sflag:$0x3] =	stream.indirect.gather [hbm4b:s0+s26], $0x80, s25, s26, $0xb8;
	[tilespmem:$0x1D000] =	vst v63  }
0xa5: {  	_ =	swait.ge [sflag:s8], $0x2000  }
0xa6: {  	[sflag:s8] =	ssyncset.done $0x0  }
0xa7: {  	s14 =	sxor.u32 $0xF80, s15;
	[sflag:s8] =	ssyncadd.s32 $0xFFFFE000  }
0xa8: {  	[spmem:s3] =	stream.indirect.scatter.add.f32 [tilespmem:s30], [sflag:$0x9], $0x80, s14, s26, $0xb8;
	[tilespmem:$0x1D000] =	vst v63  }
0xa9: {  	_ =	swait.ge [sflag:s9], $0x2000  }
0xaa: {  	[sflag:s9] =	ssyncset.done $0x0  }
0xab: {  	s16 =	sor.u32 $0x100, s15;
	[sflag:s9] =	ssyncadd.s32 $0xFFFFE000  }
0xac: {  	[tilespmem:s31], [sflag:$0x4] =	stream.indirect.gather [hbm4b:s0+s26], $0x80, s16, s26, $0xb8;
	[tilespmem:$0x1D000] =	vst v63  }
0xad: {  	_ =	swait.ge [sflag:s1], $0x2000  }
0xae: {  	[sflag:s1] =	ssyncset.done $0x0  }
0xaf: {  	s17 =	sor.u32 $0x800, s15;
	[sflag:s1] =	ssyncadd.s32 $0xFFFFE000  }
0xb0: {  	[spmem:s3] =	stream.indirect.scatter.add.f32 [tilespmem:s23], [sflag:$0x6], $0x80, s17, s26, $0xb8;
	[tilespmem:$0x1D000] =	vst v63  }
0xb1: {  	_ =	swait.ge [sflag:s10], $0x2000  }
0xb2: {  	[sflag:s10] =	ssyncset.done $0x0  }
0xb3: {  	s18 =	sor.u32 $0x180, s15;
	[sflag:s10] =	ssyncadd.s32 $0xFFFFE000  }
0xb4: {  	[tilespmem:s30], [sflag:$0x5] =	stream.indirect.gather [hbm4b:s0+s26], $0x80, s18, s26, $0xb8;
	[tilespmem:$0x1D000] =	vst v63  }
0xb5: {  	_ =	swait.ge [sflag:s28], $0x2000  }
0xb6: {  	[sflag:s28] =	ssyncset.done $0x0  }
0xb7: {  	s19 =	sor.u32 $0x880, s15;
	[sflag:s28] =	ssyncadd.s32 $0xFFFFE000  }
0xb8: {  	[spmem:s3] =	stream.indirect.scatter.add.f32 [tilespmem:s29], [sflag:$0x7], $0x80, s19, s26, $0xb8;
	[tilespmem:$0x1D000] =	vst v63  }
0xb9: {  	_ =	swait.ge [sflag:s2], $0x2000  }
0xba: {  	[sflag:s2] =	ssyncset.done $0x0  }
0xbb: {  	s25 =	sor.u32 $0x200, s15;
	[sflag:s2] =	ssyncadd.s32 $0xFFFFE000  }
0xbc: {  	[tilespmem:s23], [sflag:$0x2] =	stream.indirect.gather [hbm4b:s0+s26], $0x80, s25, s26, $0xb8;
	[tilespmem:$0x1D000] =	vst v63  }
0xbd: {  	_ =	swait.ge [sflag:s6], $0x2000  }
0xbe: {  	[sflag:s6] =	ssyncset.done $0x0  }
0xbf: {  	p0 =	por $0x0, $0x0;
	s16 =	sor.u32 $0x900, s15;
	[sflag:s6] =	ssyncadd.s32 $0xFFFFE000  }
0xc0: {  	[spmem:s3] =	stream.indirect.scatter.add.f32 [tilespmem:s31], [sflag:$0x8], $0x80, s16, s26, $0xb8;
	[tilespmem:$0x1D000] =	vst v63  }
0xc1: {  	s17 =	simm.s32 @!p0 $0x0;
	s16 =	ssub.s32 @!p0 $0x400, s15  }
0xc2: {  	[tilespmem:s16], [sflag:$0x1] =	stream.linear.gather @!p0 [hbm4b:s22+s17], $0x400, $0x38;
	[tilespmem:$0x1D000] =	vst v63  }
0xc3: {  	s16 =	ssub.s32 @!p0 $0xC00, s15  }
0xc4: {  	[tilespmem:s16], [sflag:$0x1] =	stream.linear.gather @!p0 [hbm4b:s21+s17], $0x400, $0x38;
	[tilespmem:$0x1D000] =	vst v63  }
0xc5: {  	_ =	swait.ge [sflag:s7], $0x2000  }
0xc6: {  	[sflag:s7] =	ssyncset.done $0x0  }
0xc7: {  	s17 =	sor.u32 $0x280, s15;
	[sflag:s7] =	ssyncadd.s32 $0xFFFFE000  }
0xc8: {  	[tilespmem:s29], [sflag:$0x3] =	stream.indirect.gather [hbm4b:s0+s26], $0x80, s17, s26, $0xb8;
	[tilespmem:$0x1D000] =	vst v63  }
0xc9: {  	_ =	swait.ge [sflag:s8], $0x2000  }
0xca: {  	[sflag:s8] =	ssyncset.done $0x0  }
0xcb: {  	s13 =	sor.u32 $0x800, s18;
	[sflag:s8] =	ssyncadd.s32 $0xFFFFE000  }
0xcc: {  	[spmem:s3] =	stream.indirect.scatter.add.f32 [tilespmem:s30], [sflag:$0x9], $0x80, s13, s26, $0xb8;
	[tilespmem:$0x1D000] =	vst v63  }
0xcd: {  	_ =	swait.ge [sflag:s9], $0x2000  }
0xce: {  	[sflag:s9] =	ssyncset.done $0x0  }
0xcf: {  	s18 =	sadd.s32 $0x300, s15;
	[sflag:s9] =	ssyncadd.s32 $0xFFFFE000  }
0xd0: {  	[tilespmem:s31], [sflag:$0x4] =	stream.indirect.gather [hbm4b:s0+s26], $0x80, s18, s26, $0xb8;
	[tilespmem:$0x1D000] =	vst v63  }
0xd1: {  	_ =	swait.ge [sflag:s1], $0x2000  }
0xd2: {  	[sflag:s1] =	ssyncset.done $0x0  }
0xd3: {  	s19 =	sor.u32 $0x800, s25;
	[sflag:s1] =	ssyncadd.s32 $0xFFFFE000  }
0xd4: {  	[spmem:s3] =	stream.indirect.scatter.add.f32 [tilespmem:s23], [sflag:$0x6], $0x80, s19, s26, $0xb8;
	[tilespmem:$0x1D000] =	vst v63  }
0xd5: {  	_ =	swait.ge [sflag:s10], $0x2000  }
0xd6: {  	[sflag:s10] =	ssyncset.done $0x0  }
0xd7: {  	s25 =	sadd.s32 $0x380, s15;
	[sflag:s10] =	ssyncadd.s32 $0xFFFFE000  }
0xd8: {  	[tilespmem:s30], [sflag:$0x5] =	stream.indirect.gather [hbm4b:s0+s26], $0x80, s25, s26, $0xb8;
	[tilespmem:$0x1D000] =	vst v63  }
0xd9: {  	_ =	swait.ge [sflag:s28], $0x2000  }
0xda: {  	s14 =	sadd.s32 $0x80, s22;
	s16 =	sor.u32 $0xA80, s15;
	[sflag:s28] =	ssyncset.done $0x0  }
0xdb: {  	s15 =	sadd.s32 $0x80, s21;
	s13 =	simm.s32 $0x800;
	[sflag:s28] =	ssyncadd.s32 $0xFFFFE000  }
.LBB2_4:
0xdc: {  	[spmem:s3] =	stream.indirect.scatter.add.f32 [tilespmem:s29], [sflag:$0x7], $0x80, s16, s26, $0xb8;
	[tilespmem:$0x1D000] =	vst v63  }
0xdd: {  	s17 =	smov.u32 s13;
	s13 =	sadd.s32 $0x400, s13;
	_ =	swait.ge [sflag:s11], $0x400  }
0xde: {  	p0 =	sne.s32 s13, $0x5000;
	[sflag:s11] =	ssyncset.done $0x0  }
0xdf: {  	[sflag:s11] =	ssyncadd.s32 $0xFFFFFC00  }
0xe0: {  	_ =	swait.ge [sflag:s11], $0x400  }
0xe1: {  	[sflag:s11] =	ssyncset.done $0x0  }
0xe2: {  	[sflag:s11] =	ssyncadd.s32 $0xFFFFFC00  }
0xe3: {  	_ =	swait.ge [sflag:s2], $0x2000  }
0xe4: {  	[sflag:s2] =	ssyncset.done $0x0  }
0xe5: {  	s16 =	sand.u32 $0x400, s17;
	[sflag:s2] =	ssyncadd.s32 $0xFFFFE000  }
0xe6: {  	[tilespmem:s23], [sflag:$0x2] =	stream.indirect.gather [hbm4b:s0+s26], $0x80, s16, s26, $0xb8;
	[tilespmem:$0x1D000] =	vst v63  }
0xe7: {  	_ =	swait.ge [sflag:s6], $0x2000  }
0xe8: {  	[sflag:s6] =	ssyncset.done $0x0  }
0xe9: {  	s18 =	sxor.u32 $0xF00, s16;
	[sflag:s6] =	ssyncadd.s32 $0xFFFFE000  }
0xea: {  	[spmem:s3] =	stream.indirect.scatter.add.f32 [tilespmem:s31], [sflag:$0x8], $0x80, s18, s26, $0xb8;
	[tilespmem:$0x1D000] =	vst v63  }
0xeb: {  	_ =	swait.ge [sflag:s7], $0x2000  }
0xec: {  	[sflag:s7] =	ssyncset.done $0x0  }
0xed: {  	s18 =	sor.u32 $0x80, s16;
	[sflag:s7] =	ssyncadd.s32 $0xFFFFE000  }
0xee: {  	[tilespmem:s29], [sflag:$0x3] =	stream.indirect.gather [hbm4b:s0+s26], $0x80, s18, s26, $0xb8;
	[tilespmem:$0x1D000] =	vst v63  }
0xef: {  	_ =	swait.ge [sflag:s8], $0x2000  }
0xf0: {  	[sflag:s8] =	ssyncset.done $0x0  }
0xf1: {  	s18 =	sxor.u32 $0xF80, s16;
	[sflag:s8] =	ssyncadd.s32 $0xFFFFE000  }
0xf2: {  	[spmem:s3] =	stream.indirect.scatter.add.f32 [tilespmem:s30], [sflag:$0x9], $0x80, s18, s26, $0xb8;
	[tilespmem:$0x1D000] =	vst v63  }
0xf3: {  	_ =	swait.ge [sflag:s9], $0x2000  }
0xf4: {  	[sflag:s9] =	ssyncset.done $0x0  }
0xf5: {  	s18 =	sor.u32 $0x100, s16;
	[sflag:s9] =	ssyncadd.s32 $0xFFFFE000  }
0xf6: {  	[tilespmem:s31], [sflag:$0x4] =	stream.indirect.gather [hbm4b:s0+s26], $0x80, s18, s26, $0xb8;
	[tilespmem:$0x1D000] =	vst v63  }
0xf7: {  	_ =	swait.ge [sflag:s1], $0x2000  }
0xf8: {  	[sflag:s1] =	ssyncset.done $0x0  }
0xf9: {  	s18 =	sor.u32 $0x800, s16;
	[sflag:s1] =	ssyncadd.s32 $0xFFFFE000  }
0xfa: {  	[spmem:s3] =	stream.indirect.scatter.add.f32 [tilespmem:s23], [sflag:$0x6], $0x80, s18, s26, $0xb8;
	[tilespmem:$0x1D000] =	vst v63  }
0xfb: {  	_ =	swait.ge [sflag:s10], $0x2000  }
0xfc: {  	[sflag:s10] =	ssyncset.done $0x0  }
0xfd: {  	s18 =	sor.u32 $0x180, s16;
	[sflag:s10] =	ssyncadd.s32 $0xFFFFE000  }
0xfe: {  	[tilespmem:s30], [sflag:$0x5] =	stream.indirect.gather [hbm4b:s0+s26], $0x80, s18, s26, $0xb8;
	[tilespmem:$0x1D000] =	vst v63  }
0xff: {  	_ =	swait.ge [sflag:s28], $0x2000  }
0x100: {  	[sflag:s28] =	ssyncset.done $0x0  }
0x101: {  	s25 =	sor.u32 $0x880, s16;
	[sflag:s28] =	ssyncadd.s32 $0xFFFFE000  }
0x102: {  	[spmem:s3] =	stream.indirect.scatter.add.f32 [tilespmem:s29], [sflag:$0x7], $0x80, s25, s26, $0xb8;
	[tilespmem:$0x1D000] =	vst v63  }
0x103: {  	_ =	swait.ge [sflag:s2], $0x2000  }
0x104: {  	[sflag:s2] =	ssyncset.done $0x0  }
0x105: {  	s25 =	sor.u32 $0x200, s16;
	[sflag:s2] =	ssyncadd.s32 $0xFFFFE000  }
0x106: {  	[tilespmem:s23], [sflag:$0x2] =	stream.indirect.gather [hbm4b:s0+s26], $0x80, s25, s26, $0xb8;
	[tilespmem:$0x1D000] =	vst v63  }
0x107: {  	_ =	swait.ge [sflag:s6], $0x2000  }
0x108: {  	[sflag:s6] =	ssyncset.done $0x0  }
0x109: {  	p1 =	seq.s32 s17, $0x4C00;
	s19 =	sor.u32 $0x900, s16;
	[sflag:s6] =	ssyncadd.s32 $0xFFFFE000  }
0x10a: {  	[spmem:s3] =	stream.indirect.scatter.add.f32 [tilespmem:s31], [sflag:$0x8], $0x80, s19, s26, $0xb8;
	[tilespmem:$0x1D000] =	vst v63  }
0x10b: {  	s17 =	ssub.s32 @!p1 $0x400, s16;
	s19 =	simm.s32 @!p1 $0x0  }
0x10c: {  	[tilespmem:s17], [sflag:$0x1] =	stream.linear.gather @!p1 [hbm4b:s14+s19], $0x400, $0x38;
	[tilespmem:$0x1D000] =	vst v63  }
0x10d: {  	s17 =	ssub.s32 @!p1 $0xC00, s16  }
0x10e: {  	[tilespmem:s17], [sflag:$0x1] =	stream.linear.gather @!p1 [hbm4b:s15+s19], $0x400, $0x38;
	[tilespmem:$0x1D000] =	vst v63  }
0x10f: {  	_ =	swait.ge [sflag:s7], $0x2000  }
0x110: {  	[sflag:s7] =	ssyncset.done $0x0  }
0x111: {  	s17 =	sor.u32 $0x280, s16;
	[sflag:s7] =	ssyncadd.s32 $0xFFFFE000  }
0x112: {  	[tilespmem:s29], [sflag:$0x3] =	stream.indirect.gather [hbm4b:s0+s26], $0x80, s17, s26, $0xb8;
	[tilespmem:$0x1D000] =	vst v63  }
0x113: {  	_ =	swait.ge [sflag:s8], $0x2000  }
0x114: {  	[sflag:s8] =	ssyncset.done $0x0  }
0x115: {  	s17 =	sor.u32 $0x800, s18;
	[sflag:s8] =	ssyncadd.s32 $0xFFFFE000  }
0x116: {  	[spmem:s3] =	stream.indirect.scatter.add.f32 [tilespmem:s30], [sflag:$0x9], $0x80, s17, s26, $0xb8;
	[tilespmem:$0x1D000] =	vst v63  }
0x117: {  	_ =	swait.ge [sflag:s9], $0x2000  }
0x118: {  	[sflag:s9] =	ssyncset.done $0x0  }
0x119: {  	s17 =	sadd.s32 $0x300, s16;
	[sflag:s9] =	ssyncadd.s32 $0xFFFFE000  }
0x11a: {  	[tilespmem:s31], [sflag:$0x4] =	stream.indirect.gather [hbm4b:s0+s26], $0x80, s17, s26, $0xb8;
	[tilespmem:$0x1D000] =	vst v63  }
0x11b: {  	_ =	swait.ge [sflag:s1], $0x2000  }
0x11c: {  	[sflag:s1] =	ssyncset.done $0x0  }
0x11d: {  	s17 =	sor.u32 $0x800, s25;
	[sflag:s1] =	ssyncadd.s32 $0xFFFFE000  }
0x11e: {  	[spmem:s3] =	stream.indirect.scatter.add.f32 [tilespmem:s23], [sflag:$0x6], $0x80, s17, s26, $0xb8;
	[tilespmem:$0x1D000] =	vst v63  }
0x11f: {  	_ =	swait.ge [sflag:s10], $0x2000  }
0x120: {  	[sflag:s10] =	ssyncset.done $0x0  }
.Ltmp1:
0x121: {  	s17 =	sadd.s32 $0x380, s16;
	[sflag:s10] =	ssyncadd.s32 $0xFFFFE000;
	(pc) =	sbr.rel @p0 .LBB2_4-.Ltmp1, $4  }
0x122: {  	[tilespmem:s30], [sflag:$0x5] =	stream.indirect.gather [hbm4b:s0+s26], $0x80, s17, s26, $0xb8;
	[tilespmem:$0x1D000] =	vst v63  }
0x123: {  	_ =	swait.ge [sflag:s28], $0x2000  }
0x124: {  	s14 =	sadd.s32 $0x80, s14;
	[sflag:s28] =	ssyncset.done $0x0  }
0x125: {  	s15 =	sadd.s32 $0x80, s15;
	s16 =	sor.u32 $0xA80, s16;
	[sflag:s28] =	ssyncadd.s32 $0xFFFFE000  }
0x126: {  	[spmem:s3] =	stream.indirect.scatter.add.f32 [tilespmem:s29], [sflag:$0x7], $0x80, s16, s26, $0xb8;
	[tilespmem:$0x1D000] =	vst v63  }
0x127: {  	_ =	swait.ge [sflag:s6], $0x2000  }
0x128: {  	[sflag:s6] =	ssyncset.done $0x0  }
0x129: {  	s13 =	simm.s32 $0xF00;
	[sflag:s6] =	ssyncadd.s32 $0xFFFFE000  }
0x12a: {  	[spmem:s3] =	stream.indirect.scatter.add.f32 [tilespmem:s31], [sflag:$0x8], $0x80, s13, s26, $0xb8;
	[tilespmem:$0x1D000] =	vst v63  }
0x12b: {  	_ =	swait.ge [sflag:s8], $0x2000  }
0x12c: {  	[sflag:s8] =	ssyncset.done $0x0  }
0x12d: {  	s19 =	simm.s32 $0xF80;
	[sflag:s8] =	ssyncadd.s32 $0xFFFFE000  }
0x12e: {  	[spmem:s3] =	stream.indirect.scatter.add.f32 [tilespmem:s30], [sflag:$0x9], $0x80, s19, s26, $0xb8;
	[tilespmem:$0x1D000] =	vst v63  }
0x12f: {  	_ =	swait.ge [sflag:s2], $0x2000  }
0x130: {  	[sflag:s2] =	ssyncset.done $0x0  }
0x131: {  	[sflag:s2] =	ssyncadd.s32 $0xFFFFE000  }
0x132: {  	_ =	swait.ge [sflag:s7], $0x2000  }
0x133: {  	[sflag:s7] =	ssyncset.done $0x0  }
0x134: {  	[sflag:s7] =	ssyncadd.s32 $0xFFFFE000  }
0x135: {  	_ =	swait.ge [sflag:s9], $0x2000  }
0x136: {  	[sflag:s9] =	ssyncset.done $0x0  }
0x137: {  	[sflag:s9] =	ssyncadd.s32 $0xFFFFE000  }
0x138: {  	_ =	swait.ge [sflag:s10], $0x2000  }
0x139: {  	s25 =	stileid.u32;
	[sflag:s10] =	ssyncset.done $0x0  }
0x13a: {  	s14 =	sshrl.u32 s5, $0x3;
	s12 =	sadd.s32 $0x1, s12;
	[sflag:s10] =	ssyncadd.s32 $0xFFFFE000  }
0x13b: {  	p0 =	sne.s32 s12, s20;
	s13 =	sshll.u32 s25, $0x6;
	[bflag:$0x0] =	sbarrier.arrive $0xFFFF  }
.Ltmp2:
0x13c: {  	s13 =	sor.u32 $0x1C0A, s13;
	s15 =	rddreg [dreg:$0x11];
	(pc) =	sbr.rel @p0 .LBB2_1-.Ltmp2, $4  }
0x13d: {  	[hbm:s15], [sflag:s13] =	dma.local [spmem:s14], $0x2800  }
0x13e: {  	_ =	swait.ge [sflag:s24], $0x2800  }
0x13f: {  	[sflag:s24] =	ssyncset.done $0x0  }
0x140: {  	[sflag:s24] =	ssyncadd.s32 $0xFFFFD800  }
0x141: {  	_ =	sfence.sel $0x180000  }
0x142: {  	[bflag:$0x0] =	sbarrier.arrive $0xFFFF  }
0x143: {  	_ =	strace $0x9000004A  }
0x144: {  	s0 =	stileid.u32;
	[bflag:$0x2] =	sbarrier.arrive $0xFFFF  }
0x145: {  	p0 =	sne.s32 s0, $0x0;
	s0 =	rddreg [dreg:$0x3]  }
0x146: {  	s0 =	sadd.s32 @!p0 $0x100000, s0  }
0x147: {  	[sflag:s0] =	ssyncadd.tile.s32 @!p0 $0x1;
	_ =	shalt  }
.Lfunc_end2:
_tile_overlayer_lowered:
.L_overlay_start_2:
0x148: {  	(tag) =	ssettag $0x2  }
0x149: {  	s0 =	rddreg [dreg:$0x0];
	s2 =	stileid.u32  }
0x14a: {  	s1 =	rddreg [dreg:$0x1];
	p0 =	sne.s32 s2, $0x0  }
0x14b: {  	s3 =	rddreg [dreg:$0x2];
	[bflag:$0x3] =	sbarrier.arrive $0xFFFF;
	s2 =	simm.s32 @!p0 $0x1C0A  }
0x14c: {  	[timem:s3], [sflag:s2] =	dma.local @!p0 [hbm:s0], s1  }
0x14d: {  	s0 =	simm.s32 @!p0 $0xA  }
0x14e: {  	_ =	swait.ge @!p0 [sflag:s0], s1  }
0x14f: {  	s1 =	ssub.s32 @!p0 $0x0, s1;
	[sflag:s0] =	ssyncset.done @!p0 $0x0  }
0x150: {  	[sflag:s0] =	ssyncadd.s32 @!p0 s1  }
0x151: {  	[bflag:$0x3] =	sbarrier.arrive $0xFFFF  }
0x152: {  	_ =	shalt  }

</sc_bundles>
